<compile_context>
chip_gen: v7x
topology: tpu7x:2x2x1
jax: 0.10.2.dev20260603
libtpu: 0.0.44.dev20260713+nightly
codegen_flags: <defaults>
</compile_context>

<pallas_src>
import functools

import jax
import jax.numpy as jnp
from jax import lax
from jax.experimental import pallas as pl
from jax.experimental.pallas import tpu as pltpu
from jax.experimental.pallas import tpu_sc as plsc

N = 10000
NPAD = 10240
RB = 128
NBLK = NPAD // RB
K_NN = 8
STD_THRES = 2.0
RADIUS = 0.01
H, W = 256, 384
PIX = H * W
WORDS = 4 * PIX
NS = 16
PTS_PER_TILE = NPAD // NS
WCHUNKS = PTS_PER_TILE * 4 // 128
WROWS = 24
PIXW_PER_TILE = WORDS // NS
PPT = PIX // NS
NVEC = PPT // 16
PAD_COORD = 1e4


def _knn_body(pts_ref, ptsT_ref, sqc_ref, sqr_ref, out_ref, work_ref):
    bt = ptsT_ref[...]
    dot = lax.dot_general(pts_ref[...].astype(jnp.bfloat16),
                          bt.astype(jnp.bfloat16),
                          (((1,), (0,)), ((), ())),
                          preferred_element_type=jnp.float32)
    work_ref[...] = (sqc_ref[...] + sqr_ref[...]) - 2.0 * dot

    inf8 = jnp.full((8, 128), jnp.inf, jnp.float32)
    lists = (inf8,) * (2 * (K_NN + 1))

    def insert(i, ls):
        la = list(ls[:K_NN + 1])
        lb = list(ls[K_NN + 1:])
        base = i * 64
        for j in range(0, 8, 2):
            va = work_ref[pl.ds(base + j * 8, 8), :]
            vb = work_ref[pl.ds(base + (j + 1) * 8, 8), :]
            la[K_NN] = jnp.minimum(la[K_NN], va)
            lb[K_NN] = jnp.minimum(lb[K_NN], vb)
            for t in range(K_NN, 0, -1):
                loa = jnp.minimum(la[t - 1], la[t])
                hia = jnp.maximum(la[t - 1], la[t])
                lob = jnp.minimum(lb[t - 1], lb[t])
                hib = jnp.maximum(lb[t - 1], lb[t])
                la[t - 1], la[t] = loa, hia
                lb[t - 1], lb[t] = lob, hib
        return tuple(la) + tuple(lb)

    lists = lax.fori_loop(0, NPAD // 64, insert, lists)
    small = jnp.concatenate(lists, axis=0)

    taken = jnp.zeros((1, 128), jnp.float32)
    s9 = jnp.zeros((1, 128), jnp.float32)
    m0 = None
    for p in range(K_NN + 1):
        m = jnp.min(small, axis=0, keepdims=True)
        if p == 0:
            m0 = m
        eq = small == m
        c = jnp.sum(eq.astype(jnp.float32), axis=0, keepdims=True)
        rem = (K_NN + 1.0) - taken
        take = jnp.minimum(c, rem)
        contrib = jnp.where(rem > 0.0, take * jnp.maximum(m, 0.0), 0.0)
        s9 = s9 + contrib
        taken = taken + take
        if p < K_NN:
            small = jnp.where(eq, jnp.float32(jnp.inf), small)
    out_ref[...] = ((s9 - jnp.maximum(m0, 0.0)) * (1.0 / K_NN)).reshape(
        1, 1, 128)


def _knn_call(pts, ptsT, sqc, sqr):
    return pl.pallas_call(
        _knn_body,
        grid=(NPAD // 128,),
        in_specs=[
            pl.BlockSpec((NPAD, 8), lambda i: (0, 0)),
            pl.BlockSpec((8, 128), lambda i: (0, i)),
            pl.BlockSpec((NPAD, 1), lambda i: (0, 0)),
            pl.BlockSpec((1, 128), lambda i: (0, i)),
        ],
        out_specs=pl.BlockSpec((1, 1, 128), lambda i: (i, 0, 0)),
        out_shape=jax.ShapeDtypeStruct((NPAD // 128, 1, 128), jnp.float32),
        scratch_shapes=[pltpu.VMEM((NPAD, 128), jnp.float32)],
    )(pts, ptsT, sqc, sqr)


def _proj_body(avg_ref, p6_ref, cam_ref, vals_ref, idx_ref):
    avg = avg_ref[...]
    rows = lax.broadcasted_iota(jnp.int32, (80, 128), 0)
    cols = lax.broadcasted_iota(jnp.int32, (80, 128), 1)
    lin = rows * 128 + cols
    valid_pt = lin < N
    bits = lax.bitcast_convert_type(avg, jnp.int32)

    def select(kth):
        ans = jnp.int32(0)
        for b in range(30, -1, -1):
            t = ans + jnp.int32(1 << b)
            cnt = jnp.sum(jnp.where((bits < t) & valid_pt, 1, 0))
            ans = jnp.where(cnt < kth, t, ans)
        return ans

    lo = lax.bitcast_convert_type(select(N // 2), jnp.float32)
    hi = lax.bitcast_convert_type(select(N // 2 + 1), jnp.float32)
    med = (lo + hi) * 0.5
    vf = valid_pt.astype(jnp.float32)
    mean = jnp.sum(avg * vf) * (1.0 / N)
    var = jnp.sum(jnp.where(valid_pt, (avg - mean) * (avg - mean), 0.0)) * (1.0 / (N - 1))
    thres = med + jnp.sqrt(var) * STD_THRES
    pw = jnp.where((avg < thres) & valid_pt, 1.0, 0.0)

    camx = p6_ref[0]
    camy = p6_ref[1]
    camz = p6_ref[2]
    pr = p6_ref[3]
    pg = p6_ref[4]
    pb = p6_ref[5]
    c = cam_ref[...]
    k00, k02, k11, k12 = c[0, 0], c[0, 1], c[0, 2], c[0, 3]

    zs = jnp.where(jnp.abs(camz) < 1e-8, 1e-8, camz)
    u = k00 * camx / zs + k02
    v = k11 * camy / zs + k12
    valid = (camz > 1e-6) & (u >= 0.0) & (u < float(W)) & (v >= 0.0) & (v < float(H))
    ui = jnp.clip(jnp.floor(u + 0.5), 0.0, float(W - 1))
    vi = jnp.clip(jnp.floor(v + 0.5), 0.0, float(H - 1))
    rad_px = max(RADIUS * 0.5 * max(H, W), 1.5)
    du = u - ui
    dv = v - vi
    wgt = jnp.maximum(1.0 - (du * du + dv * dv) / (rad_px * rad_px), 0.0)
    wgt = wgt * valid.astype(jnp.float32) * pw
    vals_ref[0] = wgt * pr
    vals_ref[1] = wgt * pg
    vals_ref[2] = wgt * pb
    vals_ref[3] = wgt
    idx_ref[...] = (vi * float(W) + ui).astype(jnp.int32)


def _proj_call(avg2, p6, cam):
    return pl.pallas_call(
        _proj_body,
        out_shape=[
            jax.ShapeDtypeStruct((4, 80, 128), jnp.float32),
            jax.ShapeDtypeStruct((80, 128), jnp.int32),
        ],
    )(avg2, p6, cam)


def _sc_body(idxw_hbm, valsw_hbm, zeros_hbm, out_hbm,
             idx_v, vals_v, work_v, acc):
    sid = lax.axis_index("s")
    wbase = sid * PIXW_PER_TILE
    pltpu.sync_copy(zeros_hbm.at[pl.ds(wbase, PIXW_PER_TILE)],
                    acc.at[pl.ds(wbase, PIXW_PER_TILE)])
    pltpu.sync_copy(idxw_hbm.at[pl.ds(sid * WROWS, WROWS)], idx_v)
    pltpu.sync_copy(valsw_hbm.at[pl.ds(sid * WROWS, WROWS)], vals_v)
    plsc.subcore_barrier()
    for j in range(WCHUNKS):
        pltpu.sync_copy(vals_v.at[j], acc.at[idx_v.at[j]], add=True)
    plsc.subcore_barrier()
    pbase = sid * PPT
    for ch in range(4):
        pltpu.sync_copy(acc.at[pl.ds(ch * PIX + pbase, PPT)],
                        work_v.at[pl.ds(ch * PPT, PPT)])

    def body(i, carry):
        o = i * 16
        den = work_v[pl.ds(3 * PPT + o, 16)]
        dsafe = jnp.maximum(den, 1e-8)
        work_v[pl.ds(0 * PPT + o, 16)] = work_v[pl.ds(0 * PPT + o, 16)] / dsafe
        work_v[pl.ds(1 * PPT + o, 16)] = work_v[pl.ds(1 * PPT + o, 16)] / dsafe
        work_v[pl.ds(2 * PPT + o, 16)] = work_v[pl.ds(2 * PPT + o, 16)] / dsafe
        work_v[pl.ds(3 * PPT + o, 16)] = jnp.where(
            den > 0.0, jnp.float32(1.0), jnp.float32(0.0))
        return carry

    lax.fori_loop(0, NVEC, body, 0)
    for ch in range(4):
        pltpu.sync_copy(work_v.at[pl.ds(ch * PPT, PPT)],
                        out_hbm.at[pl.ds(ch * PIX + pbase, PPT)])


@functools.cache
def _sc_render():
    mesh = plsc.VectorSubcoreMesh(
        core_axis_name="c", subcore_axis_name="s", num_cores=1,
        num_subcores=NS)
    return pl.kernel(
        _sc_body,
        out_type=jax.ShapeDtypeStruct((WORDS,), jnp.float32),
        mesh=mesh,
        scratch_types=[
            pltpu.VMEM((WROWS, 128), jnp.int32),
            pltpu.VMEM((WROWS, 128), jnp.float32),
            pltpu.VMEM((PIXW_PER_TILE,), jnp.float32),
            pltpu.VMEM_SHARED((WORDS,), jnp.float32),
        ],
    )


def kernel(tgt_h, tgt_w, flat_tgt_cam, st_pcl_rgb):
    f32 = jnp.float32
    pcl = st_pcl_rgb[:, :3]
    rgb = st_pcl_rgb[:, 3:]
    Kmat = flat_tgt_cam[2:18].reshape(4, 4)
    c2w = flat_tgt_cam[18:34].reshape(4, 4)
    w2c = jnp.linalg.inv(c2w)

    p3 = jnp.concatenate([pcl, jnp.full((NPAD - N, 3), PAD_COORD, f32)], axis=0)
    pts = jnp.pad(p3, ((0, 0), (0, 5)))
    sqv = jnp.sum(p3 * p3, axis=1)
    avg = _knn_call(pts, pts.T, sqv.reshape(NPAD, 1),
                    sqv.reshape(1, NPAD))

    rgbp = jnp.concatenate([rgb, jnp.zeros((NPAD - N, 3), f32)], axis=0)
    camf = pcl @ w2c[:3, :3].T + w2c[:3, 3]
    camp = jnp.concatenate(
        [camf, jnp.full((NPAD - N, 3), PAD_COORD, f32)], axis=0)
    p6 = jnp.concatenate([camp, rgbp], axis=1).T.reshape(6, 80, 128)
    cam_vec = jnp.stack(
        [Kmat[0, 0], Kmat[0, 2], Kmat[1, 1], Kmat[1, 2]])
    cam = jnp.pad(cam_vec.astype(f32), (0, 124)).reshape(1, 128)
    vals4, idx = _proj_call(avg.reshape(80, 128), p6, cam)

    fidx = idx.reshape(NPAD)
    valsw = vals4.reshape(4, NPAD).T.reshape(NS, WCHUNKS, 128)
    valsw = jnp.pad(valsw, ((0, 0), (0, WROWS - WCHUNKS), (0, 0))).reshape(
        NS * WROWS, 128)
    idxw = (fidx[:, None]
            + (jnp.arange(4, dtype=jnp.int32) * PIX)[None, :]).reshape(
                NS, WCHUNKS, 128)
    idxw = jnp.pad(idxw, ((0, 0), (0, WROWS - WCHUNKS), (0, 0))).reshape(
        NS * WROWS, 128)
    zeros = jnp.zeros((WORDS,), f32)
    out = _sc_render()(idxw, valsw, zeros)
    arr = out.reshape(4, H, W)
    mesh_img = jnp.transpose(arr[:3], (1, 2, 0))
    mesh_mask = arr[3][:, :, None]
    return (mesh_img, mesh_mask)

# --- scband reference (transcript-rebuilt; emitter-appended) ---
"""Pipeline reference for scband-static-geo-point-renderer-70660801954133 (READ-ONLY COPY).

The authoritative reference and input builder live on the scoring server;
editing this copy changes nothing except your own understanding.
"""

import jax, jax.numpy as jnp
import numpy as np

N = 10000
KNN = 8                 # render_cfg.st_pcl_outlier_knn
STD_THRES = 2.0         # render_cfg.st_pcl_outlier_std_thres
RADIUS = 0.01           # render_cfg.st_render_pcl_pt_radius (NDC units)

TGT_H_STATIC = 256
TGT_W_STATIC = 384


def setup_inputs(seed: int = 0) -> dict:
    key = jax.random.key(seed)
    k1, k2 = jax.random.split(key)
    tgt_h, tgt_w = 256, 384
    pcl = jax.random.uniform(k1, (N, 3), dtype=jnp.float32)
    rgb = jax.random.uniform(k2, (N, 3), dtype=jnp.float32)
    st_pcl_rgb = jnp.concatenate([pcl, rgb], axis=1)
    fx = fy = 300.0
    cx, cy = tgt_w / 2.0, tgt_h / 2.0
    Kmat = np.array([[fx, 0, cx, 0], [0, fy, cy, 0], [0, 0, 1, 0], [0, 0, 0, 1]], dtype=np.float32)
    c2w = np.eye(4, dtype=np.float32)
    c2w[:3, 3] = [0.5, 0.5, -2.0]  # camera behind the unit cube, looking +z (opencv)
    flat = np.zeros(34, dtype=np.float32)
    flat[0], flat[1] = tgt_h, tgt_w
    flat[2:18] = Kmat.reshape(-1)
    flat[18:34] = c2w.reshape(-1)
    return {"tgt_h": tgt_h, "tgt_w": tgt_w, "flat_tgt_cam": jnp.asarray(flat), "st_pcl_rgb": st_pcl_rgb}


def _knn_outlier_flag(pcl):
    # brute-force knn_points(pcl, pcl, K=KNN+1) -> squared distances
    sq = jnp.sum(pcl * pcl, axis=1)
    d2 = sq[:, None] + sq[None, :] - 2.0 * (pcl @ pcl.T)
    neg_d, _ = jax.lax.top_k(-d2, KNN + 1)
    nn_dists = jnp.maximum(-neg_d[:, 1:], 0.0)  # drop self-match
    avg_nn_dist = jnp.mean(nn_dists, axis=1)
    med = jnp.median(avg_nn_dist)
    std = jnp.std(avg_nn_dist, ddof=1)  # torch.std default: unbiased
    thres = med + std * STD_THRES
    return avg_nn_dist < thres


def _render(pcl, feats, Kmat, w2c, tgt_h, tgt_w, point_w, h_static, w_static):
    cam = pcl @ w2c[:3, :3].T + w2c[:3, 3]
    z = cam[:, 2]
    zs = jnp.where(jnp.abs(z) < 1e-8, 1e-8, z)
    u = Kmat[0, 0] * cam[:, 0] / zs + Kmat[0, 2]
    v = Kmat[1, 1] * cam[:, 1] / zs + Kmat[1, 2]
    valid = (z > 1e-6) & (u >= 0) & (u < tgt_w) & (v >= 0) & (v < tgt_h)
    ui = jnp.clip(jnp.floor(u + 0.5), 0, tgt_w - 1)
    vi = jnp.clip(jnp.floor(v + 0.5), 0, tgt_h - 1)
    rad_px = max(RADIUS * 0.5 * max(h_static, w_static), 1.5)
    du, dv = u - ui, v - vi
    w = jnp.maximum(1.0 - (du * du + dv * dv) / (rad_px * rad_px), 0.0) * valid.astype(jnp.float32)
    w = w * point_w
    flat_idx = (vi * tgt_w + ui).astype(jnp.int32)
    num = jnp.zeros((h_static * w_static, feats.shape[1]), jnp.float32).at[flat_idx].add(w[:, None] * feats)
    den = jnp.zeros((h_static * w_static,), jnp.float32).at[flat_idx].add(w)
    out = num / jnp.maximum(den, 1e-8)[:, None]
    return out.reshape(h_static, w_static, feats.shape[1])


def reference(tgt_h, tgt_w, flat_tgt_cam, st_pcl_rgb):
    st_pcl = st_pcl_rgb[:, :3]
    st_rgb = st_pcl_rgb[:, 3:]
    flag_not_outlier = _knn_outlier_flag(st_pcl)
    point_w = flag_not_outlier.astype(jnp.float32)
    Kmat = flat_tgt_cam[2:18].reshape(4, 4)
    c2w = flat_tgt_cam[18:34].reshape(4, 4)
    w2c = jnp.linalg.inv(c2w)
    mesh_img = _render(st_pcl, st_rgb, Kmat, w2c, tgt_h, tgt_w, point_w, TGT_H_STATIC, TGT_W_STATIC)
    ones_img = _render(st_pcl, jnp.ones_like(st_rgb), Kmat, w2c, tgt_h, tgt_w, point_w, TGT_H_STATIC, TGT_W_STATIC)
    mesh_mask = (ones_img[:, :, :1] > 0.0).astype(jnp.float32)
    return (mesh_img, mesh_mask)

if __name__ == "__main__":
    import jax
    _d = setup_inputs()
    print(jax.jit(kernel)(*tuple(_d.values())))

</pallas_src>

<mosaic_0001>
#map = affine_map<(d0, d1) -> (0, 0)>
#map1 = affine_map<(d0, d1) -> (0)>
module attributes {stable_mosaic.version = 14 : i64} {
  func.func @_sc_body(%arg0: i32, %arg1: i32, %arg2: memref<384x128xi32, #tpu.memory_space<hbm>>, %arg3: memref<384x128xf32, #tpu.memory_space<hbm>>, %arg4: memref<393216xf32, #tpu.memory_space<hbm>>, %arg5: memref<393216xf32, #tpu.memory_space<hbm>>, %arg6: memref<24x128xi32, #tpu.memory_space<vmem>>, %arg7: memref<24x128xf32, #tpu.memory_space<vmem>>, %arg8: memref<24576xf32, #tpu.memory_space<vmem>>, %arg9: memref<393216xf32, #tpu.memory_space<vmem_shared>>) attributes {dimension_semantics = [#tpu.dimension_semantics<core_parallel>, #tpu.dimension_semantics<subcore_parallel>], iteration_bounds = array<i64: 1, 16>, scalar_prefetch = 0 : i64, scratch_operands = 4 : i64, tpu.core_type = #tpu.core_type<sc_vector_subcore>, window_params = [{transform_indices = #map}, {transform_indices = #map}, {transform_indices = #map1}, {transform_indices = #map1}]} {
    %mul3A = arith.constant 24576 : i32
    %mul3A_0 = arith.muli %arg1, %mul3A : i32
    "tpu.region"() ({
      %run_scoped3A_67 = tpu.sem_alloc : memref<!tpu.dma_semaphore, #tpu.memory_space<semaphore_mem>>
      %dma_start3A = tpu.memref_slice %arg9[%mul3A_0] : memref<393216xf32, #tpu.memory_space<vmem_shared>> -> memref<24576xf32, #tpu.memory_space<vmem_shared>>
      %dma_start3A_68 = tpu.memref_slice %arg4[%mul3A_0] : memref<393216xf32, #tpu.memory_space<hbm>> -> memref<24576xf32, #tpu.memory_space<hbm>>
      tpu.enqueue_dma source(%dma_start3A_68 : memref<24576xf32, #tpu.memory_space<hbm>>) target(%dma_start3A : memref<24576xf32, #tpu.memory_space<vmem_shared>>) target_semaphore(%run_scoped3A_67 : memref<!tpu.dma_semaphore, #tpu.memory_space<semaphore_mem>>)
      %dma_wait3A = tpu.memref_slice %arg9[%mul3A_0] : memref<393216xf32, #tpu.memory_space<vmem_shared>> -> memref<24576xf32, #tpu.memory_space<vmem_shared>>
      %dma_wait3A_69 = tpu.memref_slice %arg4[%mul3A_0] : memref<393216xf32, #tpu.memory_space<hbm>> -> memref<24576xf32, #tpu.memory_space<hbm>>
      tpu.wait_dma2 semaphore(%run_scoped3A_67 : memref<!tpu.dma_semaphore, #tpu.memory_space<semaphore_mem>>) src(%dma_wait3A_69 : memref<24576xf32, #tpu.memory_space<hbm>>) dst(%dma_wait3A : memref<24576xf32, #tpu.memory_space<vmem_shared>>)
      tpu.yield
    }) : () -> ()
    %mul3A_1 = arith.constant 24 : i32
    %mul3A_2 = arith.muli %arg1, %mul3A_1 : i32
    "tpu.region"() ({
      %run_scoped3A_67 = tpu.sem_alloc : memref<!tpu.dma_semaphore, #tpu.memory_space<semaphore_mem>>
      %dma_start3A = arith.constant 0 : i32
      %dma_start3A_68 = tpu.memref_slice %arg2[%mul3A_2, %dma_start3A] : memref<384x128xi32, #tpu.memory_space<hbm>> -> memref<24x128xi32, #tpu.memory_space<hbm>>
      %dma_start3A_69 = arith.constant 0 : i32
      %dma_start3A_70 = tpu.memref_slice %arg2[%mul3A_2, %dma_start3A_69] : memref<384x128xi32, #tpu.memory_space<hbm>> -> memref<24x128xi32, #tpu.memory_space<hbm>>
      tpu.enqueue_dma source(%dma_start3A_70 : memref<24x128xi32, #tpu.memory_space<hbm>>) target(%arg6 : memref<24x128xi32, #tpu.memory_space<vmem>>) target_semaphore(%run_scoped3A_67 : memref<!tpu.dma_semaphore, #tpu.memory_space<semaphore_mem>>)
      %dma_wait3A = arith.constant 0 : i32
      %dma_wait3A_71 = tpu.memref_slice %arg2[%mul3A_2, %dma_wait3A] : memref<384x128xi32, #tpu.memory_space<hbm>> -> memref<24x128xi32, #tpu.memory_space<hbm>>
      %dma_wait3A_72 = arith.constant 0 : i32
      %dma_wait3A_73 = tpu.memref_slice %arg2[%mul3A_2, %dma_wait3A_72] : memref<384x128xi32, #tpu.memory_space<hbm>> -> memref<24x128xi32, #tpu.memory_space<hbm>>
      tpu.wait_dma2 semaphore(%run_scoped3A_67 : memref<!tpu.dma_semaphore, #tpu.memory_space<semaphore_mem>>) src(%dma_wait3A_73 : memref<24x128xi32, #tpu.memory_space<hbm>>) dst(%arg6 : memref<24x128xi32, #tpu.memory_space<vmem>>)
      tpu.yield
    }) : () -> ()
    %mul3A_3 = arith.constant 24 : i32
    %mul3A_4 = arith.muli %arg1, %mul3A_3 : i32
    "tpu.region"() ({
      %run_scoped3A_67 = tpu.sem_alloc : memref<!tpu.dma_semaphore, #tpu.memory_space<semaphore_mem>>
      %dma_start3A = arith.constant 0 : i32
      %dma_start3A_68 = tpu.memref_slice %arg3[%mul3A_4, %dma_start3A] : memref<384x128xf32, #tpu.memory_space<hbm>> -> memref<24x128xf32, #tpu.memory_space<hbm>>
      %dma_start3A_69 = arith.constant 0 : i32
      %dma_start3A_70 = tpu.memref_slice %arg3[%mul3A_4, %dma_start3A_69] : memref<384x128xf32, #tpu.memory_space<hbm>> -> memref<24x128xf32, #tpu.memory_space<hbm>>
      tpu.enqueue_dma source(%dma_start3A_70 : memref<24x128xf32, #tpu.memory_space<hbm>>) target(%arg7 : memref<24x128xf32, #tpu.memory_space<vmem>>) target_semaphore(%run_scoped3A_67 : memref<!tpu.dma_semaphore, #tpu.memory_space<semaphore_mem>>)
      %dma_wait3A = arith.constant 0 : i32
      %dma_wait3A_71 = tpu.memref_slice %arg3[%mul3A_4, %dma_wait3A] : memref<384x128xf32, #tpu.memory_space<hbm>> -> memref<24x128xf32, #tpu.memory_space<hbm>>
      %dma_wait3A_72 = arith.constant 0 : i32
      %dma_wait3A_73 = tpu.memref_slice %arg3[%mul3A_4, %dma_wait3A_72] : memref<384x128xf32, #tpu.memory_space<hbm>> -> memref<24x128xf32, #tpu.memory_space<hbm>>
      tpu.wait_dma2 semaphore(%run_scoped3A_67 : memref<!tpu.dma_semaphore, #tpu.memory_space<semaphore_mem>>) src(%dma_wait3A_73 : memref<24x128xf32, #tpu.memory_space<hbm>>) dst(%arg7 : memref<24x128xf32, #tpu.memory_space<vmem>>)
      tpu.yield
    }) : () -> ()
    %barrier3A = arith.constant 0 : index
    tpu.barrier barrier_id(%barrier3A)
    %run_scoped3A = arith.constant 0 : i32
    %run_scoped3A_5 = arith.constant 0 : i32
    "tpu.region"() ({
      %run_scoped3A_67 = tpu.sem_alloc : memref<!tpu.dma_semaphore, #tpu.memory_space<semaphore_mem>>
      %dma_start3A = arith.constant 0 : i32
      %dma_start3A_68 = tpu.memref_slice %arg7[%run_scoped3A, %dma_start3A] : memref<24x128xf32, #tpu.memory_space<vmem>> -> memref<1x128xf32, #tpu.memory_space<vmem>>
      %dma_start3A_69 = tpu.memref_squeeze %dma_start3A_68 : memref<1x128xf32, #tpu.memory_space<vmem>> -> memref<128xf32, #tpu.memory_space<vmem>>
      %dma_start3A_70 = arith.constant 0 : i32
      %dma_start3A_71 = tpu.memref_slice %arg6[%run_scoped3A_5, %dma_start3A_70] : memref<24x128xi32, #tpu.memory_space<vmem>> -> memref<1x128xi32, #tpu.memory_space<vmem>>
      %dma_start3A_72 = tpu.memref_squeeze %dma_start3A_71 : memref<1x128xi32, #tpu.memory_space<vmem>> -> memref<128xi32, #tpu.memory_space<vmem>>
      %dma_start3A_73 = arith.constant 0 : i32
      %dma_start3A_74 = tpu.memref_slice %arg9[%dma_start3A_73] : memref<393216xf32, #tpu.memory_space<vmem_shared>> -> memref<393216xf32, #tpu.memory_space<vmem_shared>>
      tpu.enqueue_indirect_dma source(%dma_start3A_69 : memref<128xf32, #tpu.memory_space<vmem>>) target(%dma_start3A_74 : memref<393216xf32, #tpu.memory_space<vmem_shared>>) offsets(%dma_start3A_72 : memref<128xi32, #tpu.memory_space<vmem>>) semaphore(%run_scoped3A_67 : memref<!tpu.dma_semaphore, #tpu.memory_space<semaphore_mem>>) {add = true}
      %dma_wait3A = arith.constant 0 : i32
      %dma_wait3A_75 = tpu.memref_slice %arg7[%run_scoped3A, %dma_wait3A] : memref<24x128xf32, #tpu.memory_space<vmem>> -> memref<1x128xf32, #tpu.memory_space<vmem>>
      %dma_wait3A_76 = tpu.memref_squeeze %dma_wait3A_75 : memref<1x128xf32, #tpu.memory_space<vmem>> -> memref<128xf32, #tpu.memory_space<vmem>>
      %dma_wait3A_77 = arith.constant 0 : i32
      %dma_wait3A_78 = tpu.memref_slice %arg6[%run_scoped3A_5, %dma_wait3A_77] : memref<24x128xi32, #tpu.memory_space<vmem>> -> memref<1x128xi32, #tpu.memory_space<vmem>>
      %dma_wait3A_79 = tpu.memref_squeeze %dma_wait3A_78 : memref<1x128xi32, #tpu.memory_space<vmem>> -> memref<128xi32, #tpu.memory_space<vmem>>
      %dma_wait3A_80 = arith.constant 0 : i32
      %dma_wait3A_81 = tpu.memref_slice %arg9[%dma_wait3A_80] : memref<393216xf32, #tpu.memory_space<vmem_shared>> -> memref<393216xf32, #tpu.memory_space<vmem_shared>>
      tpu.wait_indirect_dma semaphore(%run_scoped3A_67 : memref<!tpu.dma_semaphore, #tpu.memory_space<semaphore_mem>>) src(%dma_wait3A_76 : memref<128xf32, #tpu.memory_space<vmem>>) dst(%dma_wait3A_81 : memref<393216xf32, #tpu.memory_space<vmem_shared>>)
      tpu.yield
    }) : () -> ()
    %run_scoped3A_6 = arith.constant 1 : i32
    %run_scoped3A_7 = arith.constant 1 : i32
    "tpu.region"() ({
      %run_scoped3A_67 = tpu.sem_alloc : memref<!tpu.dma_semaphore, #tpu.memory_space<semaphore_mem>>
      %dma_start3A = arith.constant 0 : i32
      %dma_start3A_68 = tpu.memref_slice %arg7[%run_scoped3A_6, %dma_start3A] : memref<24x128xf32, #tpu.memory_space<vmem>> -> memref<1x128xf32, #tpu.memory_space<vmem>>
      %dma_start3A_69 = tpu.memref_squeeze %dma_start3A_68 : memref<1x128xf32, #tpu.memory_space<vmem>> -> memref<128xf32, #tpu.memory_space<vmem>>
      %dma_start3A_70 = arith.constant 0 : i32
      %dma_start3A_71 = tpu.memref_slice %arg6[%run_scoped3A_7, %dma_start3A_70] : memref<24x128xi32, #tpu.memory_space<vmem>> -> memref<1x128xi32, #tpu.memory_space<vmem>>
      %dma_start3A_72 = tpu.memref_squeeze %dma_start3A_71 : memref<1x128xi32, #tpu.memory_space<vmem>> -> memref<128xi32, #tpu.memory_space<vmem>>
      %dma_start3A_73 = arith.constant 0 : i32
      %dma_start3A_74 = tpu.memref_slice %arg9[%dma_start3A_73] : memref<393216xf32, #tpu.memory_space<vmem_shared>> -> memref<393216xf32, #tpu.memory_space<vmem_shared>>
      tpu.enqueue_indirect_dma source(%dma_start3A_69 : memref<128xf32, #tpu.memory_space<vmem>>) target(%dma_start3A_74 : memref<393216xf32, #tpu.memory_space<vmem_shared>>) offsets(%dma_start3A_72 : memref<128xi32, #tpu.memory_space<vmem>>) semaphore(%run_scoped3A_67 : memref<!tpu.dma_semaphore, #tpu.memory_space<semaphore_mem>>) {add = true}
      %dma_wait3A = arith.constant 0 : i32
      %dma_wait3A_75 = tpu.memref_slice %arg7[%run_scoped3A_6, %dma_wait3A] : memref<24x128xf32, #tpu.memory_space<vmem>> -> memref<1x128xf32, #tpu.memory_space<vmem>>
      %dma_wait3A_76 = tpu.memref_squeeze %dma_wait3A_75 : memref<1x128xf32, #tpu.memory_space<vmem>> -> memref<128xf32, #tpu.memory_space<vmem>>
      %dma_wait3A_77 = arith.constant 0 : i32
      %dma_wait3A_78 = tpu.memref_slice %arg6[%run_scoped3A_7, %dma_wait3A_77] : memref<24x128xi32, #tpu.memory_space<vmem>> -> memref<1x128xi32, #tpu.memory_space<vmem>>
      %dma_wait3A_79 = tpu.memref_squeeze %dma_wait3A_78 : memref<1x128xi32, #tpu.memory_space<vmem>> -> memref<128xi32, #tpu.memory_space<vmem>>
      %dma_wait3A_80 = arith.constant 0 : i32
      %dma_wait3A_81 = tpu.memref_slice %arg9[%dma_wait3A_80] : memref<393216xf32, #tpu.memory_space<vmem_shared>> -> memref<393216xf32, #tpu.memory_space<vmem_shared>>
      tpu.wait_indirect_dma semaphore(%run_scoped3A_67 : memref<!tpu.dma_semaphore, #tpu.memory_space<semaphore_mem>>) src(%dma_wait3A_76 : memref<128xf32, #tpu.memory_space<vmem>>) dst(%dma_wait3A_81 : memref<393216xf32, #tpu.memory_space<vmem_shared>>)
      tpu.yield
    }) : () -> ()
    %run_scoped3A_8 = arith.constant 2 : i32
    %run_scoped3A_9 = arith.constant 2 : i32
    "tpu.region"() ({
      %run_scoped3A_67 = tpu.sem_alloc : memref<!tpu.dma_semaphore, #tpu.memory_space<semaphore_mem>>
      %dma_start3A = arith.constant 0 : i32
      %dma_start3A_68 = tpu.memref_slice %arg7[%run_scoped3A_8, %dma_start3A] : memref<24x128xf32, #tpu.memory_space<vmem>> -> memref<1x128xf32, #tpu.memory_space<vmem>>
      %dma_start3A_69 = tpu.memref_squeeze %dma_start3A_68 : memref<1x128xf32, #tpu.memory_space<vmem>> -> memref<128xf32, #tpu.memory_space<vmem>>
      %dma_start3A_70 = arith.constant 0 : i32
      %dma_start3A_71 = tpu.memref_slice %arg6[%run_scoped3A_9, %dma_start3A_70] : memref<24x128xi32, #tpu.memory_space<vmem>> -> memref<1x128xi32, #tpu.memory_space<vmem>>
      %dma_start3A_72 = tpu.memref_squeeze %dma_start3A_71 : memref<1x128xi32, #tpu.memory_space<vmem>> -> memref<128xi32, #tpu.memory_space<vmem>>
      %dma_start3A_73 = arith.constant 0 : i32
      %dma_start3A_74 = tpu.memref_slice %arg9[%dma_start3A_73] : memref<393216xf32, #tpu.memory_space<vmem_shared>> -> memref<393216xf32, #tpu.memory_space<vmem_shared>>
      tpu.enqueue_indirect_dma source(%dma_start3A_69 : memref<128xf32, #tpu.memory_space<vmem>>) target(%dma_start3A_74 : memref<393216xf32, #tpu.memory_space<vmem_shared>>) offsets(%dma_start3A_72 : memref<128xi32, #tpu.memory_space<vmem>>) semaphore(%run_scoped3A_67 : memref<!tpu.dma_semaphore, #tpu.memory_space<semaphore_mem>>) {add = true}
      %dma_wait3A = arith.constant 0 : i32
      %dma_wait3A_75 = tpu.memref_slice %arg7[%run_scoped3A_8, %dma_wait3A] : memref<24x128xf32, #tpu.memory_space<vmem>> -> memref<1x128xf32, #tpu.memory_space<vmem>>
      %dma_wait3A_76 = tpu.memref_squeeze %dma_wait3A_75 : memref<1x128xf32, #tpu.memory_space<vmem>> -> memref<128xf32, #tpu.memory_space<vmem>>
      %dma_wait3A_77 = arith.constant 0 : i32
      %dma_wait3A_78 = tpu.memref_slice %arg6[%run_scoped3A_9, %dma_wait3A_77] : memref<24x128xi32, #tpu.memory_space<vmem>> -> memref<1x128xi32, #tpu.memory_space<vmem>>
      %dma_wait3A_79 = tpu.memref_squeeze %dma_wait3A_78 : memref<1x128xi32, #tpu.memory_space<vmem>> -> memref<128xi32, #tpu.memory_space<vmem>>
      %dma_wait3A_80 = arith.constant 0 : i32
      %dma_wait3A_81 = tpu.memref_slice %arg9[%dma_wait3A_80] : memref<393216xf32, #tpu.memory_space<vmem_shared>> -> memref<393216xf32, #tpu.memory_space<vmem_shared>>
      tpu.wait_indirect_dma semaphore(%run_scoped3A_67 : memref<!tpu.dma_semaphore, #tpu.memory_space<semaphore_mem>>) src(%dma_wait3A_76 : memref<128xf32, #tpu.memory_space<vmem>>) dst(%dma_wait3A_81 : memref<393216xf32, #tpu.memory_space<vmem_shared>>)
      tpu.yield
    }) : () -> ()
    %run_scoped3A_10 = arith.constant 3 : i32
    %run_scoped3A_11 = arith.constant 3 : i32
    "tpu.region"() ({
      %run_scoped3A_67 = tpu.sem_alloc : memref<!tpu.dma_semaphore, #tpu.memory_space<semaphore_mem>>
      %dma_start3A = arith.constant 0 : i32
      %dma_start3A_68 = tpu.memref_slice %arg7[%run_scoped3A_10, %dma_start3A] : memref<24x128xf32, #tpu.memory_space<vmem>> -> memref<1x128xf32, #tpu.memory_space<vmem>>
      %dma_start3A_69 = tpu.memref_squeeze %dma_start3A_68 : memref<1x128xf32, #tpu.memory_space<vmem>> -> memref<128xf32, #tpu.memory_space<vmem>>
      %dma_start3A_70 = arith.constant 0 : i32
      %dma_start3A_71 = tpu.memref_slice %arg6[%run_scoped3A_11, %dma_start3A_70] : memref<24x128xi32, #tpu.memory_space<vmem>> -> memref<1x128xi32, #tpu.memory_space<vmem>>
      %dma_start3A_72 = tpu.memref_squeeze %dma_start3A_71 : memref<1x128xi32, #tpu.memory_space<vmem>> -> memref<128xi32, #tpu.memory_space<vmem>>
      %dma_start3A_73 = arith.constant 0 : i32
      %dma_start3A_74 = tpu.memref_slice %arg9[%dma_start3A_73] : memref<393216xf32, #tpu.memory_space<vmem_shared>> -> memref<393216xf32, #tpu.memory_space<vmem_shared>>
      tpu.enqueue_indirect_dma source(%dma_start3A_69 : memref<128xf32, #tpu.memory_space<vmem>>) target(%dma_start3A_74 : memref<393216xf32, #tpu.memory_space<vmem_shared>>) offsets(%dma_start3A_72 : memref<128xi32, #tpu.memory_space<vmem>>) semaphore(%run_scoped3A_67 : memref<!tpu.dma_semaphore, #tpu.memory_space<semaphore_mem>>) {add = true}
      %dma_wait3A = arith.constant 0 : i32
      %dma_wait3A_75 = tpu.memref_slice %arg7[%run_scoped3A_10, %dma_wait3A] : memref<24x128xf32, #tpu.memory_space<vmem>> -> memref<1x128xf32, #tpu.memory_space<vmem>>
      %dma_wait3A_76 = tpu.memref_squeeze %dma_wait3A_75 : memref<1x128xf32, #tpu.memory_space<vmem>> -> memref<128xf32, #tpu.memory_space<vmem>>
      %dma_wait3A_77 = arith.constant 0 : i32
      %dma_wait3A_78 = tpu.memref_slice %arg6[%run_scoped3A_11, %dma_wait3A_77] : memref<24x128xi32, #tpu.memory_space<vmem>> -> memref<1x128xi32, #tpu.memory_space<vmem>>
      %dma_wait3A_79 = tpu.memref_squeeze %dma_wait3A_78 : memref<1x128xi32, #tpu.memory_space<vmem>> -> memref<128xi32, #tpu.memory_space<vmem>>
      %dma_wait3A_80 = arith.constant 0 : i32
      %dma_wait3A_81 = tpu.memref_slice %arg9[%dma_wait3A_80] : memref<393216xf32, #tpu.memory_space<vmem_shared>> -> memref<393216xf32, #tpu.memory_space<vmem_shared>>
      tpu.wait_indirect_dma semaphore(%run_scoped3A_67 : memref<!tpu.dma_semaphore, #tpu.memory_space<semaphore_mem>>) src(%dma_wait3A_76 : memref<128xf32, #tpu.memory_space<vmem>>) dst(%dma_wait3A_81 : memref<393216xf32, #tpu.memory_space<vmem_shared>>)
      tpu.yield
    }) : () -> ()
    %run_scoped3A_12 = arith.constant 4 : i32
    %run_scoped3A_13 = arith.constant 4 : i32
    "tpu.region"() ({
      %run_scoped3A_67 = tpu.sem_alloc : memref<!tpu.dma_semaphore, #tpu.memory_space<semaphore_mem>>
      %dma_start3A = arith.constant 0 : i32
      %dma_start3A_68 = tpu.memref_slice %arg7[%run_scoped3A_12, %dma_start3A] : memref<24x128xf32, #tpu.memory_space<vmem>> -> memref<1x128xf32, #tpu.memory_space<vmem>>
      %dma_start3A_69 = tpu.memref_squeeze %dma_start3A_68 : memref<1x128xf32, #tpu.memory_space<vmem>> -> memref<128xf32, #tpu.memory_space<vmem>>
      %dma_start3A_70 = arith.constant 0 : i32
      %dma_start3A_71 = tpu.memref_slice %arg6[%run_scoped3A_13, %dma_start3A_70] : memref<24x128xi32, #tpu.memory_space<vmem>> -> memref<1x128xi32, #tpu.memory_space<vmem>>
      %dma_start3A_72 = tpu.memref_squeeze %dma_start3A_71 : memref<1x128xi32, #tpu.memory_space<vmem>> -> memref<128xi32, #tpu.memory_space<vmem>>
      %dma_start3A_73 = arith.constant 0 : i32
      %dma_start3A_74 = tpu.memref_slice %arg9[%dma_start3A_73] : memref<393216xf32, #tpu.memory_space<vmem_shared>> -> memref<393216xf32, #tpu.memory_space<vmem_shared>>
      tpu.enqueue_indirect_dma source(%dma_start3A_69 : memref<128xf32, #tpu.memory_space<vmem>>) target(%dma_start3A_74 : memref<393216xf32, #tpu.memory_space<vmem_shared>>) offsets(%dma_start3A_72 : memref<128xi32, #tpu.memory_space<vmem>>) semaphore(%run_scoped3A_67 : memref<!tpu.dma_semaphore, #tpu.memory_space<semaphore_mem>>) {add = true}
      %dma_wait3A = arith.constant 0 : i32
      %dma_wait3A_75 = tpu.memref_slice %arg7[%run_scoped3A_12, %dma_wait3A] : memref<24x128xf32, #tpu.memory_space<vmem>> -> memref<1x128xf32, #tpu.memory_space<vmem>>
      %dma_wait3A_76 = tpu.memref_squeeze %dma_wait3A_75 : memref<1x128xf32, #tpu.memory_space<vmem>> -> memref<128xf32, #tpu.memory_space<vmem>>
      %dma_wait3A_77 = arith.constant 0 : i32
      %dma_wait3A_78 = tpu.memref_slice %arg6[%run_scoped3A_13, %dma_wait3A_77] : memref<24x128xi32, #tpu.memory_space<vmem>> -> memref<1x128xi32, #tpu.memory_space<vmem>>
      %dma_wait3A_79 = tpu.memref_squeeze %dma_wait3A_78 : memref<1x128xi32, #tpu.memory_space<vmem>> -> memref<128xi32, #tpu.memory_space<vmem>>
      %dma_wait3A_80 = arith.constant 0 : i32
      %dma_wait3A_81 = tpu.memref_slice %arg9[%dma_wait3A_80] : memref<393216xf32, #tpu.memory_space<vmem_shared>> -> memref<393216xf32, #tpu.memory_space<vmem_shared>>
      tpu.wait_indirect_dma semaphore(%run_scoped3A_67 : memref<!tpu.dma_semaphore, #tpu.memory_space<semaphore_mem>>) src(%dma_wait3A_76 : memref<128xf32, #tpu.memory_space<vmem>>) dst(%dma_wait3A_81 : memref<393216xf32, #tpu.memory_space<vmem_shared>>)
      tpu.yield
    }) : () -> ()
    %run_scoped3A_14 = arith.constant 5 : i32
    %run_scoped3A_15 = arith.constant 5 : i32
    "tpu.region"() ({
      %run_scoped3A_67 = tpu.sem_alloc : memref<!tpu.dma_semaphore, #tpu.memory_space<semaphore_mem>>
      %dma_start3A = arith.constant 0 : i32
      %dma_start3A_68 = tpu.memref_slice %arg7[%run_scoped3A_14, %dma_start3A] : memref<24x128xf32, #tpu.memory_space<vmem>> -> memref<1x128xf32, #tpu.memory_space<vmem>>
      %dma_start3A_69 = tpu.memref_squeeze %dma_start3A_68 : memref<1x128xf32, #tpu.memory_space<vmem>> -> memref<128xf32, #tpu.memory_space<vmem>>
      %dma_start3A_70 = arith.constant 0 : i32
      %dma_start3A_71 = tpu.memref_slice %arg6[%run_scoped3A_15, %dma_start3A_70] : memref<24x128xi32, #tpu.memory_space<vmem>> -> memref<1x128xi32, #tpu.memory_space<vmem>>
      %dma_start3A_72 = tpu.memref_squeeze %dma_start3A_71 : memref<1x128xi32, #tpu.memory_space<vmem>> -> memref<128xi32, #tpu.memory_space<vmem>>
      %dma_start3A_73 = arith.constant 0 : i32
      %dma_start3A_74 = tpu.memref_slice %arg9[%dma_start3A_73] : memref<393216xf32, #tpu.memory_space<vmem_shared>> -> memref<393216xf32, #tpu.memory_space<vmem_shared>>
      tpu.enqueue_indirect_dma source(%dma_start3A_69 : memref<128xf32, #tpu.memory_space<vmem>>) target(%dma_start3A_74 : memref<393216xf32, #tpu.memory_space<vmem_shared>>) offsets(%dma_start3A_72 : memref<128xi32, #tpu.memory_space<vmem>>) semaphore(%run_scoped3A_67 : memref<!tpu.dma_semaphore, #tpu.memory_space<semaphore_mem>>) {add = true}
      %dma_wait3A = arith.constant 0 : i32
      %dma_wait3A_75 = tpu.memref_slice %arg7[%run_scoped3A_14, %dma_wait3A] : memref<24x128xf32, #tpu.memory_space<vmem>> -> memref<1x128xf32, #tpu.memory_space<vmem>>
      %dma_wait3A_76 = tpu.memref_squeeze %dma_wait3A_75 : memref<1x128xf32, #tpu.memory_space<vmem>> -> memref<128xf32, #tpu.memory_space<vmem>>
      %dma_wait3A_77 = arith.constant 0 : i32
      %dma_wait3A_78 = tpu.memref_slice %arg6[%run_scoped3A_15, %dma_wait3A_77] : memref<24x128xi32, #tpu.memory_space<vmem>> -> memref<1x128xi32, #tpu.memory_space<vmem>>
      %dma_wait3A_79 = tpu.memref_squeeze %dma_wait3A_78 : memref<1x128xi32, #tpu.memory_space<vmem>> -> memref<128xi32, #tpu.memory_space<vmem>>
      %dma_wait3A_80 = arith.constant 0 : i32
      %dma_wait3A_81 = tpu.memref_slice %arg9[%dma_wait3A_80] : memref<393216xf32, #tpu.memory_space<vmem_shared>> -> memref<393216xf32, #tpu.memory_space<vmem_shared>>
      tpu.wait_indirect_dma semaphore(%run_scoped3A_67 : memref<!tpu.dma_semaphore, #tpu.memory_space<semaphore_mem>>) src(%dma_wait3A_76 : memref<128xf32, #tpu.memory_space<vmem>>) dst(%dma_wait3A_81 : memref<393216xf32, #tpu.memory_space<vmem_shared>>)
      tpu.yield
    }) : () -> ()
    %run_scoped3A_16 = arith.constant 6 : i32
    %run_scoped3A_17 = arith.constant 6 : i32
    "tpu.region"() ({
      %run_scoped3A_67 = tpu.sem_alloc : memref<!tpu.dma_semaphore, #tpu.memory_space<semaphore_mem>>
      %dma_start3A = arith.constant 0 : i32
      %dma_start3A_68 = tpu.memref_slice %arg7[%run_scoped3A_16, %dma_start3A] : memref<24x128xf32, #tpu.memory_space<vmem>> -> memref<1x128xf32, #tpu.memory_space<vmem>>
      %dma_start3A_69 = tpu.memref_squeeze %dma_start3A_68 : memref<1x128xf32, #tpu.memory_space<vmem>> -> memref<128xf32, #tpu.memory_space<vmem>>
      %dma_start3A_70 = arith.constant 0 : i32
      %dma_start3A_71 = tpu.memref_slice %arg6[%run_scoped3A_17, %dma_start3A_70] : memref<24x128xi32, #tpu.memory_space<vmem>> -> memref<1x128xi32, #tpu.memory_space<vmem>>
      %dma_start3A_72 = tpu.memref_squeeze %dma_start3A_71 : memref<1x128xi32, #tpu.memory_space<vmem>> -> memref<128xi32, #tpu.memory_space<vmem>>
      %dma_start3A_73 = arith.constant 0 : i32
      %dma_start3A_74 = tpu.memref_slice %arg9[%dma_start3A_73] : memref<393216xf32, #tpu.memory_space<vmem_shared>> -> memref<393216xf32, #tpu.memory_space<vmem_shared>>
      tpu.enqueue_indirect_dma source(%dma_start3A_69 : memref<128xf32, #tpu.memory_space<vmem>>) target(%dma_start3A_74 : memref<393216xf32, #tpu.memory_space<vmem_shared>>) offsets(%dma_start3A_72 : memref<128xi32, #tpu.memory_space<vmem>>) semaphore(%run_scoped3A_67 : memref<!tpu.dma_semaphore, #tpu.memory_space<semaphore_mem>>) {add = true}
      %dma_wait3A = arith.constant 0 : i32
      %dma_wait3A_75 = tpu.memref_slice %arg7[%run_scoped3A_16, %dma_wait3A] : memref<24x128xf32, #tpu.memory_space<vmem>> -> memref<1x128xf32, #tpu.memory_space<vmem>>
      %dma_wait3A_76 = tpu.memref_squeeze %dma_wait3A_75 : memref<1x128xf32, #tpu.memory_space<vmem>> -> memref<128xf32, #tpu.memory_space<vmem>>
      %dma_wait3A_77 = arith.constant 0 : i32
      %dma_wait3A_78 = tpu.memref_slice %arg6[%run_scoped3A_17, %dma_wait3A_77] : memref<24x128xi32, #tpu.memory_space<vmem>> -> memref<1x128xi32, #tpu.memory_space<vmem>>
      %dma_wait3A_79 = tpu.memref_squeeze %dma_wait3A_78 : memref<1x128xi32, #tpu.memory_space<vmem>> -> memref<128xi32, #tpu.memory_space<vmem>>
      %dma_wait3A_80 = arith.constant 0 : i32
      %dma_wait3A_81 = tpu.memref_slice %arg9[%dma_wait3A_80] : memref<393216xf32, #tpu.memory_space<vmem_shared>> -> memref<393216xf32, #tpu.memory_space<vmem_shared>>
      tpu.wait_indirect_dma semaphore(%run_scoped3A_67 : memref<!tpu.dma_semaphore, #tpu.memory_space<semaphore_mem>>) src(%dma_wait3A_76 : memref<128xf32, #tpu.memory_space<vmem>>) dst(%dma_wait3A_81 : memref<393216xf32, #tpu.memory_space<vmem_shared>>)
      tpu.yield
    }) : () -> ()
    %run_scoped3A_18 = arith.constant 7 : i32
    %run_scoped3A_19 = arith.constant 7 : i32
    "tpu.region"() ({
      %run_scoped3A_67 = tpu.sem_alloc : memref<!tpu.dma_semaphore, #tpu.memory_space<semaphore_mem>>
      %dma_start3A = arith.constant 0 : i32
      %dma_start3A_68 = tpu.memref_slice %arg7[%run_scoped3A_18, %dma_start3A] : memref<24x128xf32, #tpu.memory_space<vmem>> -> memref<1x128xf32, #tpu.memory_space<vmem>>
      %dma_start3A_69 = tpu.memref_squeeze %dma_start3A_68 : memref<1x128xf32, #tpu.memory_space<vmem>> -> memref<128xf32, #tpu.memory_space<vmem>>
      %dma_start3A_70 = arith.constant 0 : i32
      %dma_start3A_71 = tpu.memref_slice %arg6[%run_scoped3A_19, %dma_start3A_70] : memref<24x128xi32, #tpu.memory_space<vmem>> -> memref<1x128xi32, #tpu.memory_space<vmem>>
      %dma_start3A_72 = tpu.memref_squeeze %dma_start3A_71 : memref<1x128xi32, #tpu.memory_space<vmem>> -> memref<128xi32, #tpu.memory_space<vmem>>
      %dma_start3A_73 = arith.constant 0 : i32
      %dma_start3A_74 = tpu.memref_slice %arg9[%dma_start3A_73] : memref<393216xf32, #tpu.memory_space<vmem_shared>> -> memref<393216xf32, #tpu.memory_space<vmem_shared>>
      tpu.enqueue_indirect_dma source(%dma_start3A_69 : memref<128xf32, #tpu.memory_space<vmem>>) target(%dma_start3A_74 : memref<393216xf32, #tpu.memory_space<vmem_shared>>) offsets(%dma_start3A_72 : memref<128xi32, #tpu.memory_space<vmem>>) semaphore(%run_scoped3A_67 : memref<!tpu.dma_semaphore, #tpu.memory_space<semaphore_mem>>) {add = true}
      %dma_wait3A = arith.constant 0 : i32
      %dma_wait3A_75 = tpu.memref_slice %arg7[%run_scoped3A_18, %dma_wait3A] : memref<24x128xf32, #tpu.memory_space<vmem>> -> memref<1x128xf32, #tpu.memory_space<vmem>>
      %dma_wait3A_76 = tpu.memref_squeeze %dma_wait3A_75 : memref<1x128xf32, #tpu.memory_space<vmem>> -> memref<128xf32, #tpu.memory_space<vmem>>
      %dma_wait3A_77 = arith.constant 0 : i32
      %dma_wait3A_78 = tpu.memref_slice %arg6[%run_scoped3A_19, %dma_wait3A_77] : memref<24x128xi32, #tpu.memory_space<vmem>> -> memref<1x128xi32, #tpu.memory_space<vmem>>
      %dma_wait3A_79 = tpu.memref_squeeze %dma_wait3A_78 : memref<1x128xi32, #tpu.memory_space<vmem>> -> memref<128xi32, #tpu.memory_space<vmem>>
      %dma_wait3A_80 = arith.constant 0 : i32
      %dma_wait3A_81 = tpu.memref_slice %arg9[%dma_wait3A_80] : memref<393216xf32, #tpu.memory_space<vmem_shared>> -> memref<393216xf32, #tpu.memory_space<vmem_shared>>
      tpu.wait_indirect_dma semaphore(%run_scoped3A_67 : memref<!tpu.dma_semaphore, #tpu.memory_space<semaphore_mem>>) src(%dma_wait3A_76 : memref<128xf32, #tpu.memory_space<vmem>>) dst(%dma_wait3A_81 : memref<393216xf32, #tpu.memory_space<vmem_shared>>)
      tpu.yield
    }) : () -> ()
    %run_scoped3A_20 = arith.constant 8 : i32
    %run_scoped3A_21 = arith.constant 8 : i32
    "tpu.region"() ({
      %run_scoped3A_67 = tpu.sem_alloc : memref<!tpu.dma_semaphore, #tpu.memory_space<semaphore_mem>>
      %dma_start3A = arith.constant 0 : i32
      %dma_start3A_68 = tpu.memref_slice %arg7[%run_scoped3A_20, %dma_start3A] : memref<24x128xf32, #tpu.memory_space<vmem>> -> memref<1x128xf32, #tpu.memory_space<vmem>>
      %dma_start3A_69 = tpu.memref_squeeze %dma_start3A_68 : memref<1x128xf32, #tpu.memory_space<vmem>> -> memref<128xf32, #tpu.memory_space<vmem>>
      %dma_start3A_70 = arith.constant 0 : i32
      %dma_start3A_71 = tpu.memref_slice %arg6[%run_scoped3A_21, %dma_start3A_70] : memref<24x128xi32, #tpu.memory_space<vmem>> -> memref<1x128xi32, #tpu.memory_space<vmem>>
      %dma_start3A_72 = tpu.memref_squeeze %dma_start3A_71 : memref<1x128xi32, #tpu.memory_space<vmem>> -> memref<128xi32, #tpu.memory_space<vmem>>
      %dma_start3A_73 = arith.constant 0 : i32
      %dma_start3A_74 = tpu.memref_slice %arg9[%dma_start3A_73] : memref<393216xf32, #tpu.memory_space<vmem_shared>> -> memref<393216xf32, #tpu.memory_space<vmem_shared>>
      tpu.enqueue_indirect_dma source(%dma_start3A_69 : memref<128xf32, #tpu.memory_space<vmem>>) target(%dma_start3A_74 : memref<393216xf32, #tpu.memory_space<vmem_shared>>) offsets(%dma_start3A_72 : memref<128xi32, #tpu.memory_space<vmem>>) semaphore(%run_scoped3A_67 : memref<!tpu.dma_semaphore, #tpu.memory_space<semaphore_mem>>) {add = true}
      %dma_wait3A = arith.constant 0 : i32
      %dma_wait3A_75 = tpu.memref_slice %arg7[%run_scoped3A_20, %dma_wait3A] : memref<24x128xf32, #tpu.memory_space<vmem>> -> memref<1x128xf32, #tpu.memory_space<vmem>>
      %dma_wait3A_76 = tpu.memref_squeeze %dma_wait3A_75 : memref<1x128xf32, #tpu.memory_space<vmem>> -> memref<128xf32, #tpu.memory_space<vmem>>
      %dma_wait3A_77 = arith.constant 0 : i32
      %dma_wait3A_78 = tpu.memref_slice %arg6[%run_scoped3A_21, %dma_wait3A_77] : memref<24x128xi32, #tpu.memory_space<vmem>> -> memref<1x128xi32, #tpu.memory_space<vmem>>
      %dma_wait3A_79 = tpu.memref_squeeze %dma_wait3A_78 : memref<1x128xi32, #tpu.memory_space<vmem>> -> memref<128xi32, #tpu.memory_space<vmem>>
      %dma_wait3A_80 = arith.constant 0 : i32
      %dma_wait3A_81 = tpu.memref_slice %arg9[%dma_wait3A_80] : memref<393216xf32, #tpu.memory_space<vmem_shared>> -> memref<393216xf32, #tpu.memory_space<vmem_shared>>
      tpu.wait_indirect_dma semaphore(%run_scoped3A_67 : memref<!tpu.dma_semaphore, #tpu.memory_space<semaphore_mem>>) src(%dma_wait3A_76 : memref<128xf32, #tpu.memory_space<vmem>>) dst(%dma_wait3A_81 : memref<393216xf32, #tpu.memory_space<vmem_shared>>)
      tpu.yield
    }) : () -> ()
    %run_scoped3A_22 = arith.constant 9 : i32
    %run_scoped3A_23 = arith.constant 9 : i32
    "tpu.region"() ({
      %run_scoped3A_67 = tpu.sem_alloc : memref<!tpu.dma_semaphore, #tpu.memory_space<semaphore_mem>>
      %dma_start3A = arith.constant 0 : i32
      %dma_start3A_68 = tpu.memref_slice %arg7[%run_scoped3A_22, %dma_start3A] : memref<24x128xf32, #tpu.memory_space<vmem>> -> memref<1x128xf32, #tpu.memory_space<vmem>>
      %dma_start3A_69 = tpu.memref_squeeze %dma_start3A_68 : memref<1x128xf32, #tpu.memory_space<vmem>> -> memref<128xf32, #tpu.memory_space<vmem>>
      %dma_start3A_70 = arith.constant 0 : i32
      %dma_start3A_71 = tpu.memref_slice %arg6[%run_scoped3A_23, %dma_start3A_70] : memref<24x128xi32, #tpu.memory_space<vmem>> -> memref<1x128xi32, #tpu.memory_space<vmem>>
      %dma_start3A_72 = tpu.memref_squeeze %dma_start3A_71 : memref<1x128xi32, #tpu.memory_space<vmem>> -> memref<128xi32, #tpu.memory_space<vmem>>
      %dma_start3A_73 = arith.constant 0 : i32
      %dma_start3A_74 = tpu.memref_slice %arg9[%dma_start3A_73] : memref<393216xf32, #tpu.memory_space<vmem_shared>> -> memref<393216xf32, #tpu.memory_space<vmem_shared>>
      tpu.enqueue_indirect_dma source(%dma_start3A_69 : memref<128xf32, #tpu.memory_space<vmem>>) target(%dma_start3A_74 : memref<393216xf32, #tpu.memory_space<vmem_shared>>) offsets(%dma_start3A_72 : memref<128xi32, #tpu.memory_space<vmem>>) semaphore(%run_scoped3A_67 : memref<!tpu.dma_semaphore, #tpu.memory_space<semaphore_mem>>) {add = true}
      %dma_wait3A = arith.constant 0 : i32
      %dma_wait3A_75 = tpu.memref_slice %arg7[%run_scoped3A_22, %dma_wait3A] : memref<24x128xf32, #tpu.memory_space<vmem>> -> memref<1x128xf32, #tpu.memory_space<vmem>>
      %dma_wait3A_76 = tpu.memref_squeeze %dma_wait3A_75 : memref<1x128xf32, #tpu.memory_space<vmem>> -> memref<128xf32, #tpu.memory_space<vmem>>
      %dma_wait3A_77 = arith.constant 0 : i32
      %dma_wait3A_78 = tpu.memref_slice %arg6[%run_scoped3A_23, %dma_wait3A_77] : memref<24x128xi32, #tpu.memory_space<vmem>> -> memref<1x128xi32, #tpu.memory_space<vmem>>
      %dma_wait3A_79 = tpu.memref_squeeze %dma_wait3A_78 : memref<1x128xi32, #tpu.memory_space<vmem>> -> memref<128xi32, #tpu.memory_space<vmem>>
      %dma_wait3A_80 = arith.constant 0 : i32
      %dma_wait3A_81 = tpu.memref_slice %arg9[%dma_wait3A_80] : memref<393216xf32, #tpu.memory_space<vmem_shared>> -> memref<393216xf32, #tpu.memory_space<vmem_shared>>
      tpu.wait_indirect_dma semaphore(%run_scoped3A_67 : memref<!tpu.dma_semaphore, #tpu.memory_space<semaphore_mem>>) src(%dma_wait3A_76 : memref<128xf32, #tpu.memory_space<vmem>>) dst(%dma_wait3A_81 : memref<393216xf32, #tpu.memory_space<vmem_shared>>)
      tpu.yield
    }) : () -> ()
    %run_scoped3A_24 = arith.constant 10 : i32
    %run_scoped3A_25 = arith.constant 10 : i32
    "tpu.region"() ({
      %run_scoped3A_67 = tpu.sem_alloc : memref<!tpu.dma_semaphore, #tpu.memory_space<semaphore_mem>>
      %dma_start3A = arith.constant 0 : i32
      %dma_start3A_68 = tpu.memref_slice %arg7[%run_scoped3A_24, %dma_start3A] : memref<24x128xf32, #tpu.memory_space<vmem>> -> memref<1x128xf32, #tpu.memory_space<vmem>>
      %dma_start3A_69 = tpu.memref_squeeze %dma_start3A_68 : memref<1x128xf32, #tpu.memory_space<vmem>> -> memref<128xf32, #tpu.memory_space<vmem>>
      %dma_start3A_70 = arith.constant 0 : i32
      %dma_start3A_71 = tpu.memref_slice %arg6[%run_scoped3A_25, %dma_start3A_70] : memref<24x128xi32, #tpu.memory_space<vmem>> -> memref<1x128xi32, #tpu.memory_space<vmem>>
      %dma_start3A_72 = tpu.memref_squeeze %dma_start3A_71 : memref<1x128xi32, #tpu.memory_space<vmem>> -> memref<128xi32, #tpu.memory_space<vmem>>
      %dma_start3A_73 = arith.constant 0 : i32
      %dma_start3A_74 = tpu.memref_slice %arg9[%dma_start3A_73] : memref<393216xf32, #tpu.memory_space<vmem_shared>> -> memref<393216xf32, #tpu.memory_space<vmem_shared>>
      tpu.enqueue_indirect_dma source(%dma_start3A_69 : memref<128xf32, #tpu.memory_space<vmem>>) target(%dma_start3A_74 : memref<393216xf32, #tpu.memory_space<vmem_shared>>) offsets(%dma_start3A_72 : memref<128xi32, #tpu.memory_space<vmem>>) semaphore(%run_scoped3A_67 : memref<!tpu.dma_semaphore, #tpu.memory_space<semaphore_mem>>) {add = true}
      %dma_wait3A = arith.constant 0 : i32
      %dma_wait3A_75 = tpu.memref_slice %arg7[%run_scoped3A_24, %dma_wait3A] : memref<24x128xf32, #tpu.memory_space<vmem>> -> memref<1x128xf32, #tpu.memory_space<vmem>>
      %dma_wait3A_76 = tpu.memref_squeeze %dma_wait3A_75 : memref<1x128xf32, #tpu.memory_space<vmem>> -> memref<128xf32, #tpu.memory_space<vmem>>
      %dma_wait3A_77 = arith.constant 0 : i32
      %dma_wait3A_78 = tpu.memref_slice %arg6[%run_scoped3A_25, %dma_wait3A_77] : memref<24x128xi32, #tpu.memory_space<vmem>> -> memref<1x128xi32, #tpu.memory_space<vmem>>
      %dma_wait3A_79 = tpu.memref_squeeze %dma_wait3A_78 : memref<1x128xi32, #tpu.memory_space<vmem>> -> memref<128xi32, #tpu.memory_space<vmem>>
      %dma_wait3A_80 = arith.constant 0 : i32
      %dma_wait3A_81 = tpu.memref_slice %arg9[%dma_wait3A_80] : memref<393216xf32, #tpu.memory_space<vmem_shared>> -> memref<393216xf32, #tpu.memory_space<vmem_shared>>
      tpu.wait_indirect_dma semaphore(%run_scoped3A_67 : memref<!tpu.dma_semaphore, #tpu.memory_space<semaphore_mem>>) src(%dma_wait3A_76 : memref<128xf32, #tpu.memory_space<vmem>>) dst(%dma_wait3A_81 : memref<393216xf32, #tpu.memory_space<vmem_shared>>)
      tpu.yield
    }) : () -> ()
    %run_scoped3A_26 = arith.constant 11 : i32
    %run_scoped3A_27 = arith.constant 11 : i32
    "tpu.region"() ({
      %run_scoped3A_67 = tpu.sem_alloc : memref<!tpu.dma_semaphore, #tpu.memory_space<semaphore_mem>>
      %dma_start3A = arith.constant 0 : i32
      %dma_start3A_68 = tpu.memref_slice %arg7[%run_scoped3A_26, %dma_start3A] : memref<24x128xf32, #tpu.memory_space<vmem>> -> memref<1x128xf32, #tpu.memory_space<vmem>>
      %dma_start3A_69 = tpu.memref_squeeze %dma_start3A_68 : memref<1x128xf32, #tpu.memory_space<vmem>> -> memref<128xf32, #tpu.memory_space<vmem>>
      %dma_start3A_70 = arith.constant 0 : i32
      %dma_start3A_71 = tpu.memref_slice %arg6[%run_scoped3A_27, %dma_start3A_70] : memref<24x128xi32, #tpu.memory_space<vmem>> -> memref<1x128xi32, #tpu.memory_space<vmem>>
      %dma_start3A_72 = tpu.memref_squeeze %dma_start3A_71 : memref<1x128xi32, #tpu.memory_space<vmem>> -> memref<128xi32, #tpu.memory_space<vmem>>
      %dma_start3A_73 = arith.constant 0 : i32
      %dma_start3A_74 = tpu.memref_slice %arg9[%dma_start3A_73] : memref<393216xf32, #tpu.memory_space<vmem_shared>> -> memref<393216xf32, #tpu.memory_space<vmem_shared>>
      tpu.enqueue_indirect_dma source(%dma_start3A_69 : memref<128xf32, #tpu.memory_space<vmem>>) target(%dma_start3A_74 : memref<393216xf32, #tpu.memory_space<vmem_shared>>) offsets(%dma_start3A_72 : memref<128xi32, #tpu.memory_space<vmem>>) semaphore(%run_scoped3A_67 : memref<!tpu.dma_semaphore, #tpu.memory_space<semaphore_mem>>) {add = true}
      %dma_wait3A = arith.constant 0 : i32
      %dma_wait3A_75 = tpu.memref_slice %arg7[%run_scoped3A_26, %dma_wait3A] : memref<24x128xf32, #tpu.memory_space<vmem>> -> memref<1x128xf32, #tpu.memory_space<vmem>>
      %dma_wait3A_76 = tpu.memref_squeeze %dma_wait3A_75 : memref<1x128xf32, #tpu.memory_space<vmem>> -> memref<128xf32, #tpu.memory_space<vmem>>
      %dma_wait3A_77 = arith.constant 0 : i32
      %dma_wait3A_78 = tpu.memref_slice %arg6[%run_scoped3A_27, %dma_wait3A_77] : memref<24x128xi32, #tpu.memory_space<vmem>> -> memref<1x128xi32, #tpu.memory_space<vmem>>
      %dma_wait3A_79 = tpu.memref_squeeze %dma_wait3A_78 : memref<1x128xi32, #tpu.memory_space<vmem>> -> memref<128xi32, #tpu.memory_space<vmem>>
      %dma_wait3A_80 = arith.constant 0 : i32
      %dma_wait3A_81 = tpu.memref_slice %arg9[%dma_wait3A_80] : memref<393216xf32, #tpu.memory_space<vmem_shared>> -> memref<393216xf32, #tpu.memory_space<vmem_shared>>
      tpu.wait_indirect_dma semaphore(%run_scoped3A_67 : memref<!tpu.dma_semaphore, #tpu.memory_space<semaphore_mem>>) src(%dma_wait3A_76 : memref<128xf32, #tpu.memory_space<vmem>>) dst(%dma_wait3A_81 : memref<393216xf32, #tpu.memory_space<vmem_shared>>)
      tpu.yield
    }) : () -> ()
    %run_scoped3A_28 = arith.constant 12 : i32
    %run_scoped3A_29 = arith.constant 12 : i32
    "tpu.region"() ({
      %run_scoped3A_67 = tpu.sem_alloc : memref<!tpu.dma_semaphore, #tpu.memory_space<semaphore_mem>>
      %dma_start3A = arith.constant 0 : i32
      %dma_start3A_68 = tpu.memref_slice %arg7[%run_scoped3A_28, %dma_start3A] : memref<24x128xf32, #tpu.memory_space<vmem>> -> memref<1x128xf32, #tpu.memory_space<vmem>>
      %dma_start3A_69 = tpu.memref_squeeze %dma_start3A_68 : memref<1x128xf32, #tpu.memory_space<vmem>> -> memref<128xf32, #tpu.memory_space<vmem>>
      %dma_start3A_70 = arith.constant 0 : i32
      %dma_start3A_71 = tpu.memref_slice %arg6[%run_scoped3A_29, %dma_start3A_70] : memref<24x128xi32, #tpu.memory_space<vmem>> -> memref<1x128xi32, #tpu.memory_space<vmem>>
      %dma_start3A_72 = tpu.memref_squeeze %dma_start3A_71 : memref<1x128xi32, #tpu.memory_space<vmem>> -> memref<128xi32, #tpu.memory_space<vmem>>
      %dma_start3A_73 = arith.constant 0 : i32
      %dma_start3A_74 = tpu.memref_slice %arg9[%dma_start3A_73] : memref<393216xf32, #tpu.memory_space<vmem_shared>> -> memref<393216xf32, #tpu.memory_space<vmem_shared>>
      tpu.enqueue_indirect_dma source(%dma_start3A_69 : memref<128xf32, #tpu.memory_space<vmem>>) target(%dma_start3A_74 : memref<393216xf32, #tpu.memory_space<vmem_shared>>) offsets(%dma_start3A_72 : memref<128xi32, #tpu.memory_space<vmem>>) semaphore(%run_scoped3A_67 : memref<!tpu.dma_semaphore, #tpu.memory_space<semaphore_mem>>) {add = true}
      %dma_wait3A = arith.constant 0 : i32
      %dma_wait3A_75 = tpu.memref_slice %arg7[%run_scoped3A_28, %dma_wait3A] : memref<24x128xf32, #tpu.memory_space<vmem>> -> memref<1x128xf32, #tpu.memory_space<vmem>>
      %dma_wait3A_76 = tpu.memref_squeeze %dma_wait3A_75 : memref<1x128xf32, #tpu.memory_space<vmem>> -> memref<128xf32, #tpu.memory_space<vmem>>
      %dma_wait3A_77 = arith.constant 0 : i32
      %dma_wait3A_78 = tpu.memref_slice %arg6[%run_scoped3A_29, %dma_wait3A_77] : memref<24x128xi32, #tpu.memory_space<vmem>> -> memref<1x128xi32, #tpu.memory_space<vmem>>
      %dma_wait3A_79 = tpu.memref_squeeze %dma_wait3A_78 : memref<1x128xi32, #tpu.memory_space<vmem>> -> memref<128xi32, #tpu.memory_space<vmem>>
      %dma_wait3A_80 = arith.constant 0 : i32
      %dma_wait3A_81 = tpu.memref_slice %arg9[%dma_wait3A_80] : memref<393216xf32, #tpu.memory_space<vmem_shared>> -> memref<393216xf32, #tpu.memory_space<vmem_shared>>
      tpu.wait_indirect_dma semaphore(%run_scoped3A_67 : memref<!tpu.dma_semaphore, #tpu.memory_space<semaphore_mem>>) src(%dma_wait3A_76 : memref<128xf32, #tpu.memory_space<vmem>>) dst(%dma_wait3A_81 : memref<393216xf32, #tpu.memory_space<vmem_shared>>)
      tpu.yield
    }) : () -> ()
    %run_scoped3A_30 = arith.constant 13 : i32
    %run_scoped3A_31 = arith.constant 13 : i32
    "tpu.region"() ({
      %run_scoped3A_67 = tpu.sem_alloc : memref<!tpu.dma_semaphore, #tpu.memory_space<semaphore_mem>>
      %dma_start3A = arith.constant 0 : i32
      %dma_start3A_68 = tpu.memref_slice %arg7[%run_scoped3A_30, %dma_start3A] : memref<24x128xf32, #tpu.memory_space<vmem>> -> memref<1x128xf32, #tpu.memory_space<vmem>>
      %dma_start3A_69 = tpu.memref_squeeze %dma_start3A_68 : memref<1x128xf32, #tpu.memory_space<vmem>> -> memref<128xf32, #tpu.memory_space<vmem>>
      %dma_start3A_70 = arith.constant 0 : i32
      %dma_start3A_71 = tpu.memref_slice %arg6[%run_scoped3A_31, %dma_start3A_70] : memref<24x128xi32, #tpu.memory_space<vmem>> -> memref<1x128xi32, #tpu.memory_space<vmem>>
      %dma_start3A_72 = tpu.memref_squeeze %dma_start3A_71 : memref<1x128xi32, #tpu.memory_space<vmem>> -> memref<128xi32, #tpu.memory_space<vmem>>
      %dma_start3A_73 = arith.constant 0 : i32
      %dma_start3A_74 = tpu.memref_slice %arg9[%dma_start3A_73] : memref<393216xf32, #tpu.memory_space<vmem_shared>> -> memref<393216xf32, #tpu.memory_space<vmem_shared>>
      tpu.enqueue_indirect_dma source(%dma_start3A_69 : memref<128xf32, #tpu.memory_space<vmem>>) target(%dma_start3A_74 : memref<393216xf32, #tpu.memory_space<vmem_shared>>) offsets(%dma_start3A_72 : memref<128xi32, #tpu.memory_space<vmem>>) semaphore(%run_scoped3A_67 : memref<!tpu.dma_semaphore, #tpu.memory_space<semaphore_mem>>) {add = true}
      %dma_wait3A = arith.constant 0 : i32
      %dma_wait3A_75 = tpu.memref_slice %arg7[%run_scoped3A_30, %dma_wait3A] : memref<24x128xf32, #tpu.memory_space<vmem>> -> memref<1x128xf32, #tpu.memory_space<vmem>>
      %dma_wait3A_76 = tpu.memref_squeeze %dma_wait3A_75 : memref<1x128xf32, #tpu.memory_space<vmem>> -> memref<128xf32, #tpu.memory_space<vmem>>
      %dma_wait3A_77 = arith.constant 0 : i32
      %dma_wait3A_78 = tpu.memref_slice %arg6[%run_scoped3A_31, %dma_wait3A_77] : memref<24x128xi32, #tpu.memory_space<vmem>> -> memref<1x128xi32, #tpu.memory_space<vmem>>
      %dma_wait3A_79 = tpu.memref_squeeze %dma_wait3A_78 : memref<1x128xi32, #tpu.memory_space<vmem>> -> memref<128xi32, #tpu.memory_space<vmem>>
      %dma_wait3A_80 = arith.constant 0 : i32
      %dma_wait3A_81 = tpu.memref_slice %arg9[%dma_wait3A_80] : memref<393216xf32, #tpu.memory_space<vmem_shared>> -> memref<393216xf32, #tpu.memory_space<vmem_shared>>
      tpu.wait_indirect_dma semaphore(%run_scoped3A_67 : memref<!tpu.dma_semaphore, #tpu.memory_space<semaphore_mem>>) src(%dma_wait3A_76 : memref<128xf32, #tpu.memory_space<vmem>>) dst(%dma_wait3A_81 : memref<393216xf32, #tpu.memory_space<vmem_shared>>)
      tpu.yield
    }) : () -> ()
    %run_scoped3A_32 = arith.constant 14 : i32
    %run_scoped3A_33 = arith.constant 14 : i32
    "tpu.region"() ({
      %run_scoped3A_67 = tpu.sem_alloc : memref<!tpu.dma_semaphore, #tpu.memory_space<semaphore_mem>>
      %dma_start3A = arith.constant 0 : i32
      %dma_start3A_68 = tpu.memref_slice %arg7[%run_scoped3A_32, %dma_start3A] : memref<24x128xf32, #tpu.memory_space<vmem>> -> memref<1x128xf32, #tpu.memory_space<vmem>>
      %dma_start3A_69 = tpu.memref_squeeze %dma_start3A_68 : memref<1x128xf32, #tpu.memory_space<vmem>> -> memref<128xf32, #tpu.memory_space<vmem>>
      %dma_start3A_70 = arith.constant 0 : i32
      %dma_start3A_71 = tpu.memref_slice %arg6[%run_scoped3A_33, %dma_start3A_70] : memref<24x128xi32, #tpu.memory_space<vmem>> -> memref<1x128xi32, #tpu.memory_space<vmem>>
      %dma_start3A_72 = tpu.memref_squeeze %dma_start3A_71 : memref<1x128xi32, #tpu.memory_space<vmem>> -> memref<128xi32, #tpu.memory_space<vmem>>
      %dma_start3A_73 = arith.constant 0 : i32
      %dma_start3A_74 = tpu.memref_slice %arg9[%dma_start3A_73] : memref<393216xf32, #tpu.memory_space<vmem_shared>> -> memref<393216xf32, #tpu.memory_space<vmem_shared>>
      tpu.enqueue_indirect_dma source(%dma_start3A_69 : memref<128xf32, #tpu.memory_space<vmem>>) target(%dma_start3A_74 : memref<393216xf32, #tpu.memory_space<vmem_shared>>) offsets(%dma_start3A_72 : memref<128xi32, #tpu.memory_space<vmem>>) semaphore(%run_scoped3A_67 : memref<!tpu.dma_semaphore, #tpu.memory_space<semaphore_mem>>) {add = true}
      %dma_wait3A = arith.constant 0 : i32
      %dma_wait3A_75 = tpu.memref_slice %arg7[%run_scoped3A_32, %dma_wait3A] : memref<24x128xf32, #tpu.memory_space<vmem>> -> memref<1x128xf32, #tpu.memory_space<vmem>>
      %dma_wait3A_76 = tpu.memref_squeeze %dma_wait3A_75 : memref<1x128xf32, #tpu.memory_space<vmem>> -> memref<128xf32, #tpu.memory_space<vmem>>
      %dma_wait3A_77 = arith.constant 0 : i32
      %dma_wait3A_78 = tpu.memref_slice %arg6[%run_scoped3A_33, %dma_wait3A_77] : memref<24x128xi32, #tpu.memory_space<vmem>> -> memref<1x128xi32, #tpu.memory_space<vmem>>
      %dma_wait3A_79 = tpu.memref_squeeze %dma_wait3A_78 : memref<1x128xi32, #tpu.memory_space<vmem>> -> memref<128xi32, #tpu.memory_space<vmem>>
      %dma_wait3A_80 = arith.constant 0 : i32
      %dma_wait3A_81 = tpu.memref_slice %arg9[%dma_wait3A_80] : memref<393216xf32, #tpu.memory_space<vmem_shared>> -> memref<393216xf32, #tpu.memory_space<vmem_shared>>
      tpu.wait_indirect_dma semaphore(%run_scoped3A_67 : memref<!tpu.dma_semaphore, #tpu.memory_space<semaphore_mem>>) src(%dma_wait3A_76 : memref<128xf32, #tpu.memory_space<vmem>>) dst(%dma_wait3A_81 : memref<393216xf32, #tpu.memory_space<vmem_shared>>)
      tpu.yield
    }) : () -> ()
    %run_scoped3A_34 = arith.constant 15 : i32
    %run_scoped3A_35 = arith.constant 15 : i32
    "tpu.region"() ({
      %run_scoped3A_67 = tpu.sem_alloc : memref<!tpu.dma_semaphore, #tpu.memory_space<semaphore_mem>>
      %dma_start3A = arith.constant 0 : i32
      %dma_start3A_68 = tpu.memref_slice %arg7[%run_scoped3A_34, %dma_start3A] : memref<24x128xf32, #tpu.memory_space<vmem>> -> memref<1x128xf32, #tpu.memory_space<vmem>>
      %dma_start3A_69 = tpu.memref_squeeze %dma_start3A_68 : memref<1x128xf32, #tpu.memory_space<vmem>> -> memref<128xf32, #tpu.memory_space<vmem>>
      %dma_start3A_70 = arith.constant 0 : i32
      %dma_start3A_71 = tpu.memref_slice %arg6[%run_scoped3A_35, %dma_start3A_70] : memref<24x128xi32, #tpu.memory_space<vmem>> -> memref<1x128xi32, #tpu.memory_space<vmem>>
      %dma_start3A_72 = tpu.memref_squeeze %dma_start3A_71 : memref<1x128xi32, #tpu.memory_space<vmem>> -> memref<128xi32, #tpu.memory_space<vmem>>
      %dma_start3A_73 = arith.constant 0 : i32
      %dma_start3A_74 = tpu.memref_slice %arg9[%dma_start3A_73] : memref<393216xf32, #tpu.memory_space<vmem_shared>> -> memref<393216xf32, #tpu.memory_space<vmem_shared>>
      tpu.enqueue_indirect_dma source(%dma_start3A_69 : memref<128xf32, #tpu.memory_space<vmem>>) target(%dma_start3A_74 : memref<393216xf32, #tpu.memory_space<vmem_shared>>) offsets(%dma_start3A_72 : memref<128xi32, #tpu.memory_space<vmem>>) semaphore(%run_scoped3A_67 : memref<!tpu.dma_semaphore, #tpu.memory_space<semaphore_mem>>) {add = true}
      %dma_wait3A = arith.constant 0 : i32
      %dma_wait3A_75 = tpu.memref_slice %arg7[%run_scoped3A_34, %dma_wait3A] : memref<24x128xf32, #tpu.memory_space<vmem>> -> memref<1x128xf32, #tpu.memory_space<vmem>>
      %dma_wait3A_76 = tpu.memref_squeeze %dma_wait3A_75 : memref<1x128xf32, #tpu.memory_space<vmem>> -> memref<128xf32, #tpu.memory_space<vmem>>
      %dma_wait3A_77 = arith.constant 0 : i32
      %dma_wait3A_78 = tpu.memref_slice %arg6[%run_scoped3A_35, %dma_wait3A_77] : memref<24x128xi32, #tpu.memory_space<vmem>> -> memref<1x128xi32, #tpu.memory_space<vmem>>
      %dma_wait3A_79 = tpu.memref_squeeze %dma_wait3A_78 : memref<1x128xi32, #tpu.memory_space<vmem>> -> memref<128xi32, #tpu.memory_space<vmem>>
      %dma_wait3A_80 = arith.constant 0 : i32
      %dma_wait3A_81 = tpu.memref_slice %arg9[%dma_wait3A_80] : memref<393216xf32, #tpu.memory_space<vmem_shared>> -> memref<393216xf32, #tpu.memory_space<vmem_shared>>
      tpu.wait_indirect_dma semaphore(%run_scoped3A_67 : memref<!tpu.dma_semaphore, #tpu.memory_space<semaphore_mem>>) src(%dma_wait3A_76 : memref<128xf32, #tpu.memory_space<vmem>>) dst(%dma_wait3A_81 : memref<393216xf32, #tpu.memory_space<vmem_shared>>)
      tpu.yield
    }) : () -> ()
    %run_scoped3A_36 = arith.constant 16 : i32
    %run_scoped3A_37 = arith.constant 16 : i32
    "tpu.region"() ({
      %run_scoped3A_67 = tpu.sem_alloc : memref<!tpu.dma_semaphore, #tpu.memory_space<semaphore_mem>>
      %dma_start3A = arith.constant 0 : i32
      %dma_start3A_68 = tpu.memref_slice %arg7[%run_scoped3A_36, %dma_start3A] : memref<24x128xf32, #tpu.memory_space<vmem>> -> memref<1x128xf32, #tpu.memory_space<vmem>>
      %dma_start3A_69 = tpu.memref_squeeze %dma_start3A_68 : memref<1x128xf32, #tpu.memory_space<vmem>> -> memref<128xf32, #tpu.memory_space<vmem>>
      %dma_start3A_70 = arith.constant 0 : i32
      %dma_start3A_71 = tpu.memref_slice %arg6[%run_scoped3A_37, %dma_start3A_70] : memref<24x128xi32, #tpu.memory_space<vmem>> -> memref<1x128xi32, #tpu.memory_space<vmem>>
      %dma_start3A_72 = tpu.memref_squeeze %dma_start3A_71 : memref<1x128xi32, #tpu.memory_space<vmem>> -> memref<128xi32, #tpu.memory_space<vmem>>
      %dma_start3A_73 = arith.constant 0 : i32
      %dma_start3A_74 = tpu.memref_slice %arg9[%dma_start3A_73] : memref<393216xf32, #tpu.memory_space<vmem_shared>> -> memref<393216xf32, #tpu.memory_space<vmem_shared>>
      tpu.enqueue_indirect_dma source(%dma_start3A_69 : memref<128xf32, #tpu.memory_space<vmem>>) target(%dma_start3A_74 : memref<393216xf32, #tpu.memory_space<vmem_shared>>) offsets(%dma_start3A_72 : memref<128xi32, #tpu.memory_space<vmem>>) semaphore(%run_scoped3A_67 : memref<!tpu.dma_semaphore, #tpu.memory_space<semaphore_mem>>) {add = true}
      %dma_wait3A = arith.constant 0 : i32
      %dma_wait3A_75 = tpu.memref_slice %arg7[%run_scoped3A_36, %dma_wait3A] : memref<24x128xf32, #tpu.memory_space<vmem>> -> memref<1x128xf32, #tpu.memory_space<vmem>>
      %dma_wait3A_76 = tpu.memref_squeeze %dma_wait3A_75 : memref<1x128xf32, #tpu.memory_space<vmem>> -> memref<128xf32, #tpu.memory_space<vmem>>
      %dma_wait3A_77 = arith.constant 0 : i32
      %dma_wait3A_78 = tpu.memref_slice %arg6[%run_scoped3A_37, %dma_wait3A_77] : memref<24x128xi32, #tpu.memory_space<vmem>> -> memref<1x128xi32, #tpu.memory_space<vmem>>
      %dma_wait3A_79 = tpu.memref_squeeze %dma_wait3A_78 : memref<1x128xi32, #tpu.memory_space<vmem>> -> memref<128xi32, #tpu.memory_space<vmem>>
      %dma_wait3A_80 = arith.constant 0 : i32
      %dma_wait3A_81 = tpu.memref_slice %arg9[%dma_wait3A_80] : memref<393216xf32, #tpu.memory_space<vmem_shared>> -> memref<393216xf32, #tpu.memory_space<vmem_shared>>
      tpu.wait_indirect_dma semaphore(%run_scoped3A_67 : memref<!tpu.dma_semaphore, #tpu.memory_space<semaphore_mem>>) src(%dma_wait3A_76 : memref<128xf32, #tpu.memory_space<vmem>>) dst(%dma_wait3A_81 : memref<393216xf32, #tpu.memory_space<vmem_shared>>)
      tpu.yield
    }) : () -> ()
    %run_scoped3A_38 = arith.constant 17 : i32
    %run_scoped3A_39 = arith.constant 17 : i32
    "tpu.region"() ({
      %run_scoped3A_67 = tpu.sem_alloc : memref<!tpu.dma_semaphore, #tpu.memory_space<semaphore_mem>>
      %dma_start3A = arith.constant 0 : i32
      %dma_start3A_68 = tpu.memref_slice %arg7[%run_scoped3A_38, %dma_start3A] : memref<24x128xf32, #tpu.memory_space<vmem>> -> memref<1x128xf32, #tpu.memory_space<vmem>>
      %dma_start3A_69 = tpu.memref_squeeze %dma_start3A_68 : memref<1x128xf32, #tpu.memory_space<vmem>> -> memref<128xf32, #tpu.memory_space<vmem>>
      %dma_start3A_70 = arith.constant 0 : i32
      %dma_start3A_71 = tpu.memref_slice %arg6[%run_scoped3A_39, %dma_start3A_70] : memref<24x128xi32, #tpu.memory_space<vmem>> -> memref<1x128xi32, #tpu.memory_space<vmem>>
      %dma_start3A_72 = tpu.memref_squeeze %dma_start3A_71 : memref<1x128xi32, #tpu.memory_space<vmem>> -> memref<128xi32, #tpu.memory_space<vmem>>
      %dma_start3A_73 = arith.constant 0 : i32
      %dma_start3A_74 = tpu.memref_slice %arg9[%dma_start3A_73] : memref<393216xf32, #tpu.memory_space<vmem_shared>> -> memref<393216xf32, #tpu.memory_space<vmem_shared>>
      tpu.enqueue_indirect_dma source(%dma_start3A_69 : memref<128xf32, #tpu.memory_space<vmem>>) target(%dma_start3A_74 : memref<393216xf32, #tpu.memory_space<vmem_shared>>) offsets(%dma_start3A_72 : memref<128xi32, #tpu.memory_space<vmem>>) semaphore(%run_scoped3A_67 : memref<!tpu.dma_semaphore, #tpu.memory_space<semaphore_mem>>) {add = true}
      %dma_wait3A = arith.constant 0 : i32
      %dma_wait3A_75 = tpu.memref_slice %arg7[%run_scoped3A_38, %dma_wait3A] : memref<24x128xf32, #tpu.memory_space<vmem>> -> memref<1x128xf32, #tpu.memory_space<vmem>>
      %dma_wait3A_76 = tpu.memref_squeeze %dma_wait3A_75 : memref<1x128xf32, #tpu.memory_space<vmem>> -> memref<128xf32, #tpu.memory_space<vmem>>
      %dma_wait3A_77 = arith.constant 0 : i32
      %dma_wait3A_78 = tpu.memref_slice %arg6[%run_scoped3A_39, %dma_wait3A_77] : memref<24x128xi32, #tpu.memory_space<vmem>> -> memref<1x128xi32, #tpu.memory_space<vmem>>
      %dma_wait3A_79 = tpu.memref_squeeze %dma_wait3A_78 : memref<1x128xi32, #tpu.memory_space<vmem>> -> memref<128xi32, #tpu.memory_space<vmem>>
      %dma_wait3A_80 = arith.constant 0 : i32
      %dma_wait3A_81 = tpu.memref_slice %arg9[%dma_wait3A_80] : memref<393216xf32, #tpu.memory_space<vmem_shared>> -> memref<393216xf32, #tpu.memory_space<vmem_shared>>
      tpu.wait_indirect_dma semaphore(%run_scoped3A_67 : memref<!tpu.dma_semaphore, #tpu.memory_space<semaphore_mem>>) src(%dma_wait3A_76 : memref<128xf32, #tpu.memory_space<vmem>>) dst(%dma_wait3A_81 : memref<393216xf32, #tpu.memory_space<vmem_shared>>)
      tpu.yield
    }) : () -> ()
    %run_scoped3A_40 = arith.constant 18 : i32
    %run_scoped3A_41 = arith.constant 18 : i32
    "tpu.region"() ({
      %run_scoped3A_67 = tpu.sem_alloc : memref<!tpu.dma_semaphore, #tpu.memory_space<semaphore_mem>>
      %dma_start3A = arith.constant 0 : i32
      %dma_start3A_68 = tpu.memref_slice %arg7[%run_scoped3A_40, %dma_start3A] : memref<24x128xf32, #tpu.memory_space<vmem>> -> memref<1x128xf32, #tpu.memory_space<vmem>>
      %dma_start3A_69 = tpu.memref_squeeze %dma_start3A_68 : memref<1x128xf32, #tpu.memory_space<vmem>> -> memref<128xf32, #tpu.memory_space<vmem>>
      %dma_start3A_70 = arith.constant 0 : i32
      %dma_start3A_71 = tpu.memref_slice %arg6[%run_scoped3A_41, %dma_start3A_70] : memref<24x128xi32, #tpu.memory_space<vmem>> -> memref<1x128xi32, #tpu.memory_space<vmem>>
      %dma_start3A_72 = tpu.memref_squeeze %dma_start3A_71 : memref<1x128xi32, #tpu.memory_space<vmem>> -> memref<128xi32, #tpu.memory_space<vmem>>
      %dma_start3A_73 = arith.constant 0 : i32
      %dma_start3A_74 = tpu.memref_slice %arg9[%dma_start3A_73] : memref<393216xf32, #tpu.memory_space<vmem_shared>> -> memref<393216xf32, #tpu.memory_space<vmem_shared>>
      tpu.enqueue_indirect_dma source(%dma_start3A_69 : memref<128xf32, #tpu.memory_space<vmem>>) target(%dma_start3A_74 : memref<393216xf32, #tpu.memory_space<vmem_shared>>) offsets(%dma_start3A_72 : memref<128xi32, #tpu.memory_space<vmem>>) semaphore(%run_scoped3A_67 : memref<!tpu.dma_semaphore, #tpu.memory_space<semaphore_mem>>) {add = true}
      %dma_wait3A = arith.constant 0 : i32
      %dma_wait3A_75 = tpu.memref_slice %arg7[%run_scoped3A_40, %dma_wait3A] : memref<24x128xf32, #tpu.memory_space<vmem>> -> memref<1x128xf32, #tpu.memory_space<vmem>>
      %dma_wait3A_76 = tpu.memref_squeeze %dma_wait3A_75 : memref<1x128xf32, #tpu.memory_space<vmem>> -> memref<128xf32, #tpu.memory_space<vmem>>
      %dma_wait3A_77 = arith.constant 0 : i32
      %dma_wait3A_78 = tpu.memref_slice %arg6[%run_scoped3A_41, %dma_wait3A_77] : memref<24x128xi32, #tpu.memory_space<vmem>> -> memref<1x128xi32, #tpu.memory_space<vmem>>
      %dma_wait3A_79 = tpu.memref_squeeze %dma_wait3A_78 : memref<1x128xi32, #tpu.memory_space<vmem>> -> memref<128xi32, #tpu.memory_space<vmem>>
      %dma_wait3A_80 = arith.constant 0 : i32
      %dma_wait3A_81 = tpu.memref_slice %arg9[%dma_wait3A_80] : memref<393216xf32, #tpu.memory_space<vmem_shared>> -> memref<393216xf32, #tpu.memory_space<vmem_shared>>
      tpu.wait_indirect_dma semaphore(%run_scoped3A_67 : memref<!tpu.dma_semaphore, #tpu.memory_space<semaphore_mem>>) src(%dma_wait3A_76 : memref<128xf32, #tpu.memory_space<vmem>>) dst(%dma_wait3A_81 : memref<393216xf32, #tpu.memory_space<vmem_shared>>)
      tpu.yield
    }) : () -> ()
    %run_scoped3A_42 = arith.constant 19 : i32
    %run_scoped3A_43 = arith.constant 19 : i32
    "tpu.region"() ({
      %run_scoped3A_67 = tpu.sem_alloc : memref<!tpu.dma_semaphore, #tpu.memory_space<semaphore_mem>>
      %dma_start3A = arith.constant 0 : i32
      %dma_start3A_68 = tpu.memref_slice %arg7[%run_scoped3A_42, %dma_start3A] : memref<24x128xf32, #tpu.memory_space<vmem>> -> memref<1x128xf32, #tpu.memory_space<vmem>>
      %dma_start3A_69 = tpu.memref_squeeze %dma_start3A_68 : memref<1x128xf32, #tpu.memory_space<vmem>> -> memref<128xf32, #tpu.memory_space<vmem>>
      %dma_start3A_70 = arith.constant 0 : i32
      %dma_start3A_71 = tpu.memref_slice %arg6[%run_scoped3A_43, %dma_start3A_70] : memref<24x128xi32, #tpu.memory_space<vmem>> -> memref<1x128xi32, #tpu.memory_space<vmem>>
      %dma_start3A_72 = tpu.memref_squeeze %dma_start3A_71 : memref<1x128xi32, #tpu.memory_space<vmem>> -> memref<128xi32, #tpu.memory_space<vmem>>
      %dma_start3A_73 = arith.constant 0 : i32
      %dma_start3A_74 = tpu.memref_slice %arg9[%dma_start3A_73] : memref<393216xf32, #tpu.memory_space<vmem_shared>> -> memref<393216xf32, #tpu.memory_space<vmem_shared>>
      tpu.enqueue_indirect_dma source(%dma_start3A_69 : memref<128xf32, #tpu.memory_space<vmem>>) target(%dma_start3A_74 : memref<393216xf32, #tpu.memory_space<vmem_shared>>) offsets(%dma_start3A_72 : memref<128xi32, #tpu.memory_space<vmem>>) semaphore(%run_scoped3A_67 : memref<!tpu.dma_semaphore, #tpu.memory_space<semaphore_mem>>) {add = true}
      %dma_wait3A = arith.constant 0 : i32
      %dma_wait3A_75 = tpu.memref_slice %arg7[%run_scoped3A_42, %dma_wait3A] : memref<24x128xf32, #tpu.memory_space<vmem>> -> memref<1x128xf32, #tpu.memory_space<vmem>>
      %dma_wait3A_76 = tpu.memref_squeeze %dma_wait3A_75 : memref<1x128xf32, #tpu.memory_space<vmem>> -> memref<128xf32, #tpu.memory_space<vmem>>
      %dma_wait3A_77 = arith.constant 0 : i32
      %dma_wait3A_78 = tpu.memref_slice %arg6[%run_scoped3A_43, %dma_wait3A_77] : memref<24x128xi32, #tpu.memory_space<vmem>> -> memref<1x128xi32, #tpu.memory_space<vmem>>
      %dma_wait3A_79 = tpu.memref_squeeze %dma_wait3A_78 : memref<1x128xi32, #tpu.memory_space<vmem>> -> memref<128xi32, #tpu.memory_space<vmem>>
      %dma_wait3A_80 = arith.constant 0 : i32
      %dma_wait3A_81 = tpu.memref_slice %arg9[%dma_wait3A_80] : memref<393216xf32, #tpu.memory_space<vmem_shared>> -> memref<393216xf32, #tpu.memory_space<vmem_shared>>
      tpu.wait_indirect_dma semaphore(%run_scoped3A_67 : memref<!tpu.dma_semaphore, #tpu.memory_space<semaphore_mem>>) src(%dma_wait3A_76 : memref<128xf32, #tpu.memory_space<vmem>>) dst(%dma_wait3A_81 : memref<393216xf32, #tpu.memory_space<vmem_shared>>)
      tpu.yield
    }) : () -> ()
    %barrier3A_44 = arith.constant 0 : index
    tpu.barrier barrier_id(%barrier3A_44)
    %mul3A_45 = arith.constant 6144 : i32
    %mul3A_46 = arith.muli %arg1, %mul3A_45 : i32
    %add3A = arith.constant 0 : i32
    %add3A_47 = arith.addi %add3A, %mul3A_46 : i32
    "tpu.region"() ({
      %run_scoped3A_67 = tpu.sem_alloc : memref<!tpu.dma_semaphore, #tpu.memory_space<semaphore_mem>>
      %dma_start3A = arith.constant 0 : i32
      %dma_start3A_68 = tpu.memref_slice %arg8[%dma_start3A] : memref<24576xf32, #tpu.memory_space<vmem>> -> memref<6144xf32, #tpu.memory_space<vmem>>
      %dma_start3A_69 = tpu.memref_slice %arg9[%add3A_47] : memref<393216xf32, #tpu.memory_space<vmem_shared>> -> memref<6144xf32, #tpu.memory_space<vmem_shared>>
      %dma_start3A_70 = arith.constant 0 : i32
      %dma_start3A_71 = tpu.memref_slice %arg8[%dma_start3A_70] : memref<24576xf32, #tpu.memory_space<vmem>> -> memref<6144xf32, #tpu.memory_space<vmem>>
      %dma_start3A_72 = tpu.memref_slice %arg9[%add3A_47] : memref<393216xf32, #tpu.memory_space<vmem_shared>> -> memref<6144xf32, #tpu.memory_space<vmem_shared>>
      tpu.enqueue_dma source(%dma_start3A_72 : memref<6144xf32, #tpu.memory_space<vmem_shared>>) target(%dma_start3A_71 : memref<6144xf32, #tpu.memory_space<vmem>>) target_semaphore(%run_scoped3A_67 : memref<!tpu.dma_semaphore, #tpu.memory_space<semaphore_mem>>)
      %dma_wait3A = arith.constant 0 : i32
      %dma_wait3A_73 = tpu.memref_slice %arg8[%dma_wait3A] : memref<24576xf32, #tpu.memory_space<vmem>> -> memref<6144xf32, #tpu.memory_space<vmem>>
      %dma_wait3A_74 = tpu.memref_slice %arg9[%add3A_47] : memref<393216xf32, #tpu.memory_space<vmem_shared>> -> memref<6144xf32, #tpu.memory_space<vmem_shared>>
      %dma_wait3A_75 = arith.constant 0 : i32
      %dma_wait3A_76 = tpu.memref_slice %arg8[%dma_wait3A_75] : memref<24576xf32, #tpu.memory_space<vmem>> -> memref<6144xf32, #tpu.memory_space<vmem>>
      %dma_wait3A_77 = tpu.memref_slice %arg9[%add3A_47] : memref<393216xf32, #tpu.memory_space<vmem_shared>> -> memref<6144xf32, #tpu.memory_space<vmem_shared>>
      tpu.wait_dma2 semaphore(%run_scoped3A_67 : memref<!tpu.dma_semaphore, #tpu.memory_space<semaphore_mem>>) src(%dma_wait3A_77 : memref<6144xf32, #tpu.memory_space<vmem_shared>>) dst(%dma_wait3A_76 : memref<6144xf32, #tpu.memory_space<vmem>>)
      tpu.yield
    }) : () -> ()
    %add3A_48 = arith.constant 98304 : i32
    %add3A_49 = arith.addi %add3A_48, %mul3A_46 : i32
    "tpu.region"() ({
      %run_scoped3A_67 = tpu.sem_alloc : memref<!tpu.dma_semaphore, #tpu.memory_space<semaphore_mem>>
      %dma_start3A = arith.constant 6144 : i32
      %dma_start3A_68 = tpu.memref_slice %arg8[%dma_start3A] : memref<24576xf32, #tpu.memory_space<vmem>> -> memref<6144xf32, #tpu.memory_space<vmem>>
      %dma_start3A_69 = tpu.memref_slice %arg9[%add3A_49] : memref<393216xf32, #tpu.memory_space<vmem_shared>> -> memref<6144xf32, #tpu.memory_space<vmem_shared>>
      %dma_start3A_70 = arith.constant 6144 : i32
      %dma_start3A_71 = tpu.memref_slice %arg8[%dma_start3A_70] : memref<24576xf32, #tpu.memory_space<vmem>> -> memref<6144xf32, #tpu.memory_space<vmem>>
      %dma_start3A_72 = tpu.memref_slice %arg9[%add3A_49] : memref<393216xf32, #tpu.memory_space<vmem_shared>> -> memref<6144xf32, #tpu.memory_space<vmem_shared>>
      tpu.enqueue_dma source(%dma_start3A_72 : memref<6144xf32, #tpu.memory_space<vmem_shared>>) target(%dma_start3A_71 : memref<6144xf32, #tpu.memory_space<vmem>>) target_semaphore(%run_scoped3A_67 : memref<!tpu.dma_semaphore, #tpu.memory_space<semaphore_mem>>)
      %dma_wait3A = arith.constant 6144 : i32
      %dma_wait3A_73 = tpu.memref_slice %arg8[%dma_wait3A] : memref<24576xf32, #tpu.memory_space<vmem>> -> memref<6144xf32, #tpu.memory_space<vmem>>
      %dma_wait3A_74 = tpu.memref_slice %arg9[%add3A_49] : memref<393216xf32, #tpu.memory_space<vmem_shared>> -> memref<6144xf32, #tpu.memory_space<vmem_shared>>
      %dma_wait3A_75 = arith.constant 6144 : i32
      %dma_wait3A_76 = tpu.memref_slice %arg8[%dma_wait3A_75] : memref<24576xf32, #tpu.memory_space<vmem>> -> memref<6144xf32, #tpu.memory_space<vmem>>
      %dma_wait3A_77 = tpu.memref_slice %arg9[%add3A_49] : memref<393216xf32, #tpu.memory_space<vmem_shared>> -> memref<6144xf32, #tpu.memory_space<vmem_shared>>
      tpu.wait_dma2 semaphore(%run_scoped3A_67 : memref<!tpu.dma_semaphore, #tpu.memory_space<semaphore_mem>>) src(%dma_wait3A_77 : memref<6144xf32, #tpu.memory_space<vmem_shared>>) dst(%dma_wait3A_76 : memref<6144xf32, #tpu.memory_space<vmem>>)
      tpu.yield
    }) : () -> ()
    %add3A_50 = arith.constant 196608 : i32
    %add3A_51 = arith.addi %add3A_50, %mul3A_46 : i32
    "tpu.region"() ({
      %run_scoped3A_67 = tpu.sem_alloc : memref<!tpu.dma_semaphore, #tpu.memory_space<semaphore_mem>>
      %dma_start3A = arith.constant 12288 : i32
      %dma_start3A_68 = tpu.memref_slice %arg8[%dma_start3A] : memref<24576xf32, #tpu.memory_space<vmem>> -> memref<6144xf32, #tpu.memory_space<vmem>>
      %dma_start3A_69 = tpu.memref_slice %arg9[%add3A_51] : memref<393216xf32, #tpu.memory_space<vmem_shared>> -> memref<6144xf32, #tpu.memory_space<vmem_shared>>
      %dma_start3A_70 = arith.constant 12288 : i32
      %dma_start3A_71 = tpu.memref_slice %arg8[%dma_start3A_70] : memref<24576xf32, #tpu.memory_space<vmem>> -> memref<6144xf32, #tpu.memory_space<vmem>>
      %dma_start3A_72 = tpu.memref_slice %arg9[%add3A_51] : memref<393216xf32, #tpu.memory_space<vmem_shared>> -> memref<6144xf32, #tpu.memory_space<vmem_shared>>
      tpu.enqueue_dma source(%dma_start3A_72 : memref<6144xf32, #tpu.memory_space<vmem_shared>>) target(%dma_start3A_71 : memref<6144xf32, #tpu.memory_space<vmem>>) target_semaphore(%run_scoped3A_67 : memref<!tpu.dma_semaphore, #tpu.memory_space<semaphore_mem>>)
      %dma_wait3A = arith.constant 12288 : i32
      %dma_wait3A_73 = tpu.memref_slice %arg8[%dma_wait3A] : memref<24576xf32, #tpu.memory_space<vmem>> -> memref<6144xf32, #tpu.memory_space<vmem>>
      %dma_wait3A_74 = tpu.memref_slice %arg9[%add3A_51] : memref<393216xf32, #tpu.memory_space<vmem_shared>> -> memref<6144xf32, #tpu.memory_space<vmem_shared>>
      %dma_wait3A_75 = arith.constant 12288 : i32
      %dma_wait3A_76 = tpu.memref_slice %arg8[%dma_wait3A_75] : memref<24576xf32, #tpu.memory_space<vmem>> -> memref<6144xf32, #tpu.memory_space<vmem>>
      %dma_wait3A_77 = tpu.memref_slice %arg9[%add3A_51] : memref<393216xf32, #tpu.memory_space<vmem_shared>> -> memref<6144xf32, #tpu.memory_space<vmem_shared>>
      tpu.wait_dma2 semaphore(%run_scoped3A_67 : memref<!tpu.dma_semaphore, #tpu.memory_space<semaphore_mem>>) src(%dma_wait3A_77 : memref<6144xf32, #tpu.memory_space<vmem_shared>>) dst(%dma_wait3A_76 : memref<6144xf32, #tpu.memory_space<vmem>>)
      tpu.yield
    }) : () -> ()
    %add3A_52 = arith.constant 294912 : i32
    %add3A_53 = arith.addi %add3A_52, %mul3A_46 : i32
    "tpu.region"() ({
      %run_scoped3A_67 = tpu.sem_alloc : memref<!tpu.dma_semaphore, #tpu.memory_space<semaphore_mem>>
      %dma_start3A = arith.constant 18432 : i32
      %dma_start3A_68 = tpu.memref_slice %arg8[%dma_start3A] : memref<24576xf32, #tpu.memory_space<vmem>> -> memref<6144xf32, #tpu.memory_space<vmem>>
      %dma_start3A_69 = tpu.memref_slice %arg9[%add3A_53] : memref<393216xf32, #tpu.memory_space<vmem_shared>> -> memref<6144xf32, #tpu.memory_space<vmem_shared>>
      %dma_start3A_70 = arith.constant 18432 : i32
      %dma_start3A_71 = tpu.memref_slice %arg8[%dma_start3A_70] : memref<24576xf32, #tpu.memory_space<vmem>> -> memref<6144xf32, #tpu.memory_space<vmem>>
      %dma_start3A_72 = tpu.memref_slice %arg9[%add3A_53] : memref<393216xf32, #tpu.memory_space<vmem_shared>> -> memref<6144xf32, #tpu.memory_space<vmem_shared>>
      tpu.enqueue_dma source(%dma_start3A_72 : memref<6144xf32, #tpu.memory_space<vmem_shared>>) target(%dma_start3A_71 : memref<6144xf32, #tpu.memory_space<vmem>>) target_semaphore(%run_scoped3A_67 : memref<!tpu.dma_semaphore, #tpu.memory_space<semaphore_mem>>)
      %dma_wait3A = arith.constant 18432 : i32
      %dma_wait3A_73 = tpu.memref_slice %arg8[%dma_wait3A] : memref<24576xf32, #tpu.memory_space<vmem>> -> memref<6144xf32, #tpu.memory_space<vmem>>
      %dma_wait3A_74 = tpu.memref_slice %arg9[%add3A_53] : memref<393216xf32, #tpu.memory_space<vmem_shared>> -> memref<6144xf32, #tpu.memory_space<vmem_shared>>
      %dma_wait3A_75 = arith.constant 18432 : i32
      %dma_wait3A_76 = tpu.memref_slice %arg8[%dma_wait3A_75] : memref<24576xf32, #tpu.memory_space<vmem>> -> memref<6144xf32, #tpu.memory_space<vmem>>
      %dma_wait3A_77 = tpu.memref_slice %arg9[%add3A_53] : memref<393216xf32, #tpu.memory_space<vmem_shared>> -> memref<6144xf32, #tpu.memory_space<vmem_shared>>
      tpu.wait_dma2 semaphore(%run_scoped3A_67 : memref<!tpu.dma_semaphore, #tpu.memory_space<semaphore_mem>>) src(%dma_wait3A_77 : memref<6144xf32, #tpu.memory_space<vmem_shared>>) dst(%dma_wait3A_76 : memref<6144xf32, #tpu.memory_space<vmem>>)
      tpu.yield
    }) : () -> ()
    %scan3A = arith.constant 0 : i32
    %scan3A_54 = arith.constant 0 : i32
    %scan3A_55 = arith.constant 384 : i32
    %scan3A_56 = arith.addi %scan3A_54, %scan3A_55 : i32
    %scan3A_57 = arith.constant 1 : i32
    scf.for %scan3A_67 = %scan3A_54 to %scan3A_56 step %scan3A_57  : i32 {
      %mul3A_68 = arith.constant 16 : i32
      %mul3A_69 = arith.muli %scan3A_67, %mul3A_68 : i32
      %add3A_70 = arith.constant 18432 : i32
      %add3A_71 = arith.addi %add3A_70, %mul3A_69 : i32
      %get3A = arith.index_cast %add3A_71 : i32 to index
      %get3A_72 = tpu.vector_load %arg8[%get3A] {strides = array<i32>} : memref<24576xf32, #tpu.memory_space<vmem>>, vector<16xf32>,
      %get3A_73 = vector.shape_cast %get3A_72 : vector<16xf32> to vector<16xf32>
      %max3A = arith.constant 9.99999993E-9 : f32
      %max3A_74 = vector.broadcast %max3A : f32 to vector<16xf32>
      %max3A_75 = arith.maximumf %get3A_73, %max3A_74 : vector<16xf32>
      %add3A_76 = arith.constant 0 : i32
      %add3A_77 = arith.addi %add3A_76, %mul3A_69 : i32
      %get3A_78 = arith.index_cast %add3A_77 : i32 to index
      %get3A_79 = tpu.vector_load %arg8[%get3A_78] {strides = array<i32>} : memref<24576xf32, #tpu.memory_space<vmem>>, vector<16xf32>,
      %get3A_80 = vector.shape_cast %get3A_79 : vector<16xf32> to vector<16xf32>
      %div3A = arith.divf %get3A_80, %max3A_75 : vector<16xf32>
      %add3A_81 = arith.constant 0 : i32
      %add3A_82 = arith.addi %add3A_81, %mul3A_69 : i32
      %swap3A = arith.index_cast %add3A_82 : i32 to index
      %swap3A_83 = tpu.vector_load %arg8[%swap3A] {strides = array<i32>} : memref<24576xf32, #tpu.memory_space<vmem>>, vector<16xf32>,
      %swap3A_84 = vector.shape_cast %swap3A_83 : vector<16xf32> to vector<16xf32>
      %swap3A_85 = vector.shape_cast %div3A : vector<16xf32> to vector<16xf32>
      tpu.vector_store %arg8[%swap3A], %swap3A_85 {strides = array<i32>} : memref<24576xf32, #tpu.memory_space<vmem>>, vector<16xf32>,
      %add3A_86 = arith.constant 6144 : i32
      %add3A_87 = arith.addi %add3A_86, %mul3A_69 : i32
      %get3A_88 = arith.index_cast %add3A_87 : i32 to index
      %get3A_89 = tpu.vector_load %arg8[%get3A_88] {strides = array<i32>} : memref<24576xf32, #tpu.memory_space<vmem>>, vector<16xf32>,
      %get3A_90 = vector.shape_cast %get3A_89 : vector<16xf32> to vector<16xf32>
      %div3A_91 = arith.divf %get3A_90, %max3A_75 : vector<16xf32>
      %add3A_92 = arith.constant 6144 : i32
      %add3A_93 = arith.addi %add3A_92, %mul3A_69 : i32
      %swap3A_94 = arith.index_cast %add3A_93 : i32 to index
      %swap3A_95 = tpu.vector_load %arg8[%swap3A_94] {strides = array<i32>} : memref<24576xf32, #tpu.memory_space<vmem>>, vector<16xf32>,
      %swap3A_96 = vector.shape_cast %swap3A_95 : vector<16xf32> to vector<16xf32>
      %swap3A_97 = vector.shape_cast %div3A_91 : vector<16xf32> to vector<16xf32>
      tpu.vector_store %arg8[%swap3A_94], %swap3A_97 {strides = array<i32>} : memref<24576xf32, #tpu.memory_space<vmem>>, vector<16xf32>,
      %add3A_98 = arith.constant 12288 : i32
      %add3A_99 = arith.addi %add3A_98, %mul3A_69 : i32
      %get3A_100 = arith.index_cast %add3A_99 : i32 to index
      %get3A_101 = tpu.vector_load %arg8[%get3A_100] {strides = array<i32>} : memref<24576xf32, #tpu.memory_space<vmem>>, vector<16xf32>,
      %get3A_102 = vector.shape_cast %get3A_101 : vector<16xf32> to vector<16xf32>
      %div3A_103 = arith.divf %get3A_102, %max3A_75 : vector<16xf32>
      %add3A_104 = arith.constant 12288 : i32
      %add3A_105 = arith.addi %add3A_104, %mul3A_69 : i32
      %swap3A_106 = arith.index_cast %add3A_105 : i32 to index
      %swap3A_107 = tpu.vector_load %arg8[%swap3A_106] {strides = array<i32>} : memref<24576xf32, #tpu.memory_space<vmem>>, vector<16xf32>,
      %swap3A_108 = vector.shape_cast %swap3A_107 : vector<16xf32> to vector<16xf32>
      %swap3A_109 = vector.shape_cast %div3A_103 : vector<16xf32> to vector<16xf32>
      tpu.vector_store %arg8[%swap3A_106], %swap3A_109 {strides = array<i32>} : memref<24576xf32, #tpu.memory_space<vmem>>, vector<16xf32>,
      %gt3A = arith.constant 0.000000e+00 : f32
      %gt3A_110 = vector.broadcast %gt3A : f32 to vector<16xf32>
      %gt3A_111 = arith.cmpf ogt, %get3A_73, %gt3A_110 : vector<16xf32>
      %jit3A = arith.constant 1.000000e+00 : f32
      %jit3A_112 = arith.constant 0.000000e+00 : f32
      %broadcast_in_dim3A = vector.broadcast %jit3A : f32 to vector<16xf32>
      %broadcast_in_dim3A_113 = vector.broadcast %jit3A_112 : f32 to vector<16xf32>
      %select_n3A = arith.select %gt3A_111, %broadcast_in_dim3A, %broadcast_in_dim3A_113 : vector<16xi1>, vector<16xf32>
      %add3A_114 = arith.constant 18432 : i32
      %add3A_115 = arith.addi %add3A_114, %mul3A_69 : i32
      %swap3A_116 = arith.index_cast %add3A_115 : i32 to index
      %swap3A_117 = tpu.vector_load %arg8[%swap3A_116] {strides = array<i32>} : memref<24576xf32, #tpu.memory_space<vmem>>, vector<16xf32>,
      %swap3A_118 = vector.shape_cast %swap3A_117 : vector<16xf32> to vector<16xf32>
      %swap3A_119 = vector.shape_cast %select_n3A : vector<16xf32> to vector<16xf32>
      tpu.vector_store %arg8[%swap3A_116], %swap3A_119 {strides = array<i32>} : memref<24576xf32, #tpu.memory_space<vmem>>, vector<16xf32>,
    }
    %scan3A_58 = arith.constant 384 : i32
    %add3A_59 = arith.constant 0 : i32
    %add3A_60 = arith.addi %add3A_59, %mul3A_46 : i32
    "tpu.region"() ({
      %run_scoped3A_67 = tpu.sem_alloc : memref<!tpu.dma_semaphore, #tpu.memory_space<semaphore_mem>>
      %dma_start3A = arith.constant 0 : i32
      %dma_start3A_68 = tpu.memref_slice %arg8[%dma_start3A] : memref<24576xf32, #tpu.memory_space<vmem>> -> memref<6144xf32, #tpu.memory_space<vmem>>
      %dma_start3A_69 = tpu.memref_slice %arg5[%add3A_60] : memref<393216xf32, #tpu.memory_space<hbm>> -> memref<6144xf32, #tpu.memory_space<hbm>>
      %dma_start3A_70 = tpu.memref_slice %arg5[%add3A_60] : memref<393216xf32, #tpu.memory_space<hbm>> -> memref<6144xf32, #tpu.memory_space<hbm>>
      %dma_start3A_71 = arith.constant 0 : i32
      %dma_start3A_72 = tpu.memref_slice %arg8[%dma_start3A_71] : memref<24576xf32, #tpu.memory_space<vmem>> -> memref<6144xf32, #tpu.memory_space<vmem>>
      tpu.enqueue_dma source(%dma_start3A_72 : memref<6144xf32, #tpu.memory_space<vmem>>) target(%dma_start3A_70 : memref<6144xf32, #tpu.memory_space<hbm>>) target_semaphore(%run_scoped3A_67 : memref<!tpu.dma_semaphore, #tpu.memory_space<semaphore_mem>>)
      %dma_wait3A = arith.constant 0 : i32
      %dma_wait3A_73 = tpu.memref_slice %arg8[%dma_wait3A] : memref<24576xf32, #tpu.memory_space<vmem>> -> memref<6144xf32, #tpu.memory_space<vmem>>
      %dma_wait3A_74 = tpu.memref_slice %arg5[%add3A_60] : memref<393216xf32, #tpu.memory_space<hbm>> -> memref<6144xf32, #tpu.memory_space<hbm>>
      %dma_wait3A_75 = tpu.memref_slice %arg5[%add3A_60] : memref<393216xf32, #tpu.memory_space<hbm>> -> memref<6144xf32, #tpu.memory_space<hbm>>
      %dma_wait3A_76 = arith.constant 0 : i32
      %dma_wait3A_77 = tpu.memref_slice %arg8[%dma_wait3A_76] : memref<24576xf32, #tpu.memory_space<vmem>> -> memref<6144xf32, #tpu.memory_space<vmem>>
      tpu.wait_dma2 semaphore(%run_scoped3A_67 : memref<!tpu.dma_semaphore, #tpu.memory_space<semaphore_mem>>) src(%dma_wait3A_77 : memref<6144xf32, #tpu.memory_space<vmem>>) dst(%dma_wait3A_75 : memref<6144xf32, #tpu.memory_space<hbm>>)
      tpu.yield
    }) : () -> ()
    %add3A_61 = arith.constant 98304 : i32
    %add3A_62 = arith.addi %add3A_61, %mul3A_46 : i32
    "tpu.region"() ({
      %run_scoped3A_67 = tpu.sem_alloc : memref<!tpu.dma_semaphore, #tpu.memory_space<semaphore_mem>>
      %dma_start3A = arith.constant 6144 : i32
      %dma_start3A_68 = tpu.memref_slice %arg8[%dma_start3A] : memref<24576xf32, #tpu.memory_space<vmem>> -> memref<6144xf32, #tpu.memory_space<vmem>>
      %dma_start3A_69 = tpu.memref_slice %arg5[%add3A_62] : memref<393216xf32, #tpu.memory_space<hbm>> -> memref<6144xf32, #tpu.memory_space<hbm>>
      %dma_start3A_70 = tpu.memref_slice %arg5[%add3A_62] : memref<393216xf32, #tpu.memory_space<hbm>> -> memref<6144xf32, #tpu.memory_space<hbm>>
      %dma_start3A_71 = arith.constant 6144 : i32
      %dma_start3A_72 = tpu.memref_slice %arg8[%dma_start3A_71] : memref<24576xf32, #tpu.memory_space<vmem>> -> memref<6144xf32, #tpu.memory_space<vmem>>
      tpu.enqueue_dma source(%dma_start3A_72 : memref<6144xf32, #tpu.memory_space<vmem>>) target(%dma_start3A_70 : memref<6144xf32, #tpu.memory_space<hbm>>) target_semaphore(%run_scoped3A_67 : memref<!tpu.dma_semaphore, #tpu.memory_space<semaphore_mem>>)
      %dma_wait3A = arith.constant 6144 : i32
      %dma_wait3A_73 = tpu.memref_slice %arg8[%dma_wait3A] : memref<24576xf32, #tpu.memory_space<vmem>> -> memref<6144xf32, #tpu.memory_space<vmem>>
      %dma_wait3A_74 = tpu.memref_slice %arg5[%add3A_62] : memref<393216xf32, #tpu.memory_space<hbm>> -> memref<6144xf32, #tpu.memory_space<hbm>>
      %dma_wait3A_75 = tpu.memref_slice %arg5[%add3A_62] : memref<393216xf32, #tpu.memory_space<hbm>> -> memref<6144xf32, #tpu.memory_space<hbm>>
      %dma_wait3A_76 = arith.constant 6144 : i32
      %dma_wait3A_77 = tpu.memref_slice %arg8[%dma_wait3A_76] : memref<24576xf32, #tpu.memory_space<vmem>> -> memref<6144xf32, #tpu.memory_space<vmem>>
      tpu.wait_dma2 semaphore(%run_scoped3A_67 : memref<!tpu.dma_semaphore, #tpu.memory_space<semaphore_mem>>) src(%dma_wait3A_77 : memref<6144xf32, #tpu.memory_space<vmem>>) dst(%dma_wait3A_75 : memref<6144xf32, #tpu.memory_space<hbm>>)
      tpu.yield
    }) : () -> ()
    %add3A_63 = arith.constant 196608 : i32
    %add3A_64 = arith.addi %add3A_63, %mul3A_46 : i32
    "tpu.region"() ({
      %run_scoped3A_67 = tpu.sem_alloc : memref<!tpu.dma_semaphore, #tpu.memory_space<semaphore_mem>>
      %dma_start3A = arith.constant 12288 : i32
      %dma_start3A_68 = tpu.memref_slice %arg8[%dma_start3A] : memref<24576xf32, #tpu.memory_space<vmem>> -> memref<6144xf32, #tpu.memory_space<vmem>>
      %dma_start3A_69 = tpu.memref_slice %arg5[%add3A_64] : memref<393216xf32, #tpu.memory_space<hbm>> -> memref<6144xf32, #tpu.memory_space<hbm>>
      %dma_start3A_70 = tpu.memref_slice %arg5[%add3A_64] : memref<393216xf32, #tpu.memory_space<hbm>> -> memref<6144xf32, #tpu.memory_space<hbm>>
      %dma_start3A_71 = arith.constant 12288 : i32
      %dma_start3A_72 = tpu.memref_slice %arg8[%dma_start3A_71] : memref<24576xf32, #tpu.memory_space<vmem>> -> memref<6144xf32, #tpu.memory_space<vmem>>
      tpu.enqueue_dma source(%dma_start3A_72 : memref<6144xf32, #tpu.memory_space<vmem>>) target(%dma_start3A_70 : memref<6144xf32, #tpu.memory_space<hbm>>) target_semaphore(%run_scoped3A_67 : memref<!tpu.dma_semaphore, #tpu.memory_space<semaphore_mem>>)
      %dma_wait3A = arith.constant 12288 : i32
      %dma_wait3A_73 = tpu.memref_slice %arg8[%dma_wait3A] : memref<24576xf32, #tpu.memory_space<vmem>> -> memref<6144xf32, #tpu.memory_space<vmem>>
      %dma_wait3A_74 = tpu.memref_slice %arg5[%add3A_64] : memref<393216xf32, #tpu.memory_space<hbm>> -> memref<6144xf32, #tpu.memory_space<hbm>>
      %dma_wait3A_75 = tpu.memref_slice %arg5[%add3A_64] : memref<393216xf32, #tpu.memory_space<hbm>> -> memref<6144xf32, #tpu.memory_space<hbm>>
      %dma_wait3A_76 = arith.constant 12288 : i32
      %dma_wait3A_77 = tpu.memref_slice %arg8[%dma_wait3A_76] : memref<24576xf32, #tpu.memory_space<vmem>> -> memref<6144xf32, #tpu.memory_space<vmem>>
      tpu.wait_dma2 semaphore(%run_scoped3A_67 : memref<!tpu.dma_semaphore, #tpu.memory_space<semaphore_mem>>) src(%dma_wait3A_77 : memref<6144xf32, #tpu.memory_space<vmem>>) dst(%dma_wait3A_75 : memref<6144xf32, #tpu.memory_space<hbm>>)
      tpu.yield
    }) : () -> ()
    %add3A_65 = arith.constant 294912 : i32
    %add3A_66 = arith.addi %add3A_65, %mul3A_46 : i32
    "tpu.region"() ({
      %run_scoped3A_67 = tpu.sem_alloc : memref<!tpu.dma_semaphore, #tpu.memory_space<semaphore_mem>>
      %dma_start3A = arith.constant 18432 : i32
      %dma_start3A_68 = tpu.memref_slice %arg8[%dma_start3A] : memref<24576xf32, #tpu.memory_space<vmem>> -> memref<6144xf32, #tpu.memory_space<vmem>>
      %dma_start3A_69 = tpu.memref_slice %arg5[%add3A_66] : memref<393216xf32, #tpu.memory_space<hbm>> -> memref<6144xf32, #tpu.memory_space<hbm>>
      %dma_start3A_70 = tpu.memref_slice %arg5[%add3A_66] : memref<393216xf32, #tpu.memory_space<hbm>> -> memref<6144xf32, #tpu.memory_space<hbm>>
      %dma_start3A_71 = arith.constant 18432 : i32
      %dma_start3A_72 = tpu.memref_slice %arg8[%dma_start3A_71] : memref<24576xf32, #tpu.memory_space<vmem>> -> memref<6144xf32, #tpu.memory_space<vmem>>
      tpu.enqueue_dma source(%dma_start3A_72 : memref<6144xf32, #tpu.memory_space<vmem>>) target(%dma_start3A_70 : memref<6144xf32, #tpu.memory_space<hbm>>) target_semaphore(%run_scoped3A_67 : memref<!tpu.dma_semaphore, #tpu.memory_space<semaphore_mem>>)
      %dma_wait3A = arith.constant 18432 : i32
      %dma_wait3A_73 = tpu.memref_slice %arg8[%dma_wait3A] : memref<24576xf32, #tpu.memory_space<vmem>> -> memref<6144xf32, #tpu.memory_space<vmem>>
      %dma_wait3A_74 = tpu.memref_slice %arg5[%add3A_66] : memref<393216xf32, #tpu.memory_space<hbm>> -> memref<6144xf32, #tpu.memory_space<hbm>>
      %dma_wait3A_75 = tpu.memref_slice %arg5[%add3A_66] : memref<393216xf32, #tpu.memory_space<hbm>> -> memref<6144xf32, #tpu.memory_space<hbm>>
      %dma_wait3A_76 = arith.constant 18432 : i32
      %dma_wait3A_77 = tpu.memref_slice %arg8[%dma_wait3A_76] : memref<24576xf32, #tpu.memory_space<vmem>> -> memref<6144xf32, #tpu.memory_space<vmem>>
      tpu.wait_dma2 semaphore(%run_scoped3A_67 : memref<!tpu.dma_semaphore, #tpu.memory_space<semaphore_mem>>) src(%dma_wait3A_77 : memref<6144xf32, #tpu.memory_space<vmem>>) dst(%dma_wait3A_75 : memref<6144xf32, #tpu.memory_space<hbm>>)
      tpu.yield
    }) : () -> ()
    return
  }
}

module attributes {stable_mosaic.version = 14 : i64} {
  func.func @_knn_body(%arg0: i32, %arg1: memref<10240x8xf32, #tpu.memory_space<vmem>>, %arg2: memref<8x128xf32, #tpu.memory_space<vmem>>, %arg3: memref<10240x1xf32, #tpu.memory_space<vmem>>, %arg4: memref<1x128xf32, #tpu.memory_space<vmem>>, %arg5: memref<1x1x128xf32, #tpu.memory_space<vmem>>, %arg6: memref<10240x128xf32, #tpu.memory_space<vmem>>) attributes {dimension_semantics = [#tpu.dimension_semantics<arbitrary>], iteration_bounds = array<i64: 80>, scalar_prefetch = 0 : i64, scratch_operands = 1 : i64, tpu.core_type = #tpu.core_type<tc>, window_params = [{pipeline_mode = #tpu.pipeline_mode<synchronous>, transform_indices = @transform_0, window_bounds = array<i64: 10240, 8>}, {transform_indices = @transform_1, window_bounds = array<i64: 8, 128>}, {pipeline_mode = #tpu.pipeline_mode<synchronous>, transform_indices = @transform_2, window_bounds = array<i64: 10240, 1>}, {transform_indices = @transform_3, window_bounds = array<i64: 1, 128>}, {transform_indices = @transform_4, window_bounds = array<i64: 1, 1, 128>}]} {
    %get3A = arith.constant 0 : index
    %get3A_0 = arith.constant 0 : index
    %get3A_1 = vector.load %arg2[%get3A, %get3A_0] : memref<8x128xf32, #tpu.memory_space<vmem>>, vector<8x128xf32>
    %get3A_2 = arith.constant 0 : index
    %get3A_3 = arith.constant 0 : index
    %get3A_4 = vector.load %arg1[%get3A_2, %get3A_3] : memref<10240x8xf32, #tpu.memory_space<vmem>>, vector<10240x8xf32>
    %convert_element_type3A = arith.truncf %get3A_4 : vector<10240x8xf32> to vector<10240x8xbf16>
    %convert_element_type3A_5 = arith.truncf %get3A_1 : vector<8x128xf32> to vector<8x128xbf16>
    %dot_general3A = arith.constant dense<0.000000e+00> : vector<10240x128xf32>
    %dot_general3A_6 = tpu.matmul %convert_element_type3A, %convert_element_type3A_5, %dot_general3A {dimension_numbers = #tpu.dot_dimension_numbers<[1], [0], [0], [1], [0, 0, 1, 1], [], []>, transpose_lhs_hint = false} : vector<10240x8xbf16>, vector<8x128xbf16>, vector<10240x128xf32> -> vector<10240x128xf32>
    %get3A_7 = arith.constant 0 : index
    %get3A_8 = arith.constant 0 : index
    %get3A_9 = vector.load %arg3[%get3A_7, %get3A_8] : memref<10240x1xf32, #tpu.memory_space<vmem>>, vector<10240x1xf32>
    %get3A_10 = arith.constant 0 : index
    %get3A_11 = arith.constant 0 : index
    %get3A_12 = vector.load %arg4[%get3A_10, %get3A_11] : memref<1x128xf32, #tpu.memory_space<vmem>>, vector<1x128xf32>
    %add3A = vector.broadcast %get3A_9 : vector<10240x1xf32> to vector<10240x128xf32>
    %add3A_13 = vector.broadcast %get3A_12 : vector<1x128xf32> to vector<10240x128xf32>
    %add3A_14 = arith.addf %add3A, %add3A_13 : vector<10240x128xf32>
    %mul3A = arith.constant 2.000000e+00 : f32
    %mul3A_15 = vector.broadcast %mul3A : f32 to vector<10240x128xf32>
    %mul3A_16 = arith.mulf %mul3A_15, %dot_general3A_6 : vector<10240x128xf32>
    %sub3A = arith.subf %add3A_14, %mul3A_16 : vector<10240x128xf32>
    %swap3A = arith.constant 0 : index
    %swap3A_17 = arith.constant 0 : index
    %swap3A_18 = vector.load %arg6[%swap3A, %swap3A_17] : memref<10240x128xf32, #tpu.memory_space<vmem>>, vector<10240x128xf32>
    tpu.vector_store %arg6[%swap3A, %swap3A_17], %sub3A {strides = array<i32>} : memref<10240x128xf32, #tpu.memory_space<vmem>>, vector<10240x128xf32>,
    %broadcast_in_dim3A = arith.constant 0x7F800000 : f32
    %broadcast_in_dim3A_19 = vector.broadcast %broadcast_in_dim3A : f32 to vector<8x128xf32>
    %scan3A = arith.constant 0 : i32
    %scan3A_20 = arith.constant 160 : i32
    %scan3A_21 = arith.addi %scan3A, %scan3A_20 : i32
    %scan3A_22 = arith.constant 1 : i32
    %scan3A_23:18 = scf.for %scan3A_289 = %scan3A to %scan3A_21 step %scan3A_22 iter_args(%scan3A_290 = %broadcast_in_dim3A_19, %scan3A_291 = %broadcast_in_dim3A_19, %scan3A_292 = %broadcast_in_dim3A_19, %scan3A_293 = %broadcast_in_dim3A_19, %scan3A_294 = %broadcast_in_dim3A_19, %scan3A_295 = %broadcast_in_dim3A_19, %scan3A_296 = %broadcast_in_dim3A_19, %scan3A_297 = %broadcast_in_dim3A_19, %scan3A_298 = %broadcast_in_dim3A_19, %scan3A_299 = %broadcast_in_dim3A_19, %scan3A_300 = %broadcast_in_dim3A_19, %scan3A_301 = %broadcast_in_dim3A_19, %scan3A_302 = %broadcast_in_dim3A_19, %scan3A_303 = %broadcast_in_dim3A_19, %scan3A_304 = %broadcast_in_dim3A_19, %scan3A_305 = %broadcast_in_dim3A_19, %scan3A_306 = %broadcast_in_dim3A_19, %scan3A_307 = %broadcast_in_dim3A_19) -> (vector<8x128xf32>, vector<8x128xf32>, vector<8x128xf32>, vector<8x128xf32>, vector<8x128xf32>, vector<8x128xf32>, vector<8x128xf32>, vector<8x128xf32>, vector<8x128xf32>, vector<8x128xf32>, vector<8x128xf32>, vector<8x128xf32>, vector<8x128xf32>, vector<8x128xf32>, vector<8x128xf32>, vector<8x128xf32>, vector<8x128xf32>, vector<8x128xf32>)  : i32 {
      %mul3A_308 = arith.constant 64 : i32
      %mul3A_309 = arith.muli %scan3A_289, %mul3A_308 : i32
      %add3A_310 = arith.constant 0 : i32
      %add3A_311 = arith.addi %mul3A_309, %add3A_310 : i32
      %get3A_312 = arith.index_cast %add3A_311 : i32 to index
      %get3A_313 = arith.constant 0 : index
      %get3A_314 = vector.load %arg6[%get3A_312, %get3A_313] : memref<10240x128xf32, #tpu.memory_space<vmem>>, vector<8x128xf32>
      %add3A_315 = arith.constant 8 : i32
      %add3A_316 = arith.addi %mul3A_309, %add3A_315 : i32
      %get3A_317 = arith.index_cast %add3A_316 : i32 to index
      %get3A_318 = arith.constant 0 : index
      %get3A_319 = vector.load %arg6[%get3A_317, %get3A_318] : memref<10240x128xf32, #tpu.memory_space<vmem>>, vector<8x128xf32>
      %min3A_320 = arith.minimumf %scan3A_298, %get3A_314 : vector<8x128xf32>
      %min3A_321 = arith.minimumf %scan3A_307, %get3A_319 : vector<8x128xf32>
      %min3A_322 = arith.minimumf %scan3A_297, %min3A_320 : vector<8x128xf32>
      %max3A_323 = arith.maximumf %scan3A_297, %min3A_320 : vector<8x128xf32>
      %min3A_324 = arith.minimumf %scan3A_306, %min3A_321 : vector<8x128xf32>
      %max3A_325 = arith.maximumf %scan3A_306, %min3A_321 : vector<8x128xf32>
      %min3A_326 = arith.minimumf %scan3A_296, %min3A_322 : vector<8x128xf32>
      %max3A_327 = arith.maximumf %scan3A_296, %min3A_322 : vector<8x128xf32>
      %min3A_328 = arith.minimumf %scan3A_305, %min3A_324 : vector<8x128xf32>
      %max3A_329 = arith.maximumf %scan3A_305, %min3A_324 : vector<8x128xf32>
      %min3A_330 = arith.minimumf %scan3A_295, %min3A_326 : vector<8x128xf32>
      %max3A_331 = arith.maximumf %scan3A_295, %min3A_326 : vector<8x128xf32>
      %min3A_332 = arith.minimumf %scan3A_304, %min3A_328 : vector<8x128xf32>
      %max3A_333 = arith.maximumf %scan3A_304, %min3A_328 : vector<8x128xf32>
      %min3A_334 = arith.minimumf %scan3A_294, %min3A_330 : vector<8x128xf32>
      %max3A_335 = arith.maximumf %scan3A_294, %min3A_330 : vector<8x128xf32>
      %min3A_336 = arith.minimumf %scan3A_303, %min3A_332 : vector<8x128xf32>
      %max3A_337 = arith.maximumf %scan3A_303, %min3A_332 : vector<8x128xf32>
      %min3A_338 = arith.minimumf %scan3A_293, %min3A_334 : vector<8x128xf32>
      %max3A_339 = arith.maximumf %scan3A_293, %min3A_334 : vector<8x128xf32>
      %min3A_340 = arith.minimumf %scan3A_302, %min3A_336 : vector<8x128xf32>
      %max3A_341 = arith.maximumf %scan3A_302, %min3A_336 : vector<8x128xf32>
      %min3A_342 = arith.minimumf %scan3A_292, %min3A_338 : vector<8x128xf32>
      %max3A_343 = arith.maximumf %scan3A_292, %min3A_338 : vector<8x128xf32>
      %min3A_344 = arith.minimumf %scan3A_301, %min3A_340 : vector<8x128xf32>
      %max3A_345 = arith.maximumf %scan3A_301, %min3A_340 : vector<8x128xf32>
      %min3A_346 = arith.minimumf %scan3A_291, %min3A_342 : vector<8x128xf32>
      %max3A_347 = arith.maximumf %scan3A_291, %min3A_342 : vector<8x128xf32>
      %min3A_348 = arith.minimumf %scan3A_300, %min3A_344 : vector<8x128xf32>
      %max3A_349 = arith.maximumf %scan3A_300, %min3A_344 : vector<8x128xf32>
      %min3A_350 = arith.minimumf %scan3A_290, %min3A_346 : vector<8x128xf32>
      %max3A_351 = arith.maximumf %scan3A_290, %min3A_346 : vector<8x128xf32>
      %min3A_352 = arith.minimumf %scan3A_299, %min3A_348 : vector<8x128xf32>
      %max3A_353 = arith.maximumf %scan3A_299, %min3A_348 : vector<8x128xf32>
      %add3A_354 = arith.constant 16 : i32
      %add3A_355 = arith.addi %mul3A_309, %add3A_354 : i32
      %get3A_356 = arith.index_cast %add3A_355 : i32 to index
      %get3A_357 = arith.constant 0 : index
      %get3A_358 = vector.load %arg6[%get3A_356, %get3A_357] : memref<10240x128xf32, #tpu.memory_space<vmem>>, vector<8x128xf32>
      %add3A_359 = arith.constant 24 : i32
      %add3A_360 = arith.addi %mul3A_309, %add3A_359 : i32
      %get3A_361 = arith.index_cast %add3A_360 : i32 to index
      %get3A_362 = arith.constant 0 : index
      %get3A_363 = vector.load %arg6[%get3A_361, %get3A_362] : memref<10240x128xf32, #tpu.memory_space<vmem>>, vector<8x128xf32>
      %min3A_364 = arith.minimumf %max3A_323, %get3A_358 : vector<8x128xf32>
      %min3A_365 = arith.minimumf %max3A_325, %get3A_363 : vector<8x128xf32>
      %min3A_366 = arith.minimumf %max3A_327, %min3A_364 : vector<8x128xf32>
      %max3A_367 = arith.maximumf %max3A_327, %min3A_364 : vector<8x128xf32>
      %min3A_368 = arith.minimumf %max3A_329, %min3A_365 : vector<8x128xf32>
      %max3A_369 = arith.maximumf %max3A_329, %min3A_365 : vector<8x128xf32>
      %min3A_370 = arith.minimumf %max3A_331, %min3A_366 : vector<8x128xf32>
      %max3A_371 = arith.maximumf %max3A_331, %min3A_366 : vector<8x128xf32>
      %min3A_372 = arith.minimumf %max3A_333, %min3A_368 : vector<8x128xf32>
      %max3A_373 = arith.maximumf %max3A_333, %min3A_368 : vector<8x128xf32>
      %min3A_374 = arith.minimumf %max3A_335, %min3A_370 : vector<8x128xf32>
      %max3A_375 = arith.maximumf %max3A_335, %min3A_370 : vector<8x128xf32>
      %min3A_376 = arith.minimumf %max3A_337, %min3A_372 : vector<8x128xf32>
      %max3A_377 = arith.maximumf %max3A_337, %min3A_372 : vector<8x128xf32>
      %min3A_378 = arith.minimumf %max3A_339, %min3A_374 : vector<8x128xf32>
      %max3A_379 = arith.maximumf %max3A_339, %min3A_374 : vector<8x128xf32>
      %min3A_380 = arith.minimumf %max3A_341, %min3A_376 : vector<8x128xf32>
      %max3A_381 = arith.maximumf %max3A_341, %min3A_376 : vector<8x128xf32>
      %min3A_382 = arith.minimumf %max3A_343, %min3A_378 : vector<8x128xf32>
      %max3A_383 = arith.maximumf %max3A_343, %min3A_378 : vector<8x128xf32>
      %min3A_384 = arith.minimumf %max3A_345, %min3A_380 : vector<8x128xf32>
      %max3A_385 = arith.maximumf %max3A_345, %min3A_380 : vector<8x128xf32>
      %min3A_386 = arith.minimumf %max3A_347, %min3A_382 : vector<8x128xf32>
      %max3A_387 = arith.maximumf %max3A_347, %min3A_382 : vector<8x128xf32>
      %min3A_388 = arith.minimumf %max3A_349, %min3A_384 : vector<8x128xf32>
      %max3A_389 = arith.maximumf %max3A_349, %min3A_384 : vector<8x128xf32>
      %min3A_390 = arith.minimumf %max3A_351, %min3A_386 : vector<8x128xf32>
      %max3A_391 = arith.maximumf %max3A_351, %min3A_386 : vector<8x128xf32>
      %min3A_392 = arith.minimumf %max3A_353, %min3A_388 : vector<8x128xf32>
      %max3A_393 = arith.maximumf %max3A_353, %min3A_388 : vector<8x128xf32>
      %min3A_394 = arith.minimumf %min3A_350, %min3A_390 : vector<8x128xf32>
      %max3A_395 = arith.maximumf %min3A_350, %min3A_390 : vector<8x128xf32>
      %min3A_396 = arith.minimumf %min3A_352, %min3A_392 : vector<8x128xf32>
      %max3A_397 = arith.maximumf %min3A_352, %min3A_392 : vector<8x128xf32>
      %add3A_398 = arith.constant 32 : i32
      %add3A_399 = arith.addi %mul3A_309, %add3A_398 : i32
      %get3A_400 = arith.index_cast %add3A_399 : i32 to index
      %get3A_401 = arith.constant 0 : index
      %get3A_402 = vector.load %arg6[%get3A_400, %get3A_401] : memref<10240x128xf32, #tpu.memory_space<vmem>>, vector<8x128xf32>
      %add3A_403 = arith.constant 40 : i32
      %add3A_404 = arith.addi %mul3A_309, %add3A_403 : i32
      %get3A_405 = arith.index_cast %add3A_404 : i32 to index
      %get3A_406 = arith.constant 0 : index
      %get3A_407 = vector.load %arg6[%get3A_405, %get3A_406] : memref<10240x128xf32, #tpu.memory_space<vmem>>, vector<8x128xf32>
      %min3A_408 = arith.minimumf %max3A_367, %get3A_402 : vector<8x128xf32>
      %min3A_409 = arith.minimumf %max3A_369, %get3A_407 : vector<8x128xf32>
      %min3A_410 = arith.minimumf %max3A_371, %min3A_408 : vector<8x128xf32>
      %max3A_411 = arith.maximumf %max3A_371, %min3A_408 : vector<8x128xf32>
      %min3A_412 = arith.minimumf %max3A_373, %min3A_409 : vector<8x128xf32>
      %max3A_413 = arith.maximumf %max3A_373, %min3A_409 : vector<8x128xf32>
      %min3A_414 = arith.minimumf %max3A_375, %min3A_410 : vector<8x128xf32>
      %max3A_415 = arith.maximumf %max3A_375, %min3A_410 : vector<8x128xf32>
      %min3A_416 = arith.minimumf %max3A_377, %min3A_412 : vector<8x128xf32>
      %max3A_417 = arith.maximumf %max3A_377, %min3A_412 : vector<8x128xf32>
      %min3A_418 = arith.minimumf %max3A_379, %min3A_414 : vector<8x128xf32>
      %max3A_419 = arith.maximumf %max3A_379, %min3A_414 : vector<8x128xf32>
      %min3A_420 = arith.minimumf %max3A_381, %min3A_416 : vector<8x128xf32>
      %max3A_421 = arith.maximumf %max3A_381, %min3A_416 : vector<8x128xf32>
      %min3A_422 = arith.minimumf %max3A_383, %min3A_418 : vector<8x128xf32>
      %max3A_423 = arith.maximumf %max3A_383, %min3A_418 : vector<8x128xf32>
      %min3A_424 = arith.minimumf %max3A_385, %min3A_420 : vector<8x128xf32>
      %max3A_425 = arith.maximumf %max3A_385, %min3A_420 : vector<8x128xf32>
      %min3A_426 = arith.minimumf %max3A_387, %min3A_422 : vector<8x128xf32>
      %max3A_427 = arith.maximumf %max3A_387, %min3A_422 : vector<8x128xf32>
      %min3A_428 = arith.minimumf %max3A_389, %min3A_424 : vector<8x128xf32>
      %max3A_429 = arith.maximumf %max3A_389, %min3A_424 : vector<8x128xf32>
      %min3A_430 = arith.minimumf %max3A_391, %min3A_426 : vector<8x128xf32>
      %max3A_431 = arith.maximumf %max3A_391, %min3A_426 : vector<8x128xf32>
      %min3A_432 = arith.minimumf %max3A_393, %min3A_428 : vector<8x128xf32>
      %max3A_433 = arith.maximumf %max3A_393, %min3A_428 : vector<8x128xf32>
      %min3A_434 = arith.minimumf %max3A_395, %min3A_430 : vector<8x128xf32>
      %max3A_435 = arith.maximumf %max3A_395, %min3A_430 : vector<8x128xf32>
      %min3A_436 = arith.minimumf %max3A_397, %min3A_432 : vector<8x128xf32>
      %max3A_437 = arith.maximumf %max3A_397, %min3A_432 : vector<8x128xf32>
      %min3A_438 = arith.minimumf %min3A_394, %min3A_434 : vector<8x128xf32>
      %max3A_439 = arith.maximumf %min3A_394, %min3A_434 : vector<8x128xf32>
      %min3A_440 = arith.minimumf %min3A_396, %min3A_436 : vector<8x128xf32>
      %max3A_441 = arith.maximumf %min3A_396, %min3A_436 : vector<8x128xf32>
      %add3A_442 = arith.constant 48 : i32
      %add3A_443 = arith.addi %mul3A_309, %add3A_442 : i32
      %get3A_444 = arith.index_cast %add3A_443 : i32 to index
      %get3A_445 = arith.constant 0 : index
      %get3A_446 = vector.load %arg6[%get3A_444, %get3A_445] : memref<10240x128xf32, #tpu.memory_space<vmem>>, vector<8x128xf32>
      %add3A_447 = arith.constant 56 : i32
      %add3A_448 = arith.addi %mul3A_309, %add3A_447 : i32
      %get3A_449 = arith.index_cast %add3A_448 : i32 to index
      %get3A_450 = arith.constant 0 : index
      %get3A_451 = vector.load %arg6[%get3A_449, %get3A_450] : memref<10240x128xf32, #tpu.memory_space<vmem>>, vector<8x128xf32>
      %min3A_452 = arith.minimumf %max3A_411, %get3A_446 : vector<8x128xf32>
      %min3A_453 = arith.minimumf %max3A_413, %get3A_451 : vector<8x128xf32>
      %min3A_454 = arith.minimumf %max3A_415, %min3A_452 : vector<8x128xf32>
      %max3A_455 = arith.maximumf %max3A_415, %min3A_452 : vector<8x128xf32>
      %min3A_456 = arith.minimumf %max3A_417, %min3A_453 : vector<8x128xf32>
      %max3A_457 = arith.maximumf %max3A_417, %min3A_453 : vector<8x128xf32>
      %min3A_458 = arith.minimumf %max3A_419, %min3A_454 : vector<8x128xf32>
      %max3A_459 = arith.maximumf %max3A_419, %min3A_454 : vector<8x128xf32>
      %min3A_460 = arith.minimumf %max3A_421, %min3A_456 : vector<8x128xf32>
      %max3A_461 = arith.maximumf %max3A_421, %min3A_456 : vector<8x128xf32>
      %min3A_462 = arith.minimumf %max3A_423, %min3A_458 : vector<8x128xf32>
      %max3A_463 = arith.maximumf %max3A_423, %min3A_458 : vector<8x128xf32>
      %min3A_464 = arith.minimumf %max3A_425, %min3A_460 : vector<8x128xf32>
      %max3A_465 = arith.maximumf %max3A_425, %min3A_460 : vector<8x128xf32>
      %min3A_466 = arith.minimumf %max3A_427, %min3A_462 : vector<8x128xf32>
      %max3A_467 = arith.maximumf %max3A_427, %min3A_462 : vector<8x128xf32>
      %min3A_468 = arith.minimumf %max3A_429, %min3A_464 : vector<8x128xf32>
      %max3A_469 = arith.maximumf %max3A_429, %min3A_464 : vector<8x128xf32>
      %min3A_470 = arith.minimumf %max3A_431, %min3A_466 : vector<8x128xf32>
      %max3A_471 = arith.maximumf %max3A_431, %min3A_466 : vector<8x128xf32>
      %min3A_472 = arith.minimumf %max3A_433, %min3A_468 : vector<8x128xf32>
      %max3A_473 = arith.maximumf %max3A_433, %min3A_468 : vector<8x128xf32>
      %min3A_474 = arith.minimumf %max3A_435, %min3A_470 : vector<8x128xf32>
      %max3A_475 = arith.maximumf %max3A_435, %min3A_470 : vector<8x128xf32>
      %min3A_476 = arith.minimumf %max3A_437, %min3A_472 : vector<8x128xf32>
      %max3A_477 = arith.maximumf %max3A_437, %min3A_472 : vector<8x128xf32>
      %min3A_478 = arith.minimumf %max3A_439, %min3A_474 : vector<8x128xf32>
      %max3A_479 = arith.maximumf %max3A_439, %min3A_474 : vector<8x128xf32>
      %min3A_480 = arith.minimumf %max3A_441, %min3A_476 : vector<8x128xf32>
      %max3A_481 = arith.maximumf %max3A_441, %min3A_476 : vector<8x128xf32>
      %min3A_482 = arith.minimumf %min3A_438, %min3A_478 : vector<8x128xf32>
      %max3A_483 = arith.maximumf %min3A_438, %min3A_478 : vector<8x128xf32>
      %min3A_484 = arith.minimumf %min3A_440, %min3A_480 : vector<8x128xf32>
      %max3A_485 = arith.maximumf %min3A_440, %min3A_480 : vector<8x128xf32>
      scf.yield %min3A_482, %max3A_483, %max3A_479, %max3A_475, %max3A_471, %max3A_467, %max3A_463, %max3A_459, %max3A_455, %min3A_484, %max3A_485, %max3A_481, %max3A_477, %max3A_473, %max3A_469, %max3A_465, %max3A_461, %max3A_457 : vector<8x128xf32>, vector<8x128xf32>, vector<8x128xf32>, vector<8x128xf32>, vector<8x128xf32>, vector<8x128xf32>, vector<8x128xf32>, vector<8x128xf32>, vector<8x128xf32>, vector<8x128xf32>, vector<8x128xf32>, vector<8x128xf32>, vector<8x128xf32>, vector<8x128xf32>, vector<8x128xf32>, vector<8x128xf32>, vector<8x128xf32>, vector<8x128xf32>
    }
    %scan3A_24 = arith.constant 160 : i32
    %concatenate3A = tpu.concatenate %scan3A_23#0, %scan3A_23#1, %scan3A_23#2, %scan3A_23#3, %scan3A_23#4, %scan3A_23#5, %scan3A_23#6, %scan3A_23#7, %scan3A_23#8, %scan3A_23#9, %scan3A_23#10, %scan3A_23#11, %scan3A_23#12, %scan3A_23#13, %scan3A_23#14, %scan3A_23#15, %scan3A_23#16, %scan3A_23#17 in 0 : vector<8x128xf32>, vector<8x128xf32>, vector<8x128xf32>, vector<8x128xf32>, vector<8x128xf32>, vector<8x128xf32>, vector<8x128xf32>, vector<8x128xf32>, vector<8x128xf32>, vector<8x128xf32>, vector<8x128xf32>, vector<8x128xf32>, vector<8x128xf32>, vector<8x128xf32>, vector<8x128xf32>, vector<8x128xf32>, vector<8x128xf32>, vector<8x128xf32> -> vector<144x128xf32>
    %broadcast_in_dim3A_25 = arith.constant 0.000000e+00 : f32
    %broadcast_in_dim3A_26 = vector.broadcast %broadcast_in_dim3A_25 : f32 to vector<1x128xf32>
    %broadcast_in_dim3A_27 = arith.constant 0.000000e+00 : f32
    %broadcast_in_dim3A_28 = vector.broadcast %broadcast_in_dim3A_27 : f32 to vector<1x128xf32>
    %reduce_min3A = arith.constant dense<0x7F800000> : vector<128xf32>
    %reduce_min3A_29 = vector.multi_reduction <minimumf>, %concatenate3A, %reduce_min3A [0] : vector<144x128xf32> to vector<128xf32>
    %broadcast_in_dim3A_30 = vector.shape_cast %reduce_min3A_29 : vector<128xf32> to vector<1x128xf32>
    %eq3A = vector.broadcast %broadcast_in_dim3A_30 : vector<1x128xf32> to vector<144x128xf32>
    %eq3A_31 = arith.cmpf oeq, %concatenate3A, %eq3A : vector<144x128xf32>
    %convert_element_type3A_32 = arith.extui %eq3A_31 : vector<144x128xi1> to vector<144x128xi32>
    %convert_element_type3A_33 = arith.sitofp %convert_element_type3A_32 : vector<144x128xi32> to vector<144x128xf32>
    %reduce_sum3A = arith.constant dense<0.000000e+00> : vector<128xf32>
    %reduce_sum3A_34 = vector.multi_reduction <add>, %convert_element_type3A_33, %reduce_sum3A [0] : vector<144x128xf32> to vector<128xf32>
    %broadcast_in_dim3A_35 = vector.shape_cast %reduce_sum3A_34 : vector<128xf32> to vector<1x128xf32>
    %sub3A_36 = arith.constant 9.000000e+00 : f32
    %sub3A_37 = vector.broadcast %sub3A_36 : f32 to vector<1x128xf32>
    %sub3A_38 = arith.subf %sub3A_37, %broadcast_in_dim3A_26 : vector<1x128xf32>
    %min3A = arith.minimumf %broadcast_in_dim3A_35, %sub3A_38 : vector<1x128xf32>
    %gt3A = arith.constant 0.000000e+00 : f32
    %gt3A_39 = vector.broadcast %gt3A : f32 to vector<1x128xf32>
    %gt3A_40 = arith.cmpf ogt, %sub3A_38, %gt3A_39 : vector<1x128xf32>
    %max3A = arith.constant 0.000000e+00 : f32
    %max3A_41 = vector.broadcast %max3A : f32 to vector<1x128xf32>
    %max3A_42 = arith.maximumf %broadcast_in_dim3A_30, %max3A_41 : vector<1x128xf32>
    %mul3A_43 = arith.mulf %min3A, %max3A_42 : vector<1x128xf32>
    %jit3A = arith.constant 0.000000e+00 : f32
    %broadcast_in_dim3A_44 = vector.broadcast %jit3A : f32 to vector<1x128xf32>
    %select_n3A = arith.select %gt3A_40, %mul3A_43, %broadcast_in_dim3A_44 : vector<1x128xi1>, vector<1x128xf32>
    %add3A_45 = arith.addf %broadcast_in_dim3A_28, %select_n3A : vector<1x128xf32>
    %add3A_46 = arith.addf %broadcast_in_dim3A_26, %min3A : vector<1x128xf32>
    %jit3A_47 = arith.constant 0x7F800000 : f32
    %broadcast_in_dim3A_48 = vector.broadcast %jit3A_47 : f32 to vector<144x128xf32>
    %select_n3A_49 = arith.select %eq3A_31, %broadcast_in_dim3A_48, %concatenate3A : vector<144x128xi1>, vector<144x128xf32>
    %reduce_min3A_50 = arith.constant dense<0x7F800000> : vector<128xf32>
    %reduce_min3A_51 = vector.multi_reduction <minimumf>, %select_n3A_49, %reduce_min3A_50 [0] : vector<144x128xf32> to vector<128xf32>
    %broadcast_in_dim3A_52 = vector.shape_cast %reduce_min3A_51 : vector<128xf32> to vector<1x128xf32>
    %eq3A_53 = vector.broadcast %broadcast_in_dim3A_52 : vector<1x128xf32> to vector<144x128xf32>
    %eq3A_54 = arith.cmpf oeq, %select_n3A_49, %eq3A_53 : vector<144x128xf32>
    %convert_element_type3A_55 = arith.extui %eq3A_54 : vector<144x128xi1> to vector<144x128xi32>
    %convert_element_type3A_56 = arith.sitofp %convert_element_type3A_55 : vector<144x128xi32> to vector<144x128xf32>
    %reduce_sum3A_57 = arith.constant dense<0.000000e+00> : vector<128xf32>
    %reduce_sum3A_58 = vector.multi_reduction <add>, %convert_element_type3A_56, %reduce_sum3A_57 [0] : vector<144x128xf32> to vector<128xf32>
    %broadcast_in_dim3A_59 = vector.shape_cast %reduce_sum3A_58 : vector<128xf32> to vector<1x128xf32>
    %sub3A_60 = arith.constant 9.000000e+00 : f32
    %sub3A_61 = vector.broadcast %sub3A_60 : f32 to vector<1x128xf32>
    %sub3A_62 = arith.subf %sub3A_61, %add3A_46 : vector<1x128xf32>
    %min3A_63 = arith.minimumf %broadcast_in_dim3A_59, %sub3A_62 : vector<1x128xf32>
    %gt3A_64 = arith.constant 0.000000e+00 : f32
    %gt3A_65 = vector.broadcast %gt3A_64 : f32 to vector<1x128xf32>
    %gt3A_66 = arith.cmpf ogt, %sub3A_62, %gt3A_65 : vector<1x128xf32>
    %max3A_67 = arith.constant 0.000000e+00 : f32
    %max3A_68 = vector.broadcast %max3A_67 : f32 to vector<1x128xf32>
    %max3A_69 = arith.maximumf %broadcast_in_dim3A_52, %max3A_68 : vector<1x128xf32>
    %mul3A_70 = arith.mulf %min3A_63, %max3A_69 : vector<1x128xf32>
    %jit3A_71 = arith.constant 0.000000e+00 : f32
    %broadcast_in_dim3A_72 = vector.broadcast %jit3A_71 : f32 to vector<1x128xf32>
    %select_n3A_73 = arith.select %gt3A_66, %mul3A_70, %broadcast_in_dim3A_72 : vector<1x128xi1>, vector<1x128xf32>
    %add3A_74 = arith.addf %add3A_45, %select_n3A_73 : vector<1x128xf32>
    %add3A_75 = arith.addf %add3A_46, %min3A_63 : vector<1x128xf32>
    %jit3A_76 = arith.constant 0x7F800000 : f32
    %broadcast_in_dim3A_77 = vector.broadcast %jit3A_76 : f32 to vector<144x128xf32>
    %select_n3A_78 = arith.select %eq3A_54, %broadcast_in_dim3A_77, %select_n3A_49 : vector<144x128xi1>, vector<144x128xf32>
    %reduce_min3A_79 = arith.constant dense<0x7F800000> : vector<128xf32>
    %reduce_min3A_80 = vector.multi_reduction <minimumf>, %select_n3A_78, %reduce_min3A_79 [0] : vector<144x128xf32> to vector<128xf32>
    %broadcast_in_dim3A_81 = vector.shape_cast %reduce_min3A_80 : vector<128xf32> to vector<1x128xf32>
    %eq3A_82 = vector.broadcast %broadcast_in_dim3A_81 : vector<1x128xf32> to vector<144x128xf32>
    %eq3A_83 = arith.cmpf oeq, %select_n3A_78, %eq3A_82 : vector<144x128xf32>
    %convert_element_type3A_84 = arith.extui %eq3A_83 : vector<144x128xi1> to vector<144x128xi32>
    %convert_element_type3A_85 = arith.sitofp %convert_element_type3A_84 : vector<144x128xi32> to vector<144x128xf32>
    %reduce_sum3A_86 = arith.constant dense<0.000000e+00> : vector<128xf32>
    %reduce_sum3A_87 = vector.multi_reduction <add>, %convert_element_type3A_85, %reduce_sum3A_86 [0] : vector<144x128xf32> to vector<128xf32>
    %broadcast_in_dim3A_88 = vector.shape_cast %reduce_sum3A_87 : vector<128xf32> to vector<1x128xf32>
    %sub3A_89 = arith.constant 9.000000e+00 : f32
    %sub3A_90 = vector.broadcast %sub3A_89 : f32 to vector<1x128xf32>
    %sub3A_91 = arith.subf %sub3A_90, %add3A_75 : vector<1x128xf32>
    %min3A_92 = arith.minimumf %broadcast_in_dim3A_88, %sub3A_91 : vector<1x128xf32>
    %gt3A_93 = arith.constant 0.000000e+00 : f32
    %gt3A_94 = vector.broadcast %gt3A_93 : f32 to vector<1x128xf32>
    %gt3A_95 = arith.cmpf ogt, %sub3A_91, %gt3A_94 : vector<1x128xf32>
    %max3A_96 = arith.constant 0.000000e+00 : f32
    %max3A_97 = vector.broadcast %max3A_96 : f32 to vector<1x128xf32>
    %max3A_98 = arith.maximumf %broadcast_in_dim3A_81, %max3A_97 : vector<1x128xf32>
    %mul3A_99 = arith.mulf %min3A_92, %max3A_98 : vector<1x128xf32>
    %jit3A_100 = arith.constant 0.000000e+00 : f32
    %broadcast_in_dim3A_101 = vector.broadcast %jit3A_100 : f32 to vector<1x128xf32>
    %select_n3A_102 = arith.select %gt3A_95, %mul3A_99, %broadcast_in_dim3A_101 : vector<1x128xi1>, vector<1x128xf32>
    %add3A_103 = arith.addf %add3A_74, %select_n3A_102 : vector<1x128xf32>
    %add3A_104 = arith.addf %add3A_75, %min3A_92 : vector<1x128xf32>
    %jit3A_105 = arith.constant 0x7F800000 : f32
    %broadcast_in_dim3A_106 = vector.broadcast %jit3A_105 : f32 to vector<144x128xf32>
    %select_n3A_107 = arith.select %eq3A_83, %broadcast_in_dim3A_106, %select_n3A_78 : vector<144x128xi1>, vector<144x128xf32>
    %reduce_min3A_108 = arith.constant dense<0x7F800000> : vector<128xf32>
    %reduce_min3A_109 = vector.multi_reduction <minimumf>, %select_n3A_107, %reduce_min3A_108 [0] : vector<144x128xf32> to vector<128xf32>
    %broadcast_in_dim3A_110 = vector.shape_cast %reduce_min3A_109 : vector<128xf32> to vector<1x128xf32>
    %eq3A_111 = vector.broadcast %broadcast_in_dim3A_110 : vector<1x128xf32> to vector<144x128xf32>
    %eq3A_112 = arith.cmpf oeq, %select_n3A_107, %eq3A_111 : vector<144x128xf32>
    %convert_element_type3A_113 = arith.extui %eq3A_112 : vector<144x128xi1> to vector<144x128xi32>
    %convert_element_type3A_114 = arith.sitofp %convert_element_type3A_113 : vector<144x128xi32> to vector<144x128xf32>
    %reduce_sum3A_115 = arith.constant dense<0.000000e+00> : vector<128xf32>
    %reduce_sum3A_116 = vector.multi_reduction <add>, %convert_element_type3A_114, %reduce_sum3A_115 [0] : vector<144x128xf32> to vector<128xf32>
    %broadcast_in_dim3A_117 = vector.shape_cast %reduce_sum3A_116 : vector<128xf32> to vector<1x128xf32>
    %sub3A_118 = arith.constant 9.000000e+00 : f32
    %sub3A_119 = vector.broadcast %sub3A_118 : f32 to vector<1x128xf32>
    %sub3A_120 = arith.subf %sub3A_119, %add3A_104 : vector<1x128xf32>
    %min3A_121 = arith.minimumf %broadcast_in_dim3A_117, %sub3A_120 : vector<1x128xf32>
    %gt3A_122 = arith.constant 0.000000e+00 : f32
    %gt3A_123 = vector.broadcast %gt3A_122 : f32 to vector<1x128xf32>
    %gt3A_124 = arith.cmpf ogt, %sub3A_120, %gt3A_123 : vector<1x128xf32>
    %max3A_125 = arith.constant 0.000000e+00 : f32
    %max3A_126 = vector.broadcast %max3A_125 : f32 to vector<1x128xf32>
    %max3A_127 = arith.maximumf %broadcast_in_dim3A_110, %max3A_126 : vector<1x128xf32>
    %mul3A_128 = arith.mulf %min3A_121, %max3A_127 : vector<1x128xf32>
    %jit3A_129 = arith.constant 0.000000e+00 : f32
    %broadcast_in_dim3A_130 = vector.broadcast %jit3A_129 : f32 to vector<1x128xf32>
    %select_n3A_131 = arith.select %gt3A_124, %mul3A_128, %broadcast_in_dim3A_130 : vector<1x128xi1>, vector<1x128xf32>
    %add3A_132 = arith.addf %add3A_103, %select_n3A_131 : vector<1x128xf32>
    %add3A_133 = arith.addf %add3A_104, %min3A_121 : vector<1x128xf32>
    %jit3A_134 = arith.constant 0x7F800000 : f32
    %broadcast_in_dim3A_135 = vector.broadcast %jit3A_134 : f32 to vector<144x128xf32>
    %select_n3A_136 = arith.select %eq3A_112, %broadcast_in_dim3A_135, %select_n3A_107 : vector<144x128xi1>, vector<144x128xf32>
    %reduce_min3A_137 = arith.constant dense<0x7F800000> : vector<128xf32>
    %reduce_min3A_138 = vector.multi_reduction <minimumf>, %select_n3A_136, %reduce_min3A_137 [0] : vector<144x128xf32> to vector<128xf32>
    %broadcast_in_dim3A_139 = vector.shape_cast %reduce_min3A_138 : vector<128xf32> to vector<1x128xf32>
    %eq3A_140 = vector.broadcast %broadcast_in_dim3A_139 : vector<1x128xf32> to vector<144x128xf32>
    %eq3A_141 = arith.cmpf oeq, %select_n3A_136, %eq3A_140 : vector<144x128xf32>
    %convert_element_type3A_142 = arith.extui %eq3A_141 : vector<144x128xi1> to vector<144x128xi32>
    %convert_element_type3A_143 = arith.sitofp %convert_element_type3A_142 : vector<144x128xi32> to vector<144x128xf32>
    %reduce_sum3A_144 = arith.constant dense<0.000000e+00> : vector<128xf32>
    %reduce_sum3A_145 = vector.multi_reduction <add>, %convert_element_type3A_143, %reduce_sum3A_144 [0] : vector<144x128xf32> to vector<128xf32>
    %broadcast_in_dim3A_146 = vector.shape_cast %reduce_sum3A_145 : vector<128xf32> to vector<1x128xf32>
    %sub3A_147 = arith.constant 9.000000e+00 : f32
    %sub3A_148 = vector.broadcast %sub3A_147 : f32 to vector<1x128xf32>
    %sub3A_149 = arith.subf %sub3A_148, %add3A_133 : vector<1x128xf32>
    %min3A_150 = arith.minimumf %broadcast_in_dim3A_146, %sub3A_149 : vector<1x128xf32>
    %gt3A_151 = arith.constant 0.000000e+00 : f32
    %gt3A_152 = vector.broadcast %gt3A_151 : f32 to vector<1x128xf32>
    %gt3A_153 = arith.cmpf ogt, %sub3A_149, %gt3A_152 : vector<1x128xf32>
    %max3A_154 = arith.constant 0.000000e+00 : f32
    %max3A_155 = vector.broadcast %max3A_154 : f32 to vector<1x128xf32>
    %max3A_156 = arith.maximumf %broadcast_in_dim3A_139, %max3A_155 : vector<1x128xf32>
    %mul3A_157 = arith.mulf %min3A_150, %max3A_156 : vector<1x128xf32>
    %jit3A_158 = arith.constant 0.000000e+00 : f32
    %broadcast_in_dim3A_159 = vector.broadcast %jit3A_158 : f32 to vector<1x128xf32>
    %select_n3A_160 = arith.select %gt3A_153, %mul3A_157, %broadcast_in_dim3A_159 : vector<1x128xi1>, vector<1x128xf32>
    %add3A_161 = arith.addf %add3A_132, %select_n3A_160 : vector<1x128xf32>
    %add3A_162 = arith.addf %add3A_133, %min3A_150 : vector<1x128xf32>
    %jit3A_163 = arith.constant 0x7F800000 : f32
    %broadcast_in_dim3A_164 = vector.broadcast %jit3A_163 : f32 to vector<144x128xf32>
    %select_n3A_165 = arith.select %eq3A_141, %broadcast_in_dim3A_164, %select_n3A_136 : vector<144x128xi1>, vector<144x128xf32>
    %reduce_min3A_166 = arith.constant dense<0x7F800000> : vector<128xf32>
    %reduce_min3A_167 = vector.multi_reduction <minimumf>, %select_n3A_165, %reduce_min3A_166 [0] : vector<144x128xf32> to vector<128xf32>
    %broadcast_in_dim3A_168 = vector.shape_cast %reduce_min3A_167 : vector<128xf32> to vector<1x128xf32>
    %eq3A_169 = vector.broadcast %broadcast_in_dim3A_168 : vector<1x128xf32> to vector<144x128xf32>
    %eq3A_170 = arith.cmpf oeq, %select_n3A_165, %eq3A_169 : vector<144x128xf32>
    %convert_element_type3A_171 = arith.extui %eq3A_170 : vector<144x128xi1> to vector<144x128xi32>
    %convert_element_type3A_172 = arith.sitofp %convert_element_type3A_171 : vector<144x128xi32> to vector<144x128xf32>
    %reduce_sum3A_173 = arith.constant dense<0.000000e+00> : vector<128xf32>
    %reduce_sum3A_174 = vector.multi_reduction <add>, %convert_element_type3A_172, %reduce_sum3A_173 [0] : vector<144x128xf32> to vector<128xf32>
    %broadcast_in_dim3A_175 = vector.shape_cast %reduce_sum3A_174 : vector<128xf32> to vector<1x128xf32>
    %sub3A_176 = arith.constant 9.000000e+00 : f32
    %sub3A_177 = vector.broadcast %sub3A_176 : f32 to vector<1x128xf32>
    %sub3A_178 = arith.subf %sub3A_177, %add3A_162 : vector<1x128xf32>
    %min3A_179 = arith.minimumf %broadcast_in_dim3A_175, %sub3A_178 : vector<1x128xf32>
    %gt3A_180 = arith.constant 0.000000e+00 : f32
    %gt3A_181 = vector.broadcast %gt3A_180 : f32 to vector<1x128xf32>
    %gt3A_182 = arith.cmpf ogt, %sub3A_178, %gt3A_181 : vector<1x128xf32>
    %max3A_183 = arith.constant 0.000000e+00 : f32
    %max3A_184 = vector.broadcast %max3A_183 : f32 to vector<1x128xf32>
    %max3A_185 = arith.maximumf %broadcast_in_dim3A_168, %max3A_184 : vector<1x128xf32>
    %mul3A_186 = arith.mulf %min3A_179, %max3A_185 : vector<1x128xf32>
    %jit3A_187 = arith.constant 0.000000e+00 : f32
    %broadcast_in_dim3A_188 = vector.broadcast %jit3A_187 : f32 to vector<1x128xf32>
    %select_n3A_189 = arith.select %gt3A_182, %mul3A_186, %broadcast_in_dim3A_188 : vector<1x128xi1>, vector<1x128xf32>
    %add3A_190 = arith.addf %add3A_161, %select_n3A_189 : vector<1x128xf32>
    %add3A_191 = arith.addf %add3A_162, %min3A_179 : vector<1x128xf32>
    %jit3A_192 = arith.constant 0x7F800000 : f32
    %broadcast_in_dim3A_193 = vector.broadcast %jit3A_192 : f32 to vector<144x128xf32>
    %select_n3A_194 = arith.select %eq3A_170, %broadcast_in_dim3A_193, %select_n3A_165 : vector<144x128xi1>, vector<144x128xf32>
    %reduce_min3A_195 = arith.constant dense<0x7F800000> : vector<128xf32>
    %reduce_min3A_196 = vector.multi_reduction <minimumf>, %select_n3A_194, %reduce_min3A_195 [0] : vector<144x128xf32> to vector<128xf32>
    %broadcast_in_dim3A_197 = vector.shape_cast %reduce_min3A_196 : vector<128xf32> to vector<1x128xf32>
    %eq3A_198 = vector.broadcast %broadcast_in_dim3A_197 : vector<1x128xf32> to vector<144x128xf32>
    %eq3A_199 = arith.cmpf oeq, %select_n3A_194, %eq3A_198 : vector<144x128xf32>
    %convert_element_type3A_200 = arith.extui %eq3A_199 : vector<144x128xi1> to vector<144x128xi32>
    %convert_element_type3A_201 = arith.sitofp %convert_element_type3A_200 : vector<144x128xi32> to vector<144x128xf32>
    %reduce_sum3A_202 = arith.constant dense<0.000000e+00> : vector<128xf32>
    %reduce_sum3A_203 = vector.multi_reduction <add>, %convert_element_type3A_201, %reduce_sum3A_202 [0] : vector<144x128xf32> to vector<128xf32>
    %broadcast_in_dim3A_204 = vector.shape_cast %reduce_sum3A_203 : vector<128xf32> to vector<1x128xf32>
    %sub3A_205 = arith.constant 9.000000e+00 : f32
    %sub3A_206 = vector.broadcast %sub3A_205 : f32 to vector<1x128xf32>
    %sub3A_207 = arith.subf %sub3A_206, %add3A_191 : vector<1x128xf32>
    %min3A_208 = arith.minimumf %broadcast_in_dim3A_204, %sub3A_207 : vector<1x128xf32>
    %gt3A_209 = arith.constant 0.000000e+00 : f32
    %gt3A_210 = vector.broadcast %gt3A_209 : f32 to vector<1x128xf32>
    %gt3A_211 = arith.cmpf ogt, %sub3A_207, %gt3A_210 : vector<1x128xf32>
    %max3A_212 = arith.constant 0.000000e+00 : f32
    %max3A_213 = vector.broadcast %max3A_212 : f32 to vector<1x128xf32>
    %max3A_214 = arith.maximumf %broadcast_in_dim3A_197, %max3A_213 : vector<1x128xf32>
    %mul3A_215 = arith.mulf %min3A_208, %max3A_214 : vector<1x128xf32>
    %jit3A_216 = arith.constant 0.000000e+00 : f32
    %broadcast_in_dim3A_217 = vector.broadcast %jit3A_216 : f32 to vector<1x128xf32>
    %select_n3A_218 = arith.select %gt3A_211, %mul3A_215, %broadcast_in_dim3A_217 : vector<1x128xi1>, vector<1x128xf32>
    %add3A_219 = arith.addf %add3A_190, %select_n3A_218 : vector<1x128xf32>
    %add3A_220 = arith.addf %add3A_191, %min3A_208 : vector<1x128xf32>
    %jit3A_221 = arith.constant 0x7F800000 : f32
    %broadcast_in_dim3A_222 = vector.broadcast %jit3A_221 : f32 to vector<144x128xf32>
    %select_n3A_223 = arith.select %eq3A_199, %broadcast_in_dim3A_222, %select_n3A_194 : vector<144x128xi1>, vector<144x128xf32>
    %reduce_min3A_224 = arith.constant dense<0x7F800000> : vector<128xf32>
    %reduce_min3A_225 = vector.multi_reduction <minimumf>, %select_n3A_223, %reduce_min3A_224 [0] : vector<144x128xf32> to vector<128xf32>
    %broadcast_in_dim3A_226 = vector.shape_cast %reduce_min3A_225 : vector<128xf32> to vector<1x128xf32>
    %eq3A_227 = vector.broadcast %broadcast_in_dim3A_226 : vector<1x128xf32> to vector<144x128xf32>
    %eq3A_228 = arith.cmpf oeq, %select_n3A_223, %eq3A_227 : vector<144x128xf32>
    %convert_element_type3A_229 = arith.extui %eq3A_228 : vector<144x128xi1> to vector<144x128xi32>
    %convert_element_type3A_230 = arith.sitofp %convert_element_type3A_229 : vector<144x128xi32> to vector<144x128xf32>
    %reduce_sum3A_231 = arith.constant dense<0.000000e+00> : vector<128xf32>
    %reduce_sum3A_232 = vector.multi_reduction <add>, %convert_element_type3A_230, %reduce_sum3A_231 [0] : vector<144x128xf32> to vector<128xf32>
    %broadcast_in_dim3A_233 = vector.shape_cast %reduce_sum3A_232 : vector<128xf32> to vector<1x128xf32>
    %sub3A_234 = arith.constant 9.000000e+00 : f32
    %sub3A_235 = vector.broadcast %sub3A_234 : f32 to vector<1x128xf32>
    %sub3A_236 = arith.subf %sub3A_235, %add3A_220 : vector<1x128xf32>
    %min3A_237 = arith.minimumf %broadcast_in_dim3A_233, %sub3A_236 : vector<1x128xf32>
    %gt3A_238 = arith.constant 0.000000e+00 : f32
    %gt3A_239 = vector.broadcast %gt3A_238 : f32 to vector<1x128xf32>
    %gt3A_240 = arith.cmpf ogt, %sub3A_236, %gt3A_239 : vector<1x128xf32>
    %max3A_241 = arith.constant 0.000000e+00 : f32
    %max3A_242 = vector.broadcast %max3A_241 : f32 to vector<1x128xf32>
    %max3A_243 = arith.maximumf %broadcast_in_dim3A_226, %max3A_242 : vector<1x128xf32>
    %mul3A_244 = arith.mulf %min3A_237, %max3A_243 : vector<1x128xf32>
    %jit3A_245 = arith.constant 0.000000e+00 : f32
    %broadcast_in_dim3A_246 = vector.broadcast %jit3A_245 : f32 to vector<1x128xf32>
    %select_n3A_247 = arith.select %gt3A_240, %mul3A_244, %broadcast_in_dim3A_246 : vector<1x128xi1>, vector<1x128xf32>
    %add3A_248 = arith.addf %add3A_219, %select_n3A_247 : vector<1x128xf32>
    %add3A_249 = arith.addf %add3A_220, %min3A_237 : vector<1x128xf32>
    %jit3A_250 = arith.constant 0x7F800000 : f32
    %broadcast_in_dim3A_251 = vector.broadcast %jit3A_250 : f32 to vector<144x128xf32>
    %select_n3A_252 = arith.select %eq3A_228, %broadcast_in_dim3A_251, %select_n3A_223 : vector<144x128xi1>, vector<144x128xf32>
    %reduce_min3A_253 = arith.constant dense<0x7F800000> : vector<128xf32>
    %reduce_min3A_254 = vector.multi_reduction <minimumf>, %select_n3A_252, %reduce_min3A_253 [0] : vector<144x128xf32> to vector<128xf32>
    %broadcast_in_dim3A_255 = vector.shape_cast %reduce_min3A_254 : vector<128xf32> to vector<1x128xf32>
    %eq3A_256 = vector.broadcast %broadcast_in_dim3A_255 : vector<1x128xf32> to vector<144x128xf32>
    %eq3A_257 = arith.cmpf oeq, %select_n3A_252, %eq3A_256 : vector<144x128xf32>
    %convert_element_type3A_258 = arith.extui %eq3A_257 : vector<144x128xi1> to vector<144x128xi32>
    %convert_element_type3A_259 = arith.sitofp %convert_element_type3A_258 : vector<144x128xi32> to vector<144x128xf32>
    %reduce_sum3A_260 = arith.constant dense<0.000000e+00> : vector<128xf32>
    %reduce_sum3A_261 = vector.multi_reduction <add>, %convert_element_type3A_259, %reduce_sum3A_260 [0] : vector<144x128xf32> to vector<128xf32>
    %broadcast_in_dim3A_262 = vector.shape_cast %reduce_sum3A_261 : vector<128xf32> to vector<1x128xf32>
    %sub3A_263 = arith.constant 9.000000e+00 : f32
    %sub3A_264 = vector.broadcast %sub3A_263 : f32 to vector<1x128xf32>
    %sub3A_265 = arith.subf %sub3A_264, %add3A_249 : vector<1x128xf32>
    %min3A_266 = arith.minimumf %broadcast_in_dim3A_262, %sub3A_265 : vector<1x128xf32>
    %gt3A_267 = arith.constant 0.000000e+00 : f32
    %gt3A_268 = vector.broadcast %gt3A_267 : f32 to vector<1x128xf32>
    %gt3A_269 = arith.cmpf ogt, %sub3A_265, %gt3A_268 : vector<1x128xf32>
    %max3A_270 = arith.constant 0.000000e+00 : f32
    %max3A_271 = vector.broadcast %max3A_270 : f32 to vector<1x128xf32>
    %max3A_272 = arith.maximumf %broadcast_in_dim3A_255, %max3A_271 : vector<1x128xf32>
    %mul3A_273 = arith.mulf %min3A_266, %max3A_272 : vector<1x128xf32>
    %jit3A_274 = arith.constant 0.000000e+00 : f32
    %broadcast_in_dim3A_275 = vector.broadcast %jit3A_274 : f32 to vector<1x128xf32>
    %select_n3A_276 = arith.select %gt3A_269, %mul3A_273, %broadcast_in_dim3A_275 : vector<1x128xi1>, vector<1x128xf32>
    %add3A_277 = arith.addf %add3A_248, %select_n3A_276 : vector<1x128xf32>
    %max3A_278 = arith.constant 0.000000e+00 : f32
    %max3A_279 = vector.broadcast %max3A_278 : f32 to vector<1x128xf32>
    %max3A_280 = arith.maximumf %broadcast_in_dim3A_30, %max3A_279 : vector<1x128xf32>
    %sub3A_281 = arith.subf %add3A_277, %max3A_280 : vector<1x128xf32>
    %mul3A_282 = arith.constant 1.250000e-01 : f32
    %mul3A_283 = vector.broadcast %mul3A_282 : f32 to vector<1x128xf32>
    %mul3A_284 = arith.mulf %sub3A_281, %mul3A_283 : vector<1x128xf32>
    %reshape3A = vector.shape_cast %mul3A_284 : vector<1x128xf32> to vector<1x1x128xf32>
    %swap3A_285 = arith.constant 0 : index
    %swap3A_286 = arith.constant 0 : index
    %swap3A_287 = arith.constant 0 : index
    %swap3A_288 = vector.load %arg5[%swap3A_285, %swap3A_286, %swap3A_287] : memref<1x1x128xf32, #tpu.memory_space<vmem>>, vector<1x1x128xf32>
    tpu.vector_store %arg5[%swap3A_285, %swap3A_286, %swap3A_287], %reshape3A {strides = array<i32>} : memref<1x1x128xf32, #tpu.memory_space<vmem>>, vector<1x1x128xf32>,
    return
  }
  func.func @transform_0(%arg0: i32) -> (i32, i32) {
    %c0_i32 = arith.constant 0 : i32
    %c0_i32_0 = arith.constant 0 : i32
    %c0_i32_1 = arith.constant 0 : i32
    return %c0_i32, %c0_i32_0 : i32, i32
  }
  func.func @transform_1(%arg0: i32) -> (i32, i32) {
    %c0_i32 = arith.constant 0 : i32
    %c0_i32_0 = arith.constant 0 : i32
    return %c0_i32, %arg0 : i32, i32
  }
  func.func @transform_2(%arg0: i32) -> (i32, i32) {
    %c0_i32 = arith.constant 0 : i32
    %c0_i32_0 = arith.constant 0 : i32
    %c0_i32_1 = arith.constant 0 : i32
    return %c0_i32, %c0_i32_0 : i32, i32
  }
  func.func @transform_3(%arg0: i32) -> (i32, i32) {
    %c0_i32 = arith.constant 0 : i32
    %c0_i32_0 = arith.constant 0 : i32
    return %c0_i32, %arg0 : i32, i32
  }
  func.func @transform_4(%arg0: i32) -> (i32, i32, i32) {
    %c0_i32 = arith.constant 0 : i32
    %c0_i32_0 = arith.constant 0 : i32
    %c0_i32_1 = arith.constant 0 : i32
    return %arg0, %c0_i32, %c0_i32_0 : i32, i32, i32
  }
}

module attributes {stable_mosaic.version = 14 : i64} {
  func.func @_proj_body(%arg0: memref<80x128xf32, #tpu.memory_space<vmem>>, %arg1: memref<6x80x128xf32, #tpu.memory_space<vmem>>, %arg2: memref<1x128xf32, #tpu.memory_space<vmem>>, %arg3: memref<4x80x128xf32, #tpu.memory_space<vmem>>, %arg4: memref<80x128xi32, #tpu.memory_space<vmem>>) attributes {dimension_semantics = [], scalar_prefetch = 0 : i64, scratch_operands = 0 : i64, tpu.core_type = #tpu.core_type<tc>} {
    %get3A = arith.constant 0 : index
    %get3A_0 = arith.constant 0 : index
    %get3A_1 = vector.load %arg0[%get3A, %get3A_0] : memref<80x128xf32, #tpu.memory_space<vmem>>, vector<80x128xf32>
    %iota3A = tpu.iota {dimensions = array<i32: 0>} : vector<80x128xi32>
    %iota3A_2 = tpu.iota {dimensions = array<i32: 1>} : vector<80x128xi32>
    %mul3A = arith.constant 128 : i32
    %mul3A_3 = vector.broadcast %mul3A : i32 to vector<80x128xi32>
    %mul3A_4 = arith.muli %iota3A, %mul3A_3 : vector<80x128xi32>
    %add3A = arith.addi %mul3A_4, %iota3A_2 : vector<80x128xi32>
    %lt3A = arith.constant 10000 : i32
    %lt3A_5 = vector.broadcast %lt3A : i32 to vector<80x128xi32>
    %lt3A_6 = arith.cmpi slt, %add3A, %lt3A_5 : vector<80x128xi32>
    %bitcast_convert_type3A = tpu.bitcast %get3A_1 : vector<80x128xf32> -> vector<80x128xi32>
    %add3A_7 = arith.constant 0 : i32
    %add3A_8 = arith.constant 1073741824 : i32
    %add3A_9 = arith.addi %add3A_7, %add3A_8 : i32
    %lt3A_10 = vector.broadcast %add3A_9 : i32 to vector<80x128xi32>
    %lt3A_11 = arith.cmpi slt, %bitcast_convert_type3A, %lt3A_10 : vector<80x128xi32>
    %and3A = arith.andi %lt3A_11, %lt3A_6 : vector<80x128xi1>
    %jit3A = arith.constant 1 : i32
    %jit3A_12 = arith.constant 0 : i32
    %broadcast_in_dim3A = vector.broadcast %jit3A : i32 to vector<80x128xi32>
    %broadcast_in_dim3A_13 = vector.broadcast %jit3A_12 : i32 to vector<80x128xi32>
    %select_n3A = arith.select %and3A, %broadcast_in_dim3A, %broadcast_in_dim3A_13 : vector<80x128xi1>, vector<80x128xi32>
    %reduce_sum3A = vector.shape_cast %select_n3A : vector<80x128xi32> to vector<1x80x128xi32>
    %reduce_sum3A_14 = arith.constant dense<0> : vector<1xi32>
    %reduce_sum3A_15 = vector.multi_reduction <add>, %reduce_sum3A, %reduce_sum3A_14 [1, 2] : vector<1x80x128xi32> to vector<1xi32>
    %reduce_sum3A_16 = vector.shape_cast %reduce_sum3A_15 : vector<1xi32> to vector<1x1x1xi32>
    %reduce_sum3A_17 = vector.extract %reduce_sum3A_16[0, 0, 0] : i32 from vector<1x1x1xi32>
    %lt3A_18 = arith.constant 5000 : i32
    %lt3A_19 = arith.cmpi slt, %reduce_sum3A_17, %lt3A_18 : i32
    %jit3A_20 = arith.constant 0 : i32
    %select_n3A_21 = arith.select %lt3A_19, %add3A_9, %jit3A_20 : i32
    %add3A_22 = arith.constant 536870912 : i32
    %add3A_23 = arith.addi %select_n3A_21, %add3A_22 : i32
    %lt3A_24 = vector.broadcast %add3A_23 : i32 to vector<80x128xi32>
    %lt3A_25 = arith.cmpi slt, %bitcast_convert_type3A, %lt3A_24 : vector<80x128xi32>
    %and3A_26 = arith.andi %lt3A_25, %lt3A_6 : vector<80x128xi1>
    %jit3A_27 = arith.constant 1 : i32
    %jit3A_28 = arith.constant 0 : i32
    %broadcast_in_dim3A_29 = vector.broadcast %jit3A_27 : i32 to vector<80x128xi32>
    %broadcast_in_dim3A_30 = vector.broadcast %jit3A_28 : i32 to vector<80x128xi32>
    %select_n3A_31 = arith.select %and3A_26, %broadcast_in_dim3A_29, %broadcast_in_dim3A_30 : vector<80x128xi1>, vector<80x128xi32>
    %reduce_sum3A_32 = vector.shape_cast %select_n3A_31 : vector<80x128xi32> to vector<1x80x128xi32>
    %reduce_sum3A_33 = arith.constant dense<0> : vector<1xi32>
    %reduce_sum3A_34 = vector.multi_reduction <add>, %reduce_sum3A_32, %reduce_sum3A_33 [1, 2] : vector<1x80x128xi32> to vector<1xi32>
    %reduce_sum3A_35 = vector.shape_cast %reduce_sum3A_34 : vector<1xi32> to vector<1x1x1xi32>
    %reduce_sum3A_36 = vector.extract %reduce_sum3A_35[0, 0, 0] : i32 from vector<1x1x1xi32>
    %lt3A_37 = arith.constant 5000 : i32
    %lt3A_38 = arith.cmpi slt, %reduce_sum3A_36, %lt3A_37 : i32
    %select_n3A_39 = arith.select %lt3A_38, %add3A_23, %select_n3A_21 : i32
    %add3A_40 = arith.constant 268435456 : i32
    %add3A_41 = arith.addi %select_n3A_39, %add3A_40 : i32
    %lt3A_42 = vector.broadcast %add3A_41 : i32 to vector<80x128xi32>
    %lt3A_43 = arith.cmpi slt, %bitcast_convert_type3A, %lt3A_42 : vector<80x128xi32>
    %and3A_44 = arith.andi %lt3A_43, %lt3A_6 : vector<80x128xi1>
    %jit3A_45 = arith.constant 1 : i32
    %jit3A_46 = arith.constant 0 : i32
    %broadcast_in_dim3A_47 = vector.broadcast %jit3A_45 : i32 to vector<80x128xi32>
    %broadcast_in_dim3A_48 = vector.broadcast %jit3A_46 : i32 to vector<80x128xi32>
    %select_n3A_49 = arith.select %and3A_44, %broadcast_in_dim3A_47, %broadcast_in_dim3A_48 : vector<80x128xi1>, vector<80x128xi32>
    %reduce_sum3A_50 = vector.shape_cast %select_n3A_49 : vector<80x128xi32> to vector<1x80x128xi32>
    %reduce_sum3A_51 = arith.constant dense<0> : vector<1xi32>
    %reduce_sum3A_52 = vector.multi_reduction <add>, %reduce_sum3A_50, %reduce_sum3A_51 [1, 2] : vector<1x80x128xi32> to vector<1xi32>
    %reduce_sum3A_53 = vector.shape_cast %reduce_sum3A_52 : vector<1xi32> to vector<1x1x1xi32>
    %reduce_sum3A_54 = vector.extract %reduce_sum3A_53[0, 0, 0] : i32 from vector<1x1x1xi32>
    %lt3A_55 = arith.constant 5000 : i32
    %lt3A_56 = arith.cmpi slt, %reduce_sum3A_54, %lt3A_55 : i32
    %select_n3A_57 = arith.select %lt3A_56, %add3A_41, %select_n3A_39 : i32
    %add3A_58 = arith.constant 134217728 : i32
    %add3A_59 = arith.addi %select_n3A_57, %add3A_58 : i32
    %lt3A_60 = vector.broadcast %add3A_59 : i32 to vector<80x128xi32>
    %lt3A_61 = arith.cmpi slt, %bitcast_convert_type3A, %lt3A_60 : vector<80x128xi32>
    %and3A_62 = arith.andi %lt3A_61, %lt3A_6 : vector<80x128xi1>
    %jit3A_63 = arith.constant 1 : i32
    %jit3A_64 = arith.constant 0 : i32
    %broadcast_in_dim3A_65 = vector.broadcast %jit3A_63 : i32 to vector<80x128xi32>
    %broadcast_in_dim3A_66 = vector.broadcast %jit3A_64 : i32 to vector<80x128xi32>
    %select_n3A_67 = arith.select %and3A_62, %broadcast_in_dim3A_65, %broadcast_in_dim3A_66 : vector<80x128xi1>, vector<80x128xi32>
    %reduce_sum3A_68 = vector.shape_cast %select_n3A_67 : vector<80x128xi32> to vector<1x80x128xi32>
    %reduce_sum3A_69 = arith.constant dense<0> : vector<1xi32>
    %reduce_sum3A_70 = vector.multi_reduction <add>, %reduce_sum3A_68, %reduce_sum3A_69 [1, 2] : vector<1x80x128xi32> to vector<1xi32>
    %reduce_sum3A_71 = vector.shape_cast %reduce_sum3A_70 : vector<1xi32> to vector<1x1x1xi32>
    %reduce_sum3A_72 = vector.extract %reduce_sum3A_71[0, 0, 0] : i32 from vector<1x1x1xi32>
    %lt3A_73 = arith.constant 5000 : i32
    %lt3A_74 = arith.cmpi slt, %reduce_sum3A_72, %lt3A_73 : i32
    %select_n3A_75 = arith.select %lt3A_74, %add3A_59, %select_n3A_57 : i32
    %add3A_76 = arith.constant 67108864 : i32
    %add3A_77 = arith.addi %select_n3A_75, %add3A_76 : i32
    %lt3A_78 = vector.broadcast %add3A_77 : i32 to vector<80x128xi32>
    %lt3A_79 = arith.cmpi slt, %bitcast_convert_type3A, %lt3A_78 : vector<80x128xi32>
    %and3A_80 = arith.andi %lt3A_79, %lt3A_6 : vector<80x128xi1>
    %jit3A_81 = arith.constant 1 : i32
    %jit3A_82 = arith.constant 0 : i32
    %broadcast_in_dim3A_83 = vector.broadcast %jit3A_81 : i32 to vector<80x128xi32>
    %broadcast_in_dim3A_84 = vector.broadcast %jit3A_82 : i32 to vector<80x128xi32>
    %select_n3A_85 = arith.select %and3A_80, %broadcast_in_dim3A_83, %broadcast_in_dim3A_84 : vector<80x128xi1>, vector<80x128xi32>
    %reduce_sum3A_86 = vector.shape_cast %select_n3A_85 : vector<80x128xi32> to vector<1x80x128xi32>
    %reduce_sum3A_87 = arith.constant dense<0> : vector<1xi32>
    %reduce_sum3A_88 = vector.multi_reduction <add>, %reduce_sum3A_86, %reduce_sum3A_87 [1, 2] : vector<1x80x128xi32> to vector<1xi32>
    %reduce_sum3A_89 = vector.shape_cast %reduce_sum3A_88 : vector<1xi32> to vector<1x1x1xi32>
    %reduce_sum3A_90 = vector.extract %reduce_sum3A_89[0, 0, 0] : i32 from vector<1x1x1xi32>
    %lt3A_91 = arith.constant 5000 : i32
    %lt3A_92 = arith.cmpi slt, %reduce_sum3A_90, %lt3A_91 : i32
    %select_n3A_93 = arith.select %lt3A_92, %add3A_77, %select_n3A_75 : i32
    %add3A_94 = arith.constant 33554432 : i32
    %add3A_95 = arith.addi %select_n3A_93, %add3A_94 : i32
    %lt3A_96 = vector.broadcast %add3A_95 : i32 to vector<80x128xi32>
    %lt3A_97 = arith.cmpi slt, %bitcast_convert_type3A, %lt3A_96 : vector<80x128xi32>
    %and3A_98 = arith.andi %lt3A_97, %lt3A_6 : vector<80x128xi1>
    %jit3A_99 = arith.constant 1 : i32
    %jit3A_100 = arith.constant 0 : i32
    %broadcast_in_dim3A_101 = vector.broadcast %jit3A_99 : i32 to vector<80x128xi32>
    %broadcast_in_dim3A_102 = vector.broadcast %jit3A_100 : i32 to vector<80x128xi32>
    %select_n3A_103 = arith.select %and3A_98, %broadcast_in_dim3A_101, %broadcast_in_dim3A_102 : vector<80x128xi1>, vector<80x128xi32>
    %reduce_sum3A_104 = vector.shape_cast %select_n3A_103 : vector<80x128xi32> to vector<1x80x128xi32>
    %reduce_sum3A_105 = arith.constant dense<0> : vector<1xi32>
    %reduce_sum3A_106 = vector.multi_reduction <add>, %reduce_sum3A_104, %reduce_sum3A_105 [1, 2] : vector<1x80x128xi32> to vector<1xi32>
    %reduce_sum3A_107 = vector.shape_cast %reduce_sum3A_106 : vector<1xi32> to vector<1x1x1xi32>
    %reduce_sum3A_108 = vector.extract %reduce_sum3A_107[0, 0, 0] : i32 from vector<1x1x1xi32>
    %lt3A_109 = arith.constant 5000 : i32
    %lt3A_110 = arith.cmpi slt, %reduce_sum3A_108, %lt3A_109 : i32
    %select_n3A_111 = arith.select %lt3A_110, %add3A_95, %select_n3A_93 : i32
    %add3A_112 = arith.constant 16777216 : i32
    %add3A_113 = arith.addi %select_n3A_111, %add3A_112 : i32
    %lt3A_114 = vector.broadcast %add3A_113 : i32 to vector<80x128xi32>
    %lt3A_115 = arith.cmpi slt, %bitcast_convert_type3A, %lt3A_114 : vector<80x128xi32>
    %and3A_116 = arith.andi %lt3A_115, %lt3A_6 : vector<80x128xi1>
    %jit3A_117 = arith.constant 1 : i32
    %jit3A_118 = arith.constant 0 : i32
    %broadcast_in_dim3A_119 = vector.broadcast %jit3A_117 : i32 to vector<80x128xi32>
    %broadcast_in_dim3A_120 = vector.broadcast %jit3A_118 : i32 to vector<80x128xi32>
    %select_n3A_121 = arith.select %and3A_116, %broadcast_in_dim3A_119, %broadcast_in_dim3A_120 : vector<80x128xi1>, vector<80x128xi32>
    %reduce_sum3A_122 = vector.shape_cast %select_n3A_121 : vector<80x128xi32> to vector<1x80x128xi32>
    %reduce_sum3A_123 = arith.constant dense<0> : vector<1xi32>
    %reduce_sum3A_124 = vector.multi_reduction <add>, %reduce_sum3A_122, %reduce_sum3A_123 [1, 2] : vector<1x80x128xi32> to vector<1xi32>
    %reduce_sum3A_125 = vector.shape_cast %reduce_sum3A_124 : vector<1xi32> to vector<1x1x1xi32>
    %reduce_sum3A_126 = vector.extract %reduce_sum3A_125[0, 0, 0] : i32 from vector<1x1x1xi32>
    %lt3A_127 = arith.constant 5000 : i32
    %lt3A_128 = arith.cmpi slt, %reduce_sum3A_126, %lt3A_127 : i32
    %select_n3A_129 = arith.select %lt3A_128, %add3A_113, %select_n3A_111 : i32
    %add3A_130 = arith.constant 8388608 : i32
    %add3A_131 = arith.addi %select_n3A_129, %add3A_130 : i32
    %lt3A_132 = vector.broadcast %add3A_131 : i32 to vector<80x128xi32>
    %lt3A_133 = arith.cmpi slt, %bitcast_convert_type3A, %lt3A_132 : vector<80x128xi32>
    %and3A_134 = arith.andi %lt3A_133, %lt3A_6 : vector<80x128xi1>
    %jit3A_135 = arith.constant 1 : i32
    %jit3A_136 = arith.constant 0 : i32
    %broadcast_in_dim3A_137 = vector.broadcast %jit3A_135 : i32 to vector<80x128xi32>
    %broadcast_in_dim3A_138 = vector.broadcast %jit3A_136 : i32 to vector<80x128xi32>
    %select_n3A_139 = arith.select %and3A_134, %broadcast_in_dim3A_137, %broadcast_in_dim3A_138 : vector<80x128xi1>, vector<80x128xi32>
    %reduce_sum3A_140 = vector.shape_cast %select_n3A_139 : vector<80x128xi32> to vector<1x80x128xi32>
    %reduce_sum3A_141 = arith.constant dense<0> : vector<1xi32>
    %reduce_sum3A_142 = vector.multi_reduction <add>, %reduce_sum3A_140, %reduce_sum3A_141 [1, 2] : vector<1x80x128xi32> to vector<1xi32>
    %reduce_sum3A_143 = vector.shape_cast %reduce_sum3A_142 : vector<1xi32> to vector<1x1x1xi32>
    %reduce_sum3A_144 = vector.extract %reduce_sum3A_143[0, 0, 0] : i32 from vector<1x1x1xi32>
    %lt3A_145 = arith.constant 5000 : i32
    %lt3A_146 = arith.cmpi slt, %reduce_sum3A_144, %lt3A_145 : i32
    %select_n3A_147 = arith.select %lt3A_146, %add3A_131, %select_n3A_129 : i32
    %add3A_148 = arith.constant 4194304 : i32
    %add3A_149 = arith.addi %select_n3A_147, %add3A_148 : i32
    %lt3A_150 = vector.broadcast %add3A_149 : i32 to vector<80x128xi32>
    %lt3A_151 = arith.cmpi slt, %bitcast_convert_type3A, %lt3A_150 : vector<80x128xi32>
    %and3A_152 = arith.andi %lt3A_151, %lt3A_6 : vector<80x128xi1>
    %jit3A_153 = arith.constant 1 : i32
    %jit3A_154 = arith.constant 0 : i32
    %broadcast_in_dim3A_155 = vector.broadcast %jit3A_153 : i32 to vector<80x128xi32>
    %broadcast_in_dim3A_156 = vector.broadcast %jit3A_154 : i32 to vector<80x128xi32>
    %select_n3A_157 = arith.select %and3A_152, %broadcast_in_dim3A_155, %broadcast_in_dim3A_156 : vector<80x128xi1>, vector<80x128xi32>
    %reduce_sum3A_158 = vector.shape_cast %select_n3A_157 : vector<80x128xi32> to vector<1x80x128xi32>
    %reduce_sum3A_159 = arith.constant dense<0> : vector<1xi32>
    %reduce_sum3A_160 = vector.multi_reduction <add>, %reduce_sum3A_158, %reduce_sum3A_159 [1, 2] : vector<1x80x128xi32> to vector<1xi32>
    %reduce_sum3A_161 = vector.shape_cast %reduce_sum3A_160 : vector<1xi32> to vector<1x1x1xi32>
    %reduce_sum3A_162 = vector.extract %reduce_sum3A_161[0, 0, 0] : i32 from vector<1x1x1xi32>
    %lt3A_163 = arith.constant 5000 : i32
    %lt3A_164 = arith.cmpi slt, %reduce_sum3A_162, %lt3A_163 : i32
    %select_n3A_165 = arith.select %lt3A_164, %add3A_149, %select_n3A_147 : i32
    %add3A_166 = arith.constant 2097152 : i32
    %add3A_167 = arith.addi %select_n3A_165, %add3A_166 : i32
    %lt3A_168 = vector.broadcast %add3A_167 : i32 to vector<80x128xi32>
    %lt3A_169 = arith.cmpi slt, %bitcast_convert_type3A, %lt3A_168 : vector<80x128xi32>
    %and3A_170 = arith.andi %lt3A_169, %lt3A_6 : vector<80x128xi1>
    %jit3A_171 = arith.constant 1 : i32
    %jit3A_172 = arith.constant 0 : i32
    %broadcast_in_dim3A_173 = vector.broadcast %jit3A_171 : i32 to vector<80x128xi32>
    %broadcast_in_dim3A_174 = vector.broadcast %jit3A_172 : i32 to vector<80x128xi32>
    %select_n3A_175 = arith.select %and3A_170, %broadcast_in_dim3A_173, %broadcast_in_dim3A_174 : vector<80x128xi1>, vector<80x128xi32>
    %reduce_sum3A_176 = vector.shape_cast %select_n3A_175 : vector<80x128xi32> to vector<1x80x128xi32>
    %reduce_sum3A_177 = arith.constant dense<0> : vector<1xi32>
    %reduce_sum3A_178 = vector.multi_reduction <add>, %reduce_sum3A_176, %reduce_sum3A_177 [1, 2] : vector<1x80x128xi32> to vector<1xi32>
    %reduce_sum3A_179 = vector.shape_cast %reduce_sum3A_178 : vector<1xi32> to vector<1x1x1xi32>
    %reduce_sum3A_180 = vector.extract %reduce_sum3A_179[0, 0, 0] : i32 from vector<1x1x1xi32>
    %lt3A_181 = arith.constant 5000 : i32
    %lt3A_182 = arith.cmpi slt, %reduce_sum3A_180, %lt3A_181 : i32
    %select_n3A_183 = arith.select %lt3A_182, %add3A_167, %select_n3A_165 : i32
    %add3A_184 = arith.constant 1048576 : i32
    %add3A_185 = arith.addi %select_n3A_183, %add3A_184 : i32
    %lt3A_186 = vector.broadcast %add3A_185 : i32 to vector<80x128xi32>
    %lt3A_187 = arith.cmpi slt, %bitcast_convert_type3A, %lt3A_186 : vector<80x128xi32>
    %and3A_188 = arith.andi %lt3A_187, %lt3A_6 : vector<80x128xi1>
    %jit3A_189 = arith.constant 1 : i32
    %jit3A_190 = arith.constant 0 : i32
    %broadcast_in_dim3A_191 = vector.broadcast %jit3A_189 : i32 to vector<80x128xi32>
    %broadcast_in_dim3A_192 = vector.broadcast %jit3A_190 : i32 to vector<80x128xi32>
    %select_n3A_193 = arith.select %and3A_188, %broadcast_in_dim3A_191, %broadcast_in_dim3A_192 : vector<80x128xi1>, vector<80x128xi32>
    %reduce_sum3A_194 = vector.shape_cast %select_n3A_193 : vector<80x128xi32> to vector<1x80x128xi32>
    %reduce_sum3A_195 = arith.constant dense<0> : vector<1xi32>
    %reduce_sum3A_196 = vector.multi_reduction <add>, %reduce_sum3A_194, %reduce_sum3A_195 [1, 2] : vector<1x80x128xi32> to vector<1xi32>
    %reduce_sum3A_197 = vector.shape_cast %reduce_sum3A_196 : vector<1xi32> to vector<1x1x1xi32>
    %reduce_sum3A_198 = vector.extract %reduce_sum3A_197[0, 0, 0] : i32 from vector<1x1x1xi32>
    %lt3A_199 = arith.constant 5000 : i32
    %lt3A_200 = arith.cmpi slt, %reduce_sum3A_198, %lt3A_199 : i32
    %select_n3A_201 = arith.select %lt3A_200, %add3A_185, %select_n3A_183 : i32
    %add3A_202 = arith.constant 524288 : i32
    %add3A_203 = arith.addi %select_n3A_201, %add3A_202 : i32
    %lt3A_204 = vector.broadcast %add3A_203 : i32 to vector<80x128xi32>
    %lt3A_205 = arith.cmpi slt, %bitcast_convert_type3A, %lt3A_204 : vector<80x128xi32>
    %and3A_206 = arith.andi %lt3A_205, %lt3A_6 : vector<80x128xi1>
    %jit3A_207 = arith.constant 1 : i32
    %jit3A_208 = arith.constant 0 : i32
    %broadcast_in_dim3A_209 = vector.broadcast %jit3A_207 : i32 to vector<80x128xi32>
    %broadcast_in_dim3A_210 = vector.broadcast %jit3A_208 : i32 to vector<80x128xi32>
    %select_n3A_211 = arith.select %and3A_206, %broadcast_in_dim3A_209, %broadcast_in_dim3A_210 : vector<80x128xi1>, vector<80x128xi32>
    %reduce_sum3A_212 = vector.shape_cast %select_n3A_211 : vector<80x128xi32> to vector<1x80x128xi32>
    %reduce_sum3A_213 = arith.constant dense<0> : vector<1xi32>
    %reduce_sum3A_214 = vector.multi_reduction <add>, %reduce_sum3A_212, %reduce_sum3A_213 [1, 2] : vector<1x80x128xi32> to vector<1xi32>
    %reduce_sum3A_215 = vector.shape_cast %reduce_sum3A_214 : vector<1xi32> to vector<1x1x1xi32>
    %reduce_sum3A_216 = vector.extract %reduce_sum3A_215[0, 0, 0] : i32 from vector<1x1x1xi32>
    %lt3A_217 = arith.constant 5000 : i32
    %lt3A_218 = arith.cmpi slt, %reduce_sum3A_216, %lt3A_217 : i32
    %select_n3A_219 = arith.select %lt3A_218, %add3A_203, %select_n3A_201 : i32
    %add3A_220 = arith.constant 262144 : i32
    %add3A_221 = arith.addi %select_n3A_219, %add3A_220 : i32
    %lt3A_222 = vector.broadcast %add3A_221 : i32 to vector<80x128xi32>
    %lt3A_223 = arith.cmpi slt, %bitcast_convert_type3A, %lt3A_222 : vector<80x128xi32>
    %and3A_224 = arith.andi %lt3A_223, %lt3A_6 : vector<80x128xi1>
    %jit3A_225 = arith.constant 1 : i32
    %jit3A_226 = arith.constant 0 : i32
    %broadcast_in_dim3A_227 = vector.broadcast %jit3A_225 : i32 to vector<80x128xi32>
    %broadcast_in_dim3A_228 = vector.broadcast %jit3A_226 : i32 to vector<80x128xi32>
    %select_n3A_229 = arith.select %and3A_224, %broadcast_in_dim3A_227, %broadcast_in_dim3A_228 : vector<80x128xi1>, vector<80x128xi32>
    %reduce_sum3A_230 = vector.shape_cast %select_n3A_229 : vector<80x128xi32> to vector<1x80x128xi32>
    %reduce_sum3A_231 = arith.constant dense<0> : vector<1xi32>
    %reduce_sum3A_232 = vector.multi_reduction <add>, %reduce_sum3A_230, %reduce_sum3A_231 [1, 2] : vector<1x80x128xi32> to vector<1xi32>
    %reduce_sum3A_233 = vector.shape_cast %reduce_sum3A_232 : vector<1xi32> to vector<1x1x1xi32>
    %reduce_sum3A_234 = vector.extract %reduce_sum3A_233[0, 0, 0] : i32 from vector<1x1x1xi32>
    %lt3A_235 = arith.constant 5000 : i32
    %lt3A_236 = arith.cmpi slt, %reduce_sum3A_234, %lt3A_235 : i32
    %select_n3A_237 = arith.select %lt3A_236, %add3A_221, %select_n3A_219 : i32
    %add3A_238 = arith.constant 131072 : i32
    %add3A_239 = arith.addi %select_n3A_237, %add3A_238 : i32
    %lt3A_240 = vector.broadcast %add3A_239 : i32 to vector<80x128xi32>
    %lt3A_241 = arith.cmpi slt, %bitcast_convert_type3A, %lt3A_240 : vector<80x128xi32>
    %and3A_242 = arith.andi %lt3A_241, %lt3A_6 : vector<80x128xi1>
    %jit3A_243 = arith.constant 1 : i32
    %jit3A_244 = arith.constant 0 : i32
    %broadcast_in_dim3A_245 = vector.broadcast %jit3A_243 : i32 to vector<80x128xi32>
    %broadcast_in_dim3A_246 = vector.broadcast %jit3A_244 : i32 to vector<80x128xi32>
    %select_n3A_247 = arith.select %and3A_242, %broadcast_in_dim3A_245, %broadcast_in_dim3A_246 : vector<80x128xi1>, vector<80x128xi32>
    %reduce_sum3A_248 = vector.shape_cast %select_n3A_247 : vector<80x128xi32> to vector<1x80x128xi32>
    %reduce_sum3A_249 = arith.constant dense<0> : vector<1xi32>
    %reduce_sum3A_250 = vector.multi_reduction <add>, %reduce_sum3A_248, %reduce_sum3A_249 [1, 2] : vector<1x80x128xi32> to vector<1xi32>
    %reduce_sum3A_251 = vector.shape_cast %reduce_sum3A_250 : vector<1xi32> to vector<1x1x1xi32>
    %reduce_sum3A_252 = vector.extract %reduce_sum3A_251[0, 0, 0] : i32 from vector<1x1x1xi32>
    %lt3A_253 = arith.constant 5000 : i32
    %lt3A_254 = arith.cmpi slt, %reduce_sum3A_252, %lt3A_253 : i32
    %select_n3A_255 = arith.select %lt3A_254, %add3A_239, %select_n3A_237 : i32
    %add3A_256 = arith.constant 65536 : i32
    %add3A_257 = arith.addi %select_n3A_255, %add3A_256 : i32
    %lt3A_258 = vector.broadcast %add3A_257 : i32 to vector<80x128xi32>
    %lt3A_259 = arith.cmpi slt, %bitcast_convert_type3A, %lt3A_258 : vector<80x128xi32>
    %and3A_260 = arith.andi %lt3A_259, %lt3A_6 : vector<80x128xi1>
    %jit3A_261 = arith.constant 1 : i32
    %jit3A_262 = arith.constant 0 : i32
    %broadcast_in_dim3A_263 = vector.broadcast %jit3A_261 : i32 to vector<80x128xi32>
    %broadcast_in_dim3A_264 = vector.broadcast %jit3A_262 : i32 to vector<80x128xi32>
    %select_n3A_265 = arith.select %and3A_260, %broadcast_in_dim3A_263, %broadcast_in_dim3A_264 : vector<80x128xi1>, vector<80x128xi32>
    %reduce_sum3A_266 = vector.shape_cast %select_n3A_265 : vector<80x128xi32> to vector<1x80x128xi32>
    %reduce_sum3A_267 = arith.constant dense<0> : vector<1xi32>
    %reduce_sum3A_268 = vector.multi_reduction <add>, %reduce_sum3A_266, %reduce_sum3A_267 [1, 2] : vector<1x80x128xi32> to vector<1xi32>
    %reduce_sum3A_269 = vector.shape_cast %reduce_sum3A_268 : vector<1xi32> to vector<1x1x1xi32>
    %reduce_sum3A_270 = vector.extract %reduce_sum3A_269[0, 0, 0] : i32 from vector<1x1x1xi32>
    %lt3A_271 = arith.constant 5000 : i32
    %lt3A_272 = arith.cmpi slt, %reduce_sum3A_270, %lt3A_271 : i32
    %select_n3A_273 = arith.select %lt3A_272, %add3A_257, %select_n3A_255 : i32
    %add3A_274 = arith.constant 32768 : i32
    %add3A_275 = arith.addi %select_n3A_273, %add3A_274 : i32
    %lt3A_276 = vector.broadcast %add3A_275 : i32 to vector<80x128xi32>
    %lt3A_277 = arith.cmpi slt, %bitcast_convert_type3A, %lt3A_276 : vector<80x128xi32>
    %and3A_278 = arith.andi %lt3A_277, %lt3A_6 : vector<80x128xi1>
    %jit3A_279 = arith.constant 1 : i32
    %jit3A_280 = arith.constant 0 : i32
    %broadcast_in_dim3A_281 = vector.broadcast %jit3A_279 : i32 to vector<80x128xi32>
    %broadcast_in_dim3A_282 = vector.broadcast %jit3A_280 : i32 to vector<80x128xi32>
    %select_n3A_283 = arith.select %and3A_278, %broadcast_in_dim3A_281, %broadcast_in_dim3A_282 : vector<80x128xi1>, vector<80x128xi32>
    %reduce_sum3A_284 = vector.shape_cast %select_n3A_283 : vector<80x128xi32> to vector<1x80x128xi32>
    %reduce_sum3A_285 = arith.constant dense<0> : vector<1xi32>
    %reduce_sum3A_286 = vector.multi_reduction <add>, %reduce_sum3A_284, %reduce_sum3A_285 [1, 2] : vector<1x80x128xi32> to vector<1xi32>
    %reduce_sum3A_287 = vector.shape_cast %reduce_sum3A_286 : vector<1xi32> to vector<1x1x1xi32>
    %reduce_sum3A_288 = vector.extract %reduce_sum3A_287[0, 0, 0] : i32 from vector<1x1x1xi32>
    %lt3A_289 = arith.constant 5000 : i32
    %lt3A_290 = arith.cmpi slt, %reduce_sum3A_288, %lt3A_289 : i32
    %select_n3A_291 = arith.select %lt3A_290, %add3A_275, %select_n3A_273 : i32
    %add3A_292 = arith.constant 16384 : i32
    %add3A_293 = arith.addi %select_n3A_291, %add3A_292 : i32
    %lt3A_294 = vector.broadcast %add3A_293 : i32 to vector<80x128xi32>
    %lt3A_295 = arith.cmpi slt, %bitcast_convert_type3A, %lt3A_294 : vector<80x128xi32>
    %and3A_296 = arith.andi %lt3A_295, %lt3A_6 : vector<80x128xi1>
    %jit3A_297 = arith.constant 1 : i32
    %jit3A_298 = arith.constant 0 : i32
    %broadcast_in_dim3A_299 = vector.broadcast %jit3A_297 : i32 to vector<80x128xi32>
    %broadcast_in_dim3A_300 = vector.broadcast %jit3A_298 : i32 to vector<80x128xi32>
    %select_n3A_301 = arith.select %and3A_296, %broadcast_in_dim3A_299, %broadcast_in_dim3A_300 : vector<80x128xi1>, vector<80x128xi32>
    %reduce_sum3A_302 = vector.shape_cast %select_n3A_301 : vector<80x128xi32> to vector<1x80x128xi32>
    %reduce_sum3A_303 = arith.constant dense<0> : vector<1xi32>
    %reduce_sum3A_304 = vector.multi_reduction <add>, %reduce_sum3A_302, %reduce_sum3A_303 [1, 2] : vector<1x80x128xi32> to vector<1xi32>
    %reduce_sum3A_305 = vector.shape_cast %reduce_sum3A_304 : vector<1xi32> to vector<1x1x1xi32>
    %reduce_sum3A_306 = vector.extract %reduce_sum3A_305[0, 0, 0] : i32 from vector<1x1x1xi32>
    %lt3A_307 = arith.constant 5000 : i32
    %lt3A_308 = arith.cmpi slt, %reduce_sum3A_306, %lt3A_307 : i32
    %select_n3A_309 = arith.select %lt3A_308, %add3A_293, %select_n3A_291 : i32
    %add3A_310 = arith.constant 8192 : i32
    %add3A_311 = arith.addi %select_n3A_309, %add3A_310 : i32
    %lt3A_312 = vector.broadcast %add3A_311 : i32 to vector<80x128xi32>
    %lt3A_313 = arith.cmpi slt, %bitcast_convert_type3A, %lt3A_312 : vector<80x128xi32>
    %and3A_314 = arith.andi %lt3A_313, %lt3A_6 : vector<80x128xi1>
    %jit3A_315 = arith.constant 1 : i32
    %jit3A_316 = arith.constant 0 : i32
    %broadcast_in_dim3A_317 = vector.broadcast %jit3A_315 : i32 to vector<80x128xi32>
    %broadcast_in_dim3A_318 = vector.broadcast %jit3A_316 : i32 to vector<80x128xi32>
    %select_n3A_319 = arith.select %and3A_314, %broadcast_in_dim3A_317, %broadcast_in_dim3A_318 : vector<80x128xi1>, vector<80x128xi32>
    %reduce_sum3A_320 = vector.shape_cast %select_n3A_319 : vector<80x128xi32> to vector<1x80x128xi32>
    %reduce_sum3A_321 = arith.constant dense<0> : vector<1xi32>
    %reduce_sum3A_322 = vector.multi_reduction <add>, %reduce_sum3A_320, %reduce_sum3A_321 [1, 2] : vector<1x80x128xi32> to vector<1xi32>
    %reduce_sum3A_323 = vector.shape_cast %reduce_sum3A_322 : vector<1xi32> to vector<1x1x1xi32>
    %reduce_sum3A_324 = vector.extract %reduce_sum3A_323[0, 0, 0] : i32 from vector<1x1x1xi32>
    %lt3A_325 = arith.constant 5000 : i32
    %lt3A_326 = arith.cmpi slt, %reduce_sum3A_324, %lt3A_325 : i32
    %select_n3A_327 = arith.select %lt3A_326, %add3A_311, %select_n3A_309 : i32
    %add3A_328 = arith.constant 4096 : i32
    %add3A_329 = arith.addi %select_n3A_327, %add3A_328 : i32
    %lt3A_330 = vector.broadcast %add3A_329 : i32 to vector<80x128xi32>
    %lt3A_331 = arith.cmpi slt, %bitcast_convert_type3A, %lt3A_330 : vector<80x128xi32>
    %and3A_332 = arith.andi %lt3A_331, %lt3A_6 : vector<80x128xi1>
    %jit3A_333 = arith.constant 1 : i32
    %jit3A_334 = arith.constant 0 : i32
    %broadcast_in_dim3A_335 = vector.broadcast %jit3A_333 : i32 to vector<80x128xi32>
    %broadcast_in_dim3A_336 = vector.broadcast %jit3A_334 : i32 to vector<80x128xi32>
    %select_n3A_337 = arith.select %and3A_332, %broadcast_in_dim3A_335, %broadcast_in_dim3A_336 : vector<80x128xi1>, vector<80x128xi32>
    %reduce_sum3A_338 = vector.shape_cast %select_n3A_337 : vector<80x128xi32> to vector<1x80x128xi32>
    %reduce_sum3A_339 = arith.constant dense<0> : vector<1xi32>
    %reduce_sum3A_340 = vector.multi_reduction <add>, %reduce_sum3A_338, %reduce_sum3A_339 [1, 2] : vector<1x80x128xi32> to vector<1xi32>
    %reduce_sum3A_341 = vector.shape_cast %reduce_sum3A_340 : vector<1xi32> to vector<1x1x1xi32>
    %reduce_sum3A_342 = vector.extract %reduce_sum3A_341[0, 0, 0] : i32 from vector<1x1x1xi32>
    %lt3A_343 = arith.constant 5000 : i32
    %lt3A_344 = arith.cmpi slt, %reduce_sum3A_342, %lt3A_343 : i32
    %select_n3A_345 = arith.select %lt3A_344, %add3A_329, %select_n3A_327 : i32
    %add3A_346 = arith.constant 2048 : i32
    %add3A_347 = arith.addi %select_n3A_345, %add3A_346 : i32
    %lt3A_348 = vector.broadcast %add3A_347 : i32 to vector<80x128xi32>
    %lt3A_349 = arith.cmpi slt, %bitcast_convert_type3A, %lt3A_348 : vector<80x128xi32>
    %and3A_350 = arith.andi %lt3A_349, %lt3A_6 : vector<80x128xi1>
    %jit3A_351 = arith.constant 1 : i32
    %jit3A_352 = arith.constant 0 : i32
    %broadcast_in_dim3A_353 = vector.broadcast %jit3A_351 : i32 to vector<80x128xi32>
    %broadcast_in_dim3A_354 = vector.broadcast %jit3A_352 : i32 to vector<80x128xi32>
    %select_n3A_355 = arith.select %and3A_350, %broadcast_in_dim3A_353, %broadcast_in_dim3A_354 : vector<80x128xi1>, vector<80x128xi32>
    %reduce_sum3A_356 = vector.shape_cast %select_n3A_355 : vector<80x128xi32> to vector<1x80x128xi32>
    %reduce_sum3A_357 = arith.constant dense<0> : vector<1xi32>
    %reduce_sum3A_358 = vector.multi_reduction <add>, %reduce_sum3A_356, %reduce_sum3A_357 [1, 2] : vector<1x80x128xi32> to vector<1xi32>
    %reduce_sum3A_359 = vector.shape_cast %reduce_sum3A_358 : vector<1xi32> to vector<1x1x1xi32>
    %reduce_sum3A_360 = vector.extract %reduce_sum3A_359[0, 0, 0] : i32 from vector<1x1x1xi32>
    %lt3A_361 = arith.constant 5000 : i32
    %lt3A_362 = arith.cmpi slt, %reduce_sum3A_360, %lt3A_361 : i32
    %select_n3A_363 = arith.select %lt3A_362, %add3A_347, %select_n3A_345 : i32
    %add3A_364 = arith.constant 1024 : i32
    %add3A_365 = arith.addi %select_n3A_363, %add3A_364 : i32
    %lt3A_366 = vector.broadcast %add3A_365 : i32 to vector<80x128xi32>
    %lt3A_367 = arith.cmpi slt, %bitcast_convert_type3A, %lt3A_366 : vector<80x128xi32>
    %and3A_368 = arith.andi %lt3A_367, %lt3A_6 : vector<80x128xi1>
    %jit3A_369 = arith.constant 1 : i32
    %jit3A_370 = arith.constant 0 : i32
    %broadcast_in_dim3A_371 = vector.broadcast %jit3A_369 : i32 to vector<80x128xi32>
    %broadcast_in_dim3A_372 = vector.broadcast %jit3A_370 : i32 to vector<80x128xi32>
    %select_n3A_373 = arith.select %and3A_368, %broadcast_in_dim3A_371, %broadcast_in_dim3A_372 : vector<80x128xi1>, vector<80x128xi32>
    %reduce_sum3A_374 = vector.shape_cast %select_n3A_373 : vector<80x128xi32> to vector<1x80x128xi32>
    %reduce_sum3A_375 = arith.constant dense<0> : vector<1xi32>
    %reduce_sum3A_376 = vector.multi_reduction <add>, %reduce_sum3A_374, %reduce_sum3A_375 [1, 2] : vector<1x80x128xi32> to vector<1xi32>
    %reduce_sum3A_377 = vector.shape_cast %reduce_sum3A_376 : vector<1xi32> to vector<1x1x1xi32>
    %reduce_sum3A_378 = vector.extract %reduce_sum3A_377[0, 0, 0] : i32 from vector<1x1x1xi32>
    %lt3A_379 = arith.constant 5000 : i32
    %lt3A_380 = arith.cmpi slt, %reduce_sum3A_378, %lt3A_379 : i32
    %select_n3A_381 = arith.select %lt3A_380, %add3A_365, %select_n3A_363 : i32
    %add3A_382 = arith.constant 512 : i32
    %add3A_383 = arith.addi %select_n3A_381, %add3A_382 : i32
    %lt3A_384 = vector.broadcast %add3A_383 : i32 to vector<80x128xi32>
    %lt3A_385 = arith.cmpi slt, %bitcast_convert_type3A, %lt3A_384 : vector<80x128xi32>
    %and3A_386 = arith.andi %lt3A_385, %lt3A_6 : vector<80x128xi1>
    %jit3A_387 = arith.constant 1 : i32
    %jit3A_388 = arith.constant 0 : i32
    %broadcast_in_dim3A_389 = vector.broadcast %jit3A_387 : i32 to vector<80x128xi32>
    %broadcast_in_dim3A_390 = vector.broadcast %jit3A_388 : i32 to vector<80x128xi32>
    %select_n3A_391 = arith.select %and3A_386, %broadcast_in_dim3A_389, %broadcast_in_dim3A_390 : vector<80x128xi1>, vector<80x128xi32>
    %reduce_sum3A_392 = vector.shape_cast %select_n3A_391 : vector<80x128xi32> to vector<1x80x128xi32>
    %reduce_sum3A_393 = arith.constant dense<0> : vector<1xi32>
    %reduce_sum3A_394 = vector.multi_reduction <add>, %reduce_sum3A_392, %reduce_sum3A_393 [1, 2] : vector<1x80x128xi32> to vector<1xi32>
    %reduce_sum3A_395 = vector.shape_cast %reduce_sum3A_394 : vector<1xi32> to vector<1x1x1xi32>
    %reduce_sum3A_396 = vector.extract %reduce_sum3A_395[0, 0, 0] : i32 from vector<1x1x1xi32>
    %lt3A_397 = arith.constant 5000 : i32
    %lt3A_398 = arith.cmpi slt, %reduce_sum3A_396, %lt3A_397 : i32
    %select_n3A_399 = arith.select %lt3A_398, %add3A_383, %select_n3A_381 : i32
    %add3A_400 = arith.constant 256 : i32
    %add3A_401 = arith.addi %select_n3A_399, %add3A_400 : i32
    %lt3A_402 = vector.broadcast %add3A_401 : i32 to vector<80x128xi32>
    %lt3A_403 = arith.cmpi slt, %bitcast_convert_type3A, %lt3A_402 : vector<80x128xi32>
    %and3A_404 = arith.andi %lt3A_403, %lt3A_6 : vector<80x128xi1>
    %jit3A_405 = arith.constant 1 : i32
    %jit3A_406 = arith.constant 0 : i32
    %broadcast_in_dim3A_407 = vector.broadcast %jit3A_405 : i32 to vector<80x128xi32>
    %broadcast_in_dim3A_408 = vector.broadcast %jit3A_406 : i32 to vector<80x128xi32>
    %select_n3A_409 = arith.select %and3A_404, %broadcast_in_dim3A_407, %broadcast_in_dim3A_408 : vector<80x128xi1>, vector<80x128xi32>
    %reduce_sum3A_410 = vector.shape_cast %select_n3A_409 : vector<80x128xi32> to vector<1x80x128xi32>
    %reduce_sum3A_411 = arith.constant dense<0> : vector<1xi32>
    %reduce_sum3A_412 = vector.multi_reduction <add>, %reduce_sum3A_410, %reduce_sum3A_411 [1, 2] : vector<1x80x128xi32> to vector<1xi32>
    %reduce_sum3A_413 = vector.shape_cast %reduce_sum3A_412 : vector<1xi32> to vector<1x1x1xi32>
    %reduce_sum3A_414 = vector.extract %reduce_sum3A_413[0, 0, 0] : i32 from vector<1x1x1xi32>
    %lt3A_415 = arith.constant 5000 : i32
    %lt3A_416 = arith.cmpi slt, %reduce_sum3A_414, %lt3A_415 : i32
    %select_n3A_417 = arith.select %lt3A_416, %add3A_401, %select_n3A_399 : i32
    %add3A_418 = arith.constant 128 : i32
    %add3A_419 = arith.addi %select_n3A_417, %add3A_418 : i32
    %lt3A_420 = vector.broadcast %add3A_419 : i32 to vector<80x128xi32>
    %lt3A_421 = arith.cmpi slt, %bitcast_convert_type3A, %lt3A_420 : vector<80x128xi32>
    %and3A_422 = arith.andi %lt3A_421, %lt3A_6 : vector<80x128xi1>
    %jit3A_423 = arith.constant 1 : i32
    %jit3A_424 = arith.constant 0 : i32
    %broadcast_in_dim3A_425 = vector.broadcast %jit3A_423 : i32 to vector<80x128xi32>
    %broadcast_in_dim3A_426 = vector.broadcast %jit3A_424 : i32 to vector<80x128xi32>
    %select_n3A_427 = arith.select %and3A_422, %broadcast_in_dim3A_425, %broadcast_in_dim3A_426 : vector<80x128xi1>, vector<80x128xi32>
    %reduce_sum3A_428 = vector.shape_cast %select_n3A_427 : vector<80x128xi32> to vector<1x80x128xi32>
    %reduce_sum3A_429 = arith.constant dense<0> : vector<1xi32>
    %reduce_sum3A_430 = vector.multi_reduction <add>, %reduce_sum3A_428, %reduce_sum3A_429 [1, 2] : vector<1x80x128xi32> to vector<1xi32>
    %reduce_sum3A_431 = vector.shape_cast %reduce_sum3A_430 : vector<1xi32> to vector<1x1x1xi32>
    %reduce_sum3A_432 = vector.extract %reduce_sum3A_431[0, 0, 0] : i32 from vector<1x1x1xi32>
    %lt3A_433 = arith.constant 5000 : i32
    %lt3A_434 = arith.cmpi slt, %reduce_sum3A_432, %lt3A_433 : i32
    %select_n3A_435 = arith.select %lt3A_434, %add3A_419, %select_n3A_417 : i32
    %add3A_436 = arith.constant 64 : i32
    %add3A_437 = arith.addi %select_n3A_435, %add3A_436 : i32
    %lt3A_438 = vector.broadcast %add3A_437 : i32 to vector<80x128xi32>
    %lt3A_439 = arith.cmpi slt, %bitcast_convert_type3A, %lt3A_438 : vector<80x128xi32>
    %and3A_440 = arith.andi %lt3A_439, %lt3A_6 : vector<80x128xi1>
    %jit3A_441 = arith.constant 1 : i32
    %jit3A_442 = arith.constant 0 : i32
    %broadcast_in_dim3A_443 = vector.broadcast %jit3A_441 : i32 to vector<80x128xi32>
    %broadcast_in_dim3A_444 = vector.broadcast %jit3A_442 : i32 to vector<80x128xi32>
    %select_n3A_445 = arith.select %and3A_440, %broadcast_in_dim3A_443, %broadcast_in_dim3A_444 : vector<80x128xi1>, vector<80x128xi32>
    %reduce_sum3A_446 = vector.shape_cast %select_n3A_445 : vector<80x128xi32> to vector<1x80x128xi32>
    %reduce_sum3A_447 = arith.constant dense<0> : vector<1xi32>
    %reduce_sum3A_448 = vector.multi_reduction <add>, %reduce_sum3A_446, %reduce_sum3A_447 [1, 2] : vector<1x80x128xi32> to vector<1xi32>
    %reduce_sum3A_449 = vector.shape_cast %reduce_sum3A_448 : vector<1xi32> to vector<1x1x1xi32>
    %reduce_sum3A_450 = vector.extract %reduce_sum3A_449[0, 0, 0] : i32 from vector<1x1x1xi32>
    %lt3A_451 = arith.constant 5000 : i32
    %lt3A_452 = arith.cmpi slt, %reduce_sum3A_450, %lt3A_451 : i32
    %select_n3A_453 = arith.select %lt3A_452, %add3A_437, %select_n3A_435 : i32
    %add3A_454 = arith.constant 32 : i32
    %add3A_455 = arith.addi %select_n3A_453, %add3A_454 : i32
    %lt3A_456 = vector.broadcast %add3A_455 : i32 to vector<80x128xi32>
    %lt3A_457 = arith.cmpi slt, %bitcast_convert_type3A, %lt3A_456 : vector<80x128xi32>
    %and3A_458 = arith.andi %lt3A_457, %lt3A_6 : vector<80x128xi1>
    %jit3A_459 = arith.constant 1 : i32
    %jit3A_460 = arith.constant 0 : i32
    %broadcast_in_dim3A_461 = vector.broadcast %jit3A_459 : i32 to vector<80x128xi32>
    %broadcast_in_dim3A_462 = vector.broadcast %jit3A_460 : i32 to vector<80x128xi32>
    %select_n3A_463 = arith.select %and3A_458, %broadcast_in_dim3A_461, %broadcast_in_dim3A_462 : vector<80x128xi1>, vector<80x128xi32>
    %reduce_sum3A_464 = vector.shape_cast %select_n3A_463 : vector<80x128xi32> to vector<1x80x128xi32>
    %reduce_sum3A_465 = arith.constant dense<0> : vector<1xi32>
    %reduce_sum3A_466 = vector.multi_reduction <add>, %reduce_sum3A_464, %reduce_sum3A_465 [1, 2] : vector<1x80x128xi32> to vector<1xi32>
    %reduce_sum3A_467 = vector.shape_cast %reduce_sum3A_466 : vector<1xi32> to vector<1x1x1xi32>
    %reduce_sum3A_468 = vector.extract %reduce_sum3A_467[0, 0, 0] : i32 from vector<1x1x1xi32>
    %lt3A_469 = arith.constant 5000 : i32
    %lt3A_470 = arith.cmpi slt, %reduce_sum3A_468, %lt3A_469 : i32
    %select_n3A_471 = arith.select %lt3A_470, %add3A_455, %select_n3A_453 : i32
    %add3A_472 = arith.constant 16 : i32
    %add3A_473 = arith.addi %select_n3A_471, %add3A_472 : i32
    %lt3A_474 = vector.broadcast %add3A_473 : i32 to vector<80x128xi32>
    %lt3A_475 = arith.cmpi slt, %bitcast_convert_type3A, %lt3A_474 : vector<80x128xi32>
    %and3A_476 = arith.andi %lt3A_475, %lt3A_6 : vector<80x128xi1>
    %jit3A_477 = arith.constant 1 : i32
    %jit3A_478 = arith.constant 0 : i32
    %broadcast_in_dim3A_479 = vector.broadcast %jit3A_477 : i32 to vector<80x128xi32>
    %broadcast_in_dim3A_480 = vector.broadcast %jit3A_478 : i32 to vector<80x128xi32>
    %select_n3A_481 = arith.select %and3A_476, %broadcast_in_dim3A_479, %broadcast_in_dim3A_480 : vector<80x128xi1>, vector<80x128xi32>
    %reduce_sum3A_482 = vector.shape_cast %select_n3A_481 : vector<80x128xi32> to vector<1x80x128xi32>
    %reduce_sum3A_483 = arith.constant dense<0> : vector<1xi32>
    %reduce_sum3A_484 = vector.multi_reduction <add>, %reduce_sum3A_482, %reduce_sum3A_483 [1, 2] : vector<1x80x128xi32> to vector<1xi32>
    %reduce_sum3A_485 = vector.shape_cast %reduce_sum3A_484 : vector<1xi32> to vector<1x1x1xi32>
    %reduce_sum3A_486 = vector.extract %reduce_sum3A_485[0, 0, 0] : i32 from vector<1x1x1xi32>
    %lt3A_487 = arith.constant 5000 : i32
    %lt3A_488 = arith.cmpi slt, %reduce_sum3A_486, %lt3A_487 : i32
    %select_n3A_489 = arith.select %lt3A_488, %add3A_473, %select_n3A_471 : i32
    %add3A_490 = arith.constant 8 : i32
    %add3A_491 = arith.addi %select_n3A_489, %add3A_490 : i32
    %lt3A_492 = vector.broadcast %add3A_491 : i32 to vector<80x128xi32>
    %lt3A_493 = arith.cmpi slt, %bitcast_convert_type3A, %lt3A_492 : vector<80x128xi32>
    %and3A_494 = arith.andi %lt3A_493, %lt3A_6 : vector<80x128xi1>
    %jit3A_495 = arith.constant 1 : i32
    %jit3A_496 = arith.constant 0 : i32
    %broadcast_in_dim3A_497 = vector.broadcast %jit3A_495 : i32 to vector<80x128xi32>
    %broadcast_in_dim3A_498 = vector.broadcast %jit3A_496 : i32 to vector<80x128xi32>
    %select_n3A_499 = arith.select %and3A_494, %broadcast_in_dim3A_497, %broadcast_in_dim3A_498 : vector<80x128xi1>, vector<80x128xi32>
    %reduce_sum3A_500 = vector.shape_cast %select_n3A_499 : vector<80x128xi32> to vector<1x80x128xi32>
    %reduce_sum3A_501 = arith.constant dense<0> : vector<1xi32>
    %reduce_sum3A_502 = vector.multi_reduction <add>, %reduce_sum3A_500, %reduce_sum3A_501 [1, 2] : vector<1x80x128xi32> to vector<1xi32>
    %reduce_sum3A_503 = vector.shape_cast %reduce_sum3A_502 : vector<1xi32> to vector<1x1x1xi32>
    %reduce_sum3A_504 = vector.extract %reduce_sum3A_503[0, 0, 0] : i32 from vector<1x1x1xi32>
    %lt3A_505 = arith.constant 5000 : i32
    %lt3A_506 = arith.cmpi slt, %reduce_sum3A_504, %lt3A_505 : i32
    %select_n3A_507 = arith.select %lt3A_506, %add3A_491, %select_n3A_489 : i32
    %add3A_508 = arith.constant 4 : i32
    %add3A_509 = arith.addi %select_n3A_507, %add3A_508 : i32
    %lt3A_510 = vector.broadcast %add3A_509 : i32 to vector<80x128xi32>
    %lt3A_511 = arith.cmpi slt, %bitcast_convert_type3A, %lt3A_510 : vector<80x128xi32>
    %and3A_512 = arith.andi %lt3A_511, %lt3A_6 : vector<80x128xi1>
    %jit3A_513 = arith.constant 1 : i32
    %jit3A_514 = arith.constant 0 : i32
    %broadcast_in_dim3A_515 = vector.broadcast %jit3A_513 : i32 to vector<80x128xi32>
    %broadcast_in_dim3A_516 = vector.broadcast %jit3A_514 : i32 to vector<80x128xi32>
    %select_n3A_517 = arith.select %and3A_512, %broadcast_in_dim3A_515, %broadcast_in_dim3A_516 : vector<80x128xi1>, vector<80x128xi32>
    %reduce_sum3A_518 = vector.shape_cast %select_n3A_517 : vector<80x128xi32> to vector<1x80x128xi32>
    %reduce_sum3A_519 = arith.constant dense<0> : vector<1xi32>
    %reduce_sum3A_520 = vector.multi_reduction <add>, %reduce_sum3A_518, %reduce_sum3A_519 [1, 2] : vector<1x80x128xi32> to vector<1xi32>
    %reduce_sum3A_521 = vector.shape_cast %reduce_sum3A_520 : vector<1xi32> to vector<1x1x1xi32>
    %reduce_sum3A_522 = vector.extract %reduce_sum3A_521[0, 0, 0] : i32 from vector<1x1x1xi32>
    %lt3A_523 = arith.constant 5000 : i32
    %lt3A_524 = arith.cmpi slt, %reduce_sum3A_522, %lt3A_523 : i32
    %select_n3A_525 = arith.select %lt3A_524, %add3A_509, %select_n3A_507 : i32
    %add3A_526 = arith.constant 2 : i32
    %add3A_527 = arith.addi %select_n3A_525, %add3A_526 : i32
    %lt3A_528 = vector.broadcast %add3A_527 : i32 to vector<80x128xi32>
    %lt3A_529 = arith.cmpi slt, %bitcast_convert_type3A, %lt3A_528 : vector<80x128xi32>
    %and3A_530 = arith.andi %lt3A_529, %lt3A_6 : vector<80x128xi1>
    %jit3A_531 = arith.constant 1 : i32
    %jit3A_532 = arith.constant 0 : i32
    %broadcast_in_dim3A_533 = vector.broadcast %jit3A_531 : i32 to vector<80x128xi32>
    %broadcast_in_dim3A_534 = vector.broadcast %jit3A_532 : i32 to vector<80x128xi32>
    %select_n3A_535 = arith.select %and3A_530, %broadcast_in_dim3A_533, %broadcast_in_dim3A_534 : vector<80x128xi1>, vector<80x128xi32>
    %reduce_sum3A_536 = vector.shape_cast %select_n3A_535 : vector<80x128xi32> to vector<1x80x128xi32>
    %reduce_sum3A_537 = arith.constant dense<0> : vector<1xi32>
    %reduce_sum3A_538 = vector.multi_reduction <add>, %reduce_sum3A_536, %reduce_sum3A_537 [1, 2] : vector<1x80x128xi32> to vector<1xi32>
    %reduce_sum3A_539 = vector.shape_cast %reduce_sum3A_538 : vector<1xi32> to vector<1x1x1xi32>
    %reduce_sum3A_540 = vector.extract %reduce_sum3A_539[0, 0, 0] : i32 from vector<1x1x1xi32>
    %lt3A_541 = arith.constant 5000 : i32
    %lt3A_542 = arith.cmpi slt, %reduce_sum3A_540, %lt3A_541 : i32
    %select_n3A_543 = arith.select %lt3A_542, %add3A_527, %select_n3A_525 : i32
    %add3A_544 = arith.constant 1 : i32
    %add3A_545 = arith.addi %select_n3A_543, %add3A_544 : i32
    %lt3A_546 = vector.broadcast %add3A_545 : i32 to vector<80x128xi32>
    %lt3A_547 = arith.cmpi slt, %bitcast_convert_type3A, %lt3A_546 : vector<80x128xi32>
    %and3A_548 = arith.andi %lt3A_547, %lt3A_6 : vector<80x128xi1>
    %jit3A_549 = arith.constant 1 : i32
    %jit3A_550 = arith.constant 0 : i32
    %broadcast_in_dim3A_551 = vector.broadcast %jit3A_549 : i32 to vector<80x128xi32>
    %broadcast_in_dim3A_552 = vector.broadcast %jit3A_550 : i32 to vector<80x128xi32>
    %select_n3A_553 = arith.select %and3A_548, %broadcast_in_dim3A_551, %broadcast_in_dim3A_552 : vector<80x128xi1>, vector<80x128xi32>
    %reduce_sum3A_554 = vector.shape_cast %select_n3A_553 : vector<80x128xi32> to vector<1x80x128xi32>
    %reduce_sum3A_555 = arith.constant dense<0> : vector<1xi32>
    %reduce_sum3A_556 = vector.multi_reduction <add>, %reduce_sum3A_554, %reduce_sum3A_555 [1, 2] : vector<1x80x128xi32> to vector<1xi32>
    %reduce_sum3A_557 = vector.shape_cast %reduce_sum3A_556 : vector<1xi32> to vector<1x1x1xi32>
    %reduce_sum3A_558 = vector.extract %reduce_sum3A_557[0, 0, 0] : i32 from vector<1x1x1xi32>
    %lt3A_559 = arith.constant 5000 : i32
    %lt3A_560 = arith.cmpi slt, %reduce_sum3A_558, %lt3A_559 : i32
    %select_n3A_561 = arith.select %lt3A_560, %add3A_545, %select_n3A_543 : i32
    %bitcast_convert_type3A_562 = arith.bitcast %select_n3A_561 : i32 to f32
    %add3A_563 = arith.constant 0 : i32
    %add3A_564 = arith.constant 1073741824 : i32
    %add3A_565 = arith.addi %add3A_563, %add3A_564 : i32
    %lt3A_566 = vector.broadcast %add3A_565 : i32 to vector<80x128xi32>
    %lt3A_567 = arith.cmpi slt, %bitcast_convert_type3A, %lt3A_566 : vector<80x128xi32>
    %and3A_568 = arith.andi %lt3A_567, %lt3A_6 : vector<80x128xi1>
    %jit3A_569 = arith.constant 1 : i32
    %jit3A_570 = arith.constant 0 : i32
    %broadcast_in_dim3A_571 = vector.broadcast %jit3A_569 : i32 to vector<80x128xi32>
    %broadcast_in_dim3A_572 = vector.broadcast %jit3A_570 : i32 to vector<80x128xi32>
    %select_n3A_573 = arith.select %and3A_568, %broadcast_in_dim3A_571, %broadcast_in_dim3A_572 : vector<80x128xi1>, vector<80x128xi32>
    %reduce_sum3A_574 = vector.shape_cast %select_n3A_573 : vector<80x128xi32> to vector<1x80x128xi32>
    %reduce_sum3A_575 = arith.constant dense<0> : vector<1xi32>
    %reduce_sum3A_576 = vector.multi_reduction <add>, %reduce_sum3A_574, %reduce_sum3A_575 [1, 2] : vector<1x80x128xi32> to vector<1xi32>
    %reduce_sum3A_577 = vector.shape_cast %reduce_sum3A_576 : vector<1xi32> to vector<1x1x1xi32>
    %reduce_sum3A_578 = vector.extract %reduce_sum3A_577[0, 0, 0] : i32 from vector<1x1x1xi32>
    %lt3A_579 = arith.constant 5001 : i32
    %lt3A_580 = arith.cmpi slt, %reduce_sum3A_578, %lt3A_579 : i32
    %jit3A_581 = arith.constant 0 : i32
    %select_n3A_582 = arith.select %lt3A_580, %add3A_565, %jit3A_581 : i32
    %add3A_583 = arith.constant 536870912 : i32
    %add3A_584 = arith.addi %select_n3A_582, %add3A_583 : i32
    %lt3A_585 = vector.broadcast %add3A_584 : i32 to vector<80x128xi32>
    %lt3A_586 = arith.cmpi slt, %bitcast_convert_type3A, %lt3A_585 : vector<80x128xi32>
    %and3A_587 = arith.andi %lt3A_586, %lt3A_6 : vector<80x128xi1>
    %jit3A_588 = arith.constant 1 : i32
    %jit3A_589 = arith.constant 0 : i32
    %broadcast_in_dim3A_590 = vector.broadcast %jit3A_588 : i32 to vector<80x128xi32>
    %broadcast_in_dim3A_591 = vector.broadcast %jit3A_589 : i32 to vector<80x128xi32>
    %select_n3A_592 = arith.select %and3A_587, %broadcast_in_dim3A_590, %broadcast_in_dim3A_591 : vector<80x128xi1>, vector<80x128xi32>
    %reduce_sum3A_593 = vector.shape_cast %select_n3A_592 : vector<80x128xi32> to vector<1x80x128xi32>
    %reduce_sum3A_594 = arith.constant dense<0> : vector<1xi32>
    %reduce_sum3A_595 = vector.multi_reduction <add>, %reduce_sum3A_593, %reduce_sum3A_594 [1, 2] : vector<1x80x128xi32> to vector<1xi32>
    %reduce_sum3A_596 = vector.shape_cast %reduce_sum3A_595 : vector<1xi32> to vector<1x1x1xi32>
    %reduce_sum3A_597 = vector.extract %reduce_sum3A_596[0, 0, 0] : i32 from vector<1x1x1xi32>
    %lt3A_598 = arith.constant 5001 : i32
    %lt3A_599 = arith.cmpi slt, %reduce_sum3A_597, %lt3A_598 : i32
    %select_n3A_600 = arith.select %lt3A_599, %add3A_584, %select_n3A_582 : i32
    %add3A_601 = arith.constant 268435456 : i32
    %add3A_602 = arith.addi %select_n3A_600, %add3A_601 : i32
    %lt3A_603 = vector.broadcast %add3A_602 : i32 to vector<80x128xi32>
    %lt3A_604 = arith.cmpi slt, %bitcast_convert_type3A, %lt3A_603 : vector<80x128xi32>
    %and3A_605 = arith.andi %lt3A_604, %lt3A_6 : vector<80x128xi1>
    %jit3A_606 = arith.constant 1 : i32
    %jit3A_607 = arith.constant 0 : i32
    %broadcast_in_dim3A_608 = vector.broadcast %jit3A_606 : i32 to vector<80x128xi32>
    %broadcast_in_dim3A_609 = vector.broadcast %jit3A_607 : i32 to vector<80x128xi32>
    %select_n3A_610 = arith.select %and3A_605, %broadcast_in_dim3A_608, %broadcast_in_dim3A_609 : vector<80x128xi1>, vector<80x128xi32>
    %reduce_sum3A_611 = vector.shape_cast %select_n3A_610 : vector<80x128xi32> to vector<1x80x128xi32>
    %reduce_sum3A_612 = arith.constant dense<0> : vector<1xi32>
    %reduce_sum3A_613 = vector.multi_reduction <add>, %reduce_sum3A_611, %reduce_sum3A_612 [1, 2] : vector<1x80x128xi32> to vector<1xi32>
    %reduce_sum3A_614 = vector.shape_cast %reduce_sum3A_613 : vector<1xi32> to vector<1x1x1xi32>
    %reduce_sum3A_615 = vector.extract %reduce_sum3A_614[0, 0, 0] : i32 from vector<1x1x1xi32>
    %lt3A_616 = arith.constant 5001 : i32
    %lt3A_617 = arith.cmpi slt, %reduce_sum3A_615, %lt3A_616 : i32
    %select_n3A_618 = arith.select %lt3A_617, %add3A_602, %select_n3A_600 : i32
    %add3A_619 = arith.constant 134217728 : i32
    %add3A_620 = arith.addi %select_n3A_618, %add3A_619 : i32
    %lt3A_621 = vector.broadcast %add3A_620 : i32 to vector<80x128xi32>
    %lt3A_622 = arith.cmpi slt, %bitcast_convert_type3A, %lt3A_621 : vector<80x128xi32>
    %and3A_623 = arith.andi %lt3A_622, %lt3A_6 : vector<80x128xi1>
    %jit3A_624 = arith.constant 1 : i32
    %jit3A_625 = arith.constant 0 : i32
    %broadcast_in_dim3A_626 = vector.broadcast %jit3A_624 : i32 to vector<80x128xi32>
    %broadcast_in_dim3A_627 = vector.broadcast %jit3A_625 : i32 to vector<80x128xi32>
    %select_n3A_628 = arith.select %and3A_623, %broadcast_in_dim3A_626, %broadcast_in_dim3A_627 : vector<80x128xi1>, vector<80x128xi32>
    %reduce_sum3A_629 = vector.shape_cast %select_n3A_628 : vector<80x128xi32> to vector<1x80x128xi32>
    %reduce_sum3A_630 = arith.constant dense<0> : vector<1xi32>
    %reduce_sum3A_631 = vector.multi_reduction <add>, %reduce_sum3A_629, %reduce_sum3A_630 [1, 2] : vector<1x80x128xi32> to vector<1xi32>
    %reduce_sum3A_632 = vector.shape_cast %reduce_sum3A_631 : vector<1xi32> to vector<1x1x1xi32>
    %reduce_sum3A_633 = vector.extract %reduce_sum3A_632[0, 0, 0] : i32 from vector<1x1x1xi32>
    %lt3A_634 = arith.constant 5001 : i32
    %lt3A_635 = arith.cmpi slt, %reduce_sum3A_633, %lt3A_634 : i32
    %select_n3A_636 = arith.select %lt3A_635, %add3A_620, %select_n3A_618 : i32
    %add3A_637 = arith.constant 67108864 : i32
    %add3A_638 = arith.addi %select_n3A_636, %add3A_637 : i32
    %lt3A_639 = vector.broadcast %add3A_638 : i32 to vector<80x128xi32>
    %lt3A_640 = arith.cmpi slt, %bitcast_convert_type3A, %lt3A_639 : vector<80x128xi32>
    %and3A_641 = arith.andi %lt3A_640, %lt3A_6 : vector<80x128xi1>
    %jit3A_642 = arith.constant 1 : i32
    %jit3A_643 = arith.constant 0 : i32
    %broadcast_in_dim3A_644 = vector.broadcast %jit3A_642 : i32 to vector<80x128xi32>
    %broadcast_in_dim3A_645 = vector.broadcast %jit3A_643 : i32 to vector<80x128xi32>
    %select_n3A_646 = arith.select %and3A_641, %broadcast_in_dim3A_644, %broadcast_in_dim3A_645 : vector<80x128xi1>, vector<80x128xi32>
    %reduce_sum3A_647 = vector.shape_cast %select_n3A_646 : vector<80x128xi32> to vector<1x80x128xi32>
    %reduce_sum3A_648 = arith.constant dense<0> : vector<1xi32>
    %reduce_sum3A_649 = vector.multi_reduction <add>, %reduce_sum3A_647, %reduce_sum3A_648 [1, 2] : vector<1x80x128xi32> to vector<1xi32>
    %reduce_sum3A_650 = vector.shape_cast %reduce_sum3A_649 : vector<1xi32> to vector<1x1x1xi32>
    %reduce_sum3A_651 = vector.extract %reduce_sum3A_650[0, 0, 0] : i32 from vector<1x1x1xi32>
    %lt3A_652 = arith.constant 5001 : i32
    %lt3A_653 = arith.cmpi slt, %reduce_sum3A_651, %lt3A_652 : i32
    %select_n3A_654 = arith.select %lt3A_653, %add3A_638, %select_n3A_636 : i32
    %add3A_655 = arith.constant 33554432 : i32
    %add3A_656 = arith.addi %select_n3A_654, %add3A_655 : i32
    %lt3A_657 = vector.broadcast %add3A_656 : i32 to vector<80x128xi32>
    %lt3A_658 = arith.cmpi slt, %bitcast_convert_type3A, %lt3A_657 : vector<80x128xi32>
    %and3A_659 = arith.andi %lt3A_658, %lt3A_6 : vector<80x128xi1>
    %jit3A_660 = arith.constant 1 : i32
    %jit3A_661 = arith.constant 0 : i32
    %broadcast_in_dim3A_662 = vector.broadcast %jit3A_660 : i32 to vector<80x128xi32>
    %broadcast_in_dim3A_663 = vector.broadcast %jit3A_661 : i32 to vector<80x128xi32>
    %select_n3A_664 = arith.select %and3A_659, %broadcast_in_dim3A_662, %broadcast_in_dim3A_663 : vector<80x128xi1>, vector<80x128xi32>
    %reduce_sum3A_665 = vector.shape_cast %select_n3A_664 : vector<80x128xi32> to vector<1x80x128xi32>
    %reduce_sum3A_666 = arith.constant dense<0> : vector<1xi32>
    %reduce_sum3A_667 = vector.multi_reduction <add>, %reduce_sum3A_665, %reduce_sum3A_666 [1, 2] : vector<1x80x128xi32> to vector<1xi32>
    %reduce_sum3A_668 = vector.shape_cast %reduce_sum3A_667 : vector<1xi32> to vector<1x1x1xi32>
    %reduce_sum3A_669 = vector.extract %reduce_sum3A_668[0, 0, 0] : i32 from vector<1x1x1xi32>
    %lt3A_670 = arith.constant 5001 : i32
    %lt3A_671 = arith.cmpi slt, %reduce_sum3A_669, %lt3A_670 : i32
    %select_n3A_672 = arith.select %lt3A_671, %add3A_656, %select_n3A_654 : i32
    %add3A_673 = arith.constant 16777216 : i32
    %add3A_674 = arith.addi %select_n3A_672, %add3A_673 : i32
    %lt3A_675 = vector.broadcast %add3A_674 : i32 to vector<80x128xi32>
    %lt3A_676 = arith.cmpi slt, %bitcast_convert_type3A, %lt3A_675 : vector<80x128xi32>
    %and3A_677 = arith.andi %lt3A_676, %lt3A_6 : vector<80x128xi1>
    %jit3A_678 = arith.constant 1 : i32
    %jit3A_679 = arith.constant 0 : i32
    %broadcast_in_dim3A_680 = vector.broadcast %jit3A_678 : i32 to vector<80x128xi32>
    %broadcast_in_dim3A_681 = vector.broadcast %jit3A_679 : i32 to vector<80x128xi32>
    %select_n3A_682 = arith.select %and3A_677, %broadcast_in_dim3A_680, %broadcast_in_dim3A_681 : vector<80x128xi1>, vector<80x128xi32>
    %reduce_sum3A_683 = vector.shape_cast %select_n3A_682 : vector<80x128xi32> to vector<1x80x128xi32>
    %reduce_sum3A_684 = arith.constant dense<0> : vector<1xi32>
    %reduce_sum3A_685 = vector.multi_reduction <add>, %reduce_sum3A_683, %reduce_sum3A_684 [1, 2] : vector<1x80x128xi32> to vector<1xi32>
    %reduce_sum3A_686 = vector.shape_cast %reduce_sum3A_685 : vector<1xi32> to vector<1x1x1xi32>
    %reduce_sum3A_687 = vector.extract %reduce_sum3A_686[0, 0, 0] : i32 from vector<1x1x1xi32>
    %lt3A_688 = arith.constant 5001 : i32
    %lt3A_689 = arith.cmpi slt, %reduce_sum3A_687, %lt3A_688 : i32
    %select_n3A_690 = arith.select %lt3A_689, %add3A_674, %select_n3A_672 : i32
    %add3A_691 = arith.constant 8388608 : i32
    %add3A_692 = arith.addi %select_n3A_690, %add3A_691 : i32
    %lt3A_693 = vector.broadcast %add3A_692 : i32 to vector<80x128xi32>
    %lt3A_694 = arith.cmpi slt, %bitcast_convert_type3A, %lt3A_693 : vector<80x128xi32>
    %and3A_695 = arith.andi %lt3A_694, %lt3A_6 : vector<80x128xi1>
    %jit3A_696 = arith.constant 1 : i32
    %jit3A_697 = arith.constant 0 : i32
    %broadcast_in_dim3A_698 = vector.broadcast %jit3A_696 : i32 to vector<80x128xi32>
    %broadcast_in_dim3A_699 = vector.broadcast %jit3A_697 : i32 to vector<80x128xi32>
    %select_n3A_700 = arith.select %and3A_695, %broadcast_in_dim3A_698, %broadcast_in_dim3A_699 : vector<80x128xi1>, vector<80x128xi32>
    %reduce_sum3A_701 = vector.shape_cast %select_n3A_700 : vector<80x128xi32> to vector<1x80x128xi32>
    %reduce_sum3A_702 = arith.constant dense<0> : vector<1xi32>
    %reduce_sum3A_703 = vector.multi_reduction <add>, %reduce_sum3A_701, %reduce_sum3A_702 [1, 2] : vector<1x80x128xi32> to vector<1xi32>
    %reduce_sum3A_704 = vector.shape_cast %reduce_sum3A_703 : vector<1xi32> to vector<1x1x1xi32>
    %reduce_sum3A_705 = vector.extract %reduce_sum3A_704[0, 0, 0] : i32 from vector<1x1x1xi32>
    %lt3A_706 = arith.constant 5001 : i32
    %lt3A_707 = arith.cmpi slt, %reduce_sum3A_705, %lt3A_706 : i32
    %select_n3A_708 = arith.select %lt3A_707, %add3A_692, %select_n3A_690 : i32
    %add3A_709 = arith.constant 4194304 : i32
    %add3A_710 = arith.addi %select_n3A_708, %add3A_709 : i32
    %lt3A_711 = vector.broadcast %add3A_710 : i32 to vector<80x128xi32>
    %lt3A_712 = arith.cmpi slt, %bitcast_convert_type3A, %lt3A_711 : vector<80x128xi32>
    %and3A_713 = arith.andi %lt3A_712, %lt3A_6 : vector<80x128xi1>
    %jit3A_714 = arith.constant 1 : i32
    %jit3A_715 = arith.constant 0 : i32
    %broadcast_in_dim3A_716 = vector.broadcast %jit3A_714 : i32 to vector<80x128xi32>
    %broadcast_in_dim3A_717 = vector.broadcast %jit3A_715 : i32 to vector<80x128xi32>
    %select_n3A_718 = arith.select %and3A_713, %broadcast_in_dim3A_716, %broadcast_in_dim3A_717 : vector<80x128xi1>, vector<80x128xi32>
    %reduce_sum3A_719 = vector.shape_cast %select_n3A_718 : vector<80x128xi32> to vector<1x80x128xi32>
    %reduce_sum3A_720 = arith.constant dense<0> : vector<1xi32>
    %reduce_sum3A_721 = vector.multi_reduction <add>, %reduce_sum3A_719, %reduce_sum3A_720 [1, 2] : vector<1x80x128xi32> to vector<1xi32>
    %reduce_sum3A_722 = vector.shape_cast %reduce_sum3A_721 : vector<1xi32> to vector<1x1x1xi32>
    %reduce_sum3A_723 = vector.extract %reduce_sum3A_722[0, 0, 0] : i32 from vector<1x1x1xi32>
    %lt3A_724 = arith.constant 5001 : i32
    %lt3A_725 = arith.cmpi slt, %reduce_sum3A_723, %lt3A_724 : i32
    %select_n3A_726 = arith.select %lt3A_725, %add3A_710, %select_n3A_708 : i32
    %add3A_727 = arith.constant 2097152 : i32
    %add3A_728 = arith.addi %select_n3A_726, %add3A_727 : i32
    %lt3A_729 = vector.broadcast %add3A_728 : i32 to vector<80x128xi32>
    %lt3A_730 = arith.cmpi slt, %bitcast_convert_type3A, %lt3A_729 : vector<80x128xi32>
    %and3A_731 = arith.andi %lt3A_730, %lt3A_6 : vector<80x128xi1>
    %jit3A_732 = arith.constant 1 : i32
    %jit3A_733 = arith.constant 0 : i32
    %broadcast_in_dim3A_734 = vector.broadcast %jit3A_732 : i32 to vector<80x128xi32>
    %broadcast_in_dim3A_735 = vector.broadcast %jit3A_733 : i32 to vector<80x128xi32>
    %select_n3A_736 = arith.select %and3A_731, %broadcast_in_dim3A_734, %broadcast_in_dim3A_735 : vector<80x128xi1>, vector<80x128xi32>
    %reduce_sum3A_737 = vector.shape_cast %select_n3A_736 : vector<80x128xi32> to vector<1x80x128xi32>
    %reduce_sum3A_738 = arith.constant dense<0> : vector<1xi32>
    %reduce_sum3A_739 = vector.multi_reduction <add>, %reduce_sum3A_737, %reduce_sum3A_738 [1, 2] : vector<1x80x128xi32> to vector<1xi32>
    %reduce_sum3A_740 = vector.shape_cast %reduce_sum3A_739 : vector<1xi32> to vector<1x1x1xi32>
    %reduce_sum3A_741 = vector.extract %reduce_sum3A_740[0, 0, 0] : i32 from vector<1x1x1xi32>
    %lt3A_742 = arith.constant 5001 : i32
    %lt3A_743 = arith.cmpi slt, %reduce_sum3A_741, %lt3A_742 : i32
    %select_n3A_744 = arith.select %lt3A_743, %add3A_728, %select_n3A_726 : i32
    %add3A_745 = arith.constant 1048576 : i32
    %add3A_746 = arith.addi %select_n3A_744, %add3A_745 : i32
    %lt3A_747 = vector.broadcast %add3A_746 : i32 to vector<80x128xi32>
    %lt3A_748 = arith.cmpi slt, %bitcast_convert_type3A, %lt3A_747 : vector<80x128xi32>
    %and3A_749 = arith.andi %lt3A_748, %lt3A_6 : vector<80x128xi1>
    %jit3A_750 = arith.constant 1 : i32
    %jit3A_751 = arith.constant 0 : i32
    %broadcast_in_dim3A_752 = vector.broadcast %jit3A_750 : i32 to vector<80x128xi32>
    %broadcast_in_dim3A_753 = vector.broadcast %jit3A_751 : i32 to vector<80x128xi32>
    %select_n3A_754 = arith.select %and3A_749, %broadcast_in_dim3A_752, %broadcast_in_dim3A_753 : vector<80x128xi1>, vector<80x128xi32>
    %reduce_sum3A_755 = vector.shape_cast %select_n3A_754 : vector<80x128xi32> to vector<1x80x128xi32>
    %reduce_sum3A_756 = arith.constant dense<0> : vector<1xi32>
    %reduce_sum3A_757 = vector.multi_reduction <add>, %reduce_sum3A_755, %reduce_sum3A_756 [1, 2] : vector<1x80x128xi32> to vector<1xi32>
    %reduce_sum3A_758 = vector.shape_cast %reduce_sum3A_757 : vector<1xi32> to vector<1x1x1xi32>
    %reduce_sum3A_759 = vector.extract %reduce_sum3A_758[0, 0, 0] : i32 from vector<1x1x1xi32>
    %lt3A_760 = arith.constant 5001 : i32
    %lt3A_761 = arith.cmpi slt, %reduce_sum3A_759, %lt3A_760 : i32
    %select_n3A_762 = arith.select %lt3A_761, %add3A_746, %select_n3A_744 : i32
    %add3A_763 = arith.constant 524288 : i32
    %add3A_764 = arith.addi %select_n3A_762, %add3A_763 : i32
    %lt3A_765 = vector.broadcast %add3A_764 : i32 to vector<80x128xi32>
    %lt3A_766 = arith.cmpi slt, %bitcast_convert_type3A, %lt3A_765 : vector<80x128xi32>
    %and3A_767 = arith.andi %lt3A_766, %lt3A_6 : vector<80x128xi1>
    %jit3A_768 = arith.constant 1 : i32
    %jit3A_769 = arith.constant 0 : i32
    %broadcast_in_dim3A_770 = vector.broadcast %jit3A_768 : i32 to vector<80x128xi32>
    %broadcast_in_dim3A_771 = vector.broadcast %jit3A_769 : i32 to vector<80x128xi32>
    %select_n3A_772 = arith.select %and3A_767, %broadcast_in_dim3A_770, %broadcast_in_dim3A_771 : vector<80x128xi1>, vector<80x128xi32>
    %reduce_sum3A_773 = vector.shape_cast %select_n3A_772 : vector<80x128xi32> to vector<1x80x128xi32>
    %reduce_sum3A_774 = arith.constant dense<0> : vector<1xi32>
    %reduce_sum3A_775 = vector.multi_reduction <add>, %reduce_sum3A_773, %reduce_sum3A_774 [1, 2] : vector<1x80x128xi32> to vector<1xi32>
    %reduce_sum3A_776 = vector.shape_cast %reduce_sum3A_775 : vector<1xi32> to vector<1x1x1xi32>
    %reduce_sum3A_777 = vector.extract %reduce_sum3A_776[0, 0, 0] : i32 from vector<1x1x1xi32>
    %lt3A_778 = arith.constant 5001 : i32
    %lt3A_779 = arith.cmpi slt, %reduce_sum3A_777, %lt3A_778 : i32
    %select_n3A_780 = arith.select %lt3A_779, %add3A_764, %select_n3A_762 : i32
    %add3A_781 = arith.constant 262144 : i32
    %add3A_782 = arith.addi %select_n3A_780, %add3A_781 : i32
    %lt3A_783 = vector.broadcast %add3A_782 : i32 to vector<80x128xi32>
    %lt3A_784 = arith.cmpi slt, %bitcast_convert_type3A, %lt3A_783 : vector<80x128xi32>
    %and3A_785 = arith.andi %lt3A_784, %lt3A_6 : vector<80x128xi1>
    %jit3A_786 = arith.constant 1 : i32
    %jit3A_787 = arith.constant 0 : i32
    %broadcast_in_dim3A_788 = vector.broadcast %jit3A_786 : i32 to vector<80x128xi32>
    %broadcast_in_dim3A_789 = vector.broadcast %jit3A_787 : i32 to vector<80x128xi32>
    %select_n3A_790 = arith.select %and3A_785, %broadcast_in_dim3A_788, %broadcast_in_dim3A_789 : vector<80x128xi1>, vector<80x128xi32>
    %reduce_sum3A_791 = vector.shape_cast %select_n3A_790 : vector<80x128xi32> to vector<1x80x128xi32>
    %reduce_sum3A_792 = arith.constant dense<0> : vector<1xi32>
    %reduce_sum3A_793 = vector.multi_reduction <add>, %reduce_sum3A_791, %reduce_sum3A_792 [1, 2] : vector<1x80x128xi32> to vector<1xi32>
    %reduce_sum3A_794 = vector.shape_cast %reduce_sum3A_793 : vector<1xi32> to vector<1x1x1xi32>
    %reduce_sum3A_795 = vector.extract %reduce_sum3A_794[0, 0, 0] : i32 from vector<1x1x1xi32>
    %lt3A_796 = arith.constant 5001 : i32
    %lt3A_797 = arith.cmpi slt, %reduce_sum3A_795, %lt3A_796 : i32
    %select_n3A_798 = arith.select %lt3A_797, %add3A_782, %select_n3A_780 : i32
    %add3A_799 = arith.constant 131072 : i32
    %add3A_800 = arith.addi %select_n3A_798, %add3A_799 : i32
    %lt3A_801 = vector.broadcast %add3A_800 : i32 to vector<80x128xi32>
    %lt3A_802 = arith.cmpi slt, %bitcast_convert_type3A, %lt3A_801 : vector<80x128xi32>
    %and3A_803 = arith.andi %lt3A_802, %lt3A_6 : vector<80x128xi1>
    %jit3A_804 = arith.constant 1 : i32
    %jit3A_805 = arith.constant 0 : i32
    %broadcast_in_dim3A_806 = vector.broadcast %jit3A_804 : i32 to vector<80x128xi32>
    %broadcast_in_dim3A_807 = vector.broadcast %jit3A_805 : i32 to vector<80x128xi32>
    %select_n3A_808 = arith.select %and3A_803, %broadcast_in_dim3A_806, %broadcast_in_dim3A_807 : vector<80x128xi1>, vector<80x128xi32>
    %reduce_sum3A_809 = vector.shape_cast %select_n3A_808 : vector<80x128xi32> to vector<1x80x128xi32>
    %reduce_sum3A_810 = arith.constant dense<0> : vector<1xi32>
    %reduce_sum3A_811 = vector.multi_reduction <add>, %reduce_sum3A_809, %reduce_sum3A_810 [1, 2] : vector<1x80x128xi32> to vector<1xi32>
    %reduce_sum3A_812 = vector.shape_cast %reduce_sum3A_811 : vector<1xi32> to vector<1x1x1xi32>
    %reduce_sum3A_813 = vector.extract %reduce_sum3A_812[0, 0, 0] : i32 from vector<1x1x1xi32>
    %lt3A_814 = arith.constant 5001 : i32
    %lt3A_815 = arith.cmpi slt, %reduce_sum3A_813, %lt3A_814 : i32
    %select_n3A_816 = arith.select %lt3A_815, %add3A_800, %select_n3A_798 : i32
    %add3A_817 = arith.constant 65536 : i32
    %add3A_818 = arith.addi %select_n3A_816, %add3A_817 : i32
    %lt3A_819 = vector.broadcast %add3A_818 : i32 to vector<80x128xi32>
    %lt3A_820 = arith.cmpi slt, %bitcast_convert_type3A, %lt3A_819 : vector<80x128xi32>
    %and3A_821 = arith.andi %lt3A_820, %lt3A_6 : vector<80x128xi1>
    %jit3A_822 = arith.constant 1 : i32
    %jit3A_823 = arith.constant 0 : i32
    %broadcast_in_dim3A_824 = vector.broadcast %jit3A_822 : i32 to vector<80x128xi32>
    %broadcast_in_dim3A_825 = vector.broadcast %jit3A_823 : i32 to vector<80x128xi32>
    %select_n3A_826 = arith.select %and3A_821, %broadcast_in_dim3A_824, %broadcast_in_dim3A_825 : vector<80x128xi1>, vector<80x128xi32>
    %reduce_sum3A_827 = vector.shape_cast %select_n3A_826 : vector<80x128xi32> to vector<1x80x128xi32>
    %reduce_sum3A_828 = arith.constant dense<0> : vector<1xi32>
    %reduce_sum3A_829 = vector.multi_reduction <add>, %reduce_sum3A_827, %reduce_sum3A_828 [1, 2] : vector<1x80x128xi32> to vector<1xi32>
    %reduce_sum3A_830 = vector.shape_cast %reduce_sum3A_829 : vector<1xi32> to vector<1x1x1xi32>
    %reduce_sum3A_831 = vector.extract %reduce_sum3A_830[0, 0, 0] : i32 from vector<1x1x1xi32>
    %lt3A_832 = arith.constant 5001 : i32
    %lt3A_833 = arith.cmpi slt, %reduce_sum3A_831, %lt3A_832 : i32
    %select_n3A_834 = arith.select %lt3A_833, %add3A_818, %select_n3A_816 : i32
    %add3A_835 = arith.constant 32768 : i32
    %add3A_836 = arith.addi %select_n3A_834, %add3A_835 : i32
    %lt3A_837 = vector.broadcast %add3A_836 : i32 to vector<80x128xi32>
    %lt3A_838 = arith.cmpi slt, %bitcast_convert_type3A, %lt3A_837 : vector<80x128xi32>
    %and3A_839 = arith.andi %lt3A_838, %lt3A_6 : vector<80x128xi1>
    %jit3A_840 = arith.constant 1 : i32
    %jit3A_841 = arith.constant 0 : i32
    %broadcast_in_dim3A_842 = vector.broadcast %jit3A_840 : i32 to vector<80x128xi32>
    %broadcast_in_dim3A_843 = vector.broadcast %jit3A_841 : i32 to vector<80x128xi32>
    %select_n3A_844 = arith.select %and3A_839, %broadcast_in_dim3A_842, %broadcast_in_dim3A_843 : vector<80x128xi1>, vector<80x128xi32>
    %reduce_sum3A_845 = vector.shape_cast %select_n3A_844 : vector<80x128xi32> to vector<1x80x128xi32>
    %reduce_sum3A_846 = arith.constant dense<0> : vector<1xi32>
    %reduce_sum3A_847 = vector.multi_reduction <add>, %reduce_sum3A_845, %reduce_sum3A_846 [1, 2] : vector<1x80x128xi32> to vector<1xi32>
    %reduce_sum3A_848 = vector.shape_cast %reduce_sum3A_847 : vector<1xi32> to vector<1x1x1xi32>
    %reduce_sum3A_849 = vector.extract %reduce_sum3A_848[0, 0, 0] : i32 from vector<1x1x1xi32>
    %lt3A_850 = arith.constant 5001 : i32
    %lt3A_851 = arith.cmpi slt, %reduce_sum3A_849, %lt3A_850 : i32
    %select_n3A_852 = arith.select %lt3A_851, %add3A_836, %select_n3A_834 : i32
    %add3A_853 = arith.constant 16384 : i32
    %add3A_854 = arith.addi %select_n3A_852, %add3A_853 : i32
    %lt3A_855 = vector.broadcast %add3A_854 : i32 to vector<80x128xi32>
    %lt3A_856 = arith.cmpi slt, %bitcast_convert_type3A, %lt3A_855 : vector<80x128xi32>
    %and3A_857 = arith.andi %lt3A_856, %lt3A_6 : vector<80x128xi1>
    %jit3A_858 = arith.constant 1 : i32
    %jit3A_859 = arith.constant 0 : i32
    %broadcast_in_dim3A_860 = vector.broadcast %jit3A_858 : i32 to vector<80x128xi32>
    %broadcast_in_dim3A_861 = vector.broadcast %jit3A_859 : i32 to vector<80x128xi32>
    %select_n3A_862 = arith.select %and3A_857, %broadcast_in_dim3A_860, %broadcast_in_dim3A_861 : vector<80x128xi1>, vector<80x128xi32>
    %reduce_sum3A_863 = vector.shape_cast %select_n3A_862 : vector<80x128xi32> to vector<1x80x128xi32>
    %reduce_sum3A_864 = arith.constant dense<0> : vector<1xi32>
    %reduce_sum3A_865 = vector.multi_reduction <add>, %reduce_sum3A_863, %reduce_sum3A_864 [1, 2] : vector<1x80x128xi32> to vector<1xi32>
    %reduce_sum3A_866 = vector.shape_cast %reduce_sum3A_865 : vector<1xi32> to vector<1x1x1xi32>
    %reduce_sum3A_867 = vector.extract %reduce_sum3A_866[0, 0, 0] : i32 from vector<1x1x1xi32>
    %lt3A_868 = arith.constant 5001 : i32
    %lt3A_869 = arith.cmpi slt, %reduce_sum3A_867, %lt3A_868 : i32
    %select_n3A_870 = arith.select %lt3A_869, %add3A_854, %select_n3A_852 : i32
    %add3A_871 = arith.constant 8192 : i32
    %add3A_872 = arith.addi %select_n3A_870, %add3A_871 : i32
    %lt3A_873 = vector.broadcast %add3A_872 : i32 to vector<80x128xi32>
    %lt3A_874 = arith.cmpi slt, %bitcast_convert_type3A, %lt3A_873 : vector<80x128xi32>
    %and3A_875 = arith.andi %lt3A_874, %lt3A_6 : vector<80x128xi1>
    %jit3A_876 = arith.constant 1 : i32
    %jit3A_877 = arith.constant 0 : i32
    %broadcast_in_dim3A_878 = vector.broadcast %jit3A_876 : i32 to vector<80x128xi32>
    %broadcast_in_dim3A_879 = vector.broadcast %jit3A_877 : i32 to vector<80x128xi32>
    %select_n3A_880 = arith.select %and3A_875, %broadcast_in_dim3A_878, %broadcast_in_dim3A_879 : vector<80x128xi1>, vector<80x128xi32>
    %reduce_sum3A_881 = vector.shape_cast %select_n3A_880 : vector<80x128xi32> to vector<1x80x128xi32>
    %reduce_sum3A_882 = arith.constant dense<0> : vector<1xi32>
    %reduce_sum3A_883 = vector.multi_reduction <add>, %reduce_sum3A_881, %reduce_sum3A_882 [1, 2] : vector<1x80x128xi32> to vector<1xi32>
    %reduce_sum3A_884 = vector.shape_cast %reduce_sum3A_883 : vector<1xi32> to vector<1x1x1xi32>
    %reduce_sum3A_885 = vector.extract %reduce_sum3A_884[0, 0, 0] : i32 from vector<1x1x1xi32>
    %lt3A_886 = arith.constant 5001 : i32
    %lt3A_887 = arith.cmpi slt, %reduce_sum3A_885, %lt3A_886 : i32
    %select_n3A_888 = arith.select %lt3A_887, %add3A_872, %select_n3A_870 : i32
    %add3A_889 = arith.constant 4096 : i32
    %add3A_890 = arith.addi %select_n3A_888, %add3A_889 : i32
    %lt3A_891 = vector.broadcast %add3A_890 : i32 to vector<80x128xi32>
    %lt3A_892 = arith.cmpi slt, %bitcast_convert_type3A, %lt3A_891 : vector<80x128xi32>
    %and3A_893 = arith.andi %lt3A_892, %lt3A_6 : vector<80x128xi1>
    %jit3A_894 = arith.constant 1 : i32
    %jit3A_895 = arith.constant 0 : i32
    %broadcast_in_dim3A_896 = vector.broadcast %jit3A_894 : i32 to vector<80x128xi32>
    %broadcast_in_dim3A_897 = vector.broadcast %jit3A_895 : i32 to vector<80x128xi32>
    %select_n3A_898 = arith.select %and3A_893, %broadcast_in_dim3A_896, %broadcast_in_dim3A_897 : vector<80x128xi1>, vector<80x128xi32>
    %reduce_sum3A_899 = vector.shape_cast %select_n3A_898 : vector<80x128xi32> to vector<1x80x128xi32>
    %reduce_sum3A_900 = arith.constant dense<0> : vector<1xi32>
    %reduce_sum3A_901 = vector.multi_reduction <add>, %reduce_sum3A_899, %reduce_sum3A_900 [1, 2] : vector<1x80x128xi32> to vector<1xi32>
    %reduce_sum3A_902 = vector.shape_cast %reduce_sum3A_901 : vector<1xi32> to vector<1x1x1xi32>
    %reduce_sum3A_903 = vector.extract %reduce_sum3A_902[0, 0, 0] : i32 from vector<1x1x1xi32>
    %lt3A_904 = arith.constant 5001 : i32
    %lt3A_905 = arith.cmpi slt, %reduce_sum3A_903, %lt3A_904 : i32
    %select_n3A_906 = arith.select %lt3A_905, %add3A_890, %select_n3A_888 : i32
    %add3A_907 = arith.constant 2048 : i32
    %add3A_908 = arith.addi %select_n3A_906, %add3A_907 : i32
    %lt3A_909 = vector.broadcast %add3A_908 : i32 to vector<80x128xi32>
    %lt3A_910 = arith.cmpi slt, %bitcast_convert_type3A, %lt3A_909 : vector<80x128xi32>
    %and3A_911 = arith.andi %lt3A_910, %lt3A_6 : vector<80x128xi1>
    %jit3A_912 = arith.constant 1 : i32
    %jit3A_913 = arith.constant 0 : i32
    %broadcast_in_dim3A_914 = vector.broadcast %jit3A_912 : i32 to vector<80x128xi32>
    %broadcast_in_dim3A_915 = vector.broadcast %jit3A_913 : i32 to vector<80x128xi32>
    %select_n3A_916 = arith.select %and3A_911, %broadcast_in_dim3A_914, %broadcast_in_dim3A_915 : vector<80x128xi1>, vector<80x128xi32>
    %reduce_sum3A_917 = vector.shape_cast %select_n3A_916 : vector<80x128xi32> to vector<1x80x128xi32>
    %reduce_sum3A_918 = arith.constant dense<0> : vector<1xi32>
    %reduce_sum3A_919 = vector.multi_reduction <add>, %reduce_sum3A_917, %reduce_sum3A_918 [1, 2] : vector<1x80x128xi32> to vector<1xi32>
    %reduce_sum3A_920 = vector.shape_cast %reduce_sum3A_919 : vector<1xi32> to vector<1x1x1xi32>
    %reduce_sum3A_921 = vector.extract %reduce_sum3A_920[0, 0, 0] : i32 from vector<1x1x1xi32>
    %lt3A_922 = arith.constant 5001 : i32
    %lt3A_923 = arith.cmpi slt, %reduce_sum3A_921, %lt3A_922 : i32
    %select_n3A_924 = arith.select %lt3A_923, %add3A_908, %select_n3A_906 : i32
    %add3A_925 = arith.constant 1024 : i32
    %add3A_926 = arith.addi %select_n3A_924, %add3A_925 : i32
    %lt3A_927 = vector.broadcast %add3A_926 : i32 to vector<80x128xi32>
    %lt3A_928 = arith.cmpi slt, %bitcast_convert_type3A, %lt3A_927 : vector<80x128xi32>
    %and3A_929 = arith.andi %lt3A_928, %lt3A_6 : vector<80x128xi1>
    %jit3A_930 = arith.constant 1 : i32
    %jit3A_931 = arith.constant 0 : i32
    %broadcast_in_dim3A_932 = vector.broadcast %jit3A_930 : i32 to vector<80x128xi32>
    %broadcast_in_dim3A_933 = vector.broadcast %jit3A_931 : i32 to vector<80x128xi32>
    %select_n3A_934 = arith.select %and3A_929, %broadcast_in_dim3A_932, %broadcast_in_dim3A_933 : vector<80x128xi1>, vector<80x128xi32>
    %reduce_sum3A_935 = vector.shape_cast %select_n3A_934 : vector<80x128xi32> to vector<1x80x128xi32>
    %reduce_sum3A_936 = arith.constant dense<0> : vector<1xi32>
    %reduce_sum3A_937 = vector.multi_reduction <add>, %reduce_sum3A_935, %reduce_sum3A_936 [1, 2] : vector<1x80x128xi32> to vector<1xi32>
    %reduce_sum3A_938 = vector.shape_cast %reduce_sum3A_937 : vector<1xi32> to vector<1x1x1xi32>
    %reduce_sum3A_939 = vector.extract %reduce_sum3A_938[0, 0, 0] : i32 from vector<1x1x1xi32>
    %lt3A_940 = arith.constant 5001 : i32
    %lt3A_941 = arith.cmpi slt, %reduce_sum3A_939, %lt3A_940 : i32
    %select_n3A_942 = arith.select %lt3A_941, %add3A_926, %select_n3A_924 : i32
    %add3A_943 = arith.constant 512 : i32
    %add3A_944 = arith.addi %select_n3A_942, %add3A_943 : i32
    %lt3A_945 = vector.broadcast %add3A_944 : i32 to vector<80x128xi32>
    %lt3A_946 = arith.cmpi slt, %bitcast_convert_type3A, %lt3A_945 : vector<80x128xi32>
    %and3A_947 = arith.andi %lt3A_946, %lt3A_6 : vector<80x128xi1>
    %jit3A_948 = arith.constant 1 : i32
    %jit3A_949 = arith.constant 0 : i32
    %broadcast_in_dim3A_950 = vector.broadcast %jit3A_948 : i32 to vector<80x128xi32>
    %broadcast_in_dim3A_951 = vector.broadcast %jit3A_949 : i32 to vector<80x128xi32>
    %select_n3A_952 = arith.select %and3A_947, %broadcast_in_dim3A_950, %broadcast_in_dim3A_951 : vector<80x128xi1>, vector<80x128xi32>
    %reduce_sum3A_953 = vector.shape_cast %select_n3A_952 : vector<80x128xi32> to vector<1x80x128xi32>
    %reduce_sum3A_954 = arith.constant dense<0> : vector<1xi32>
    %reduce_sum3A_955 = vector.multi_reduction <add>, %reduce_sum3A_953, %reduce_sum3A_954 [1, 2] : vector<1x80x128xi32> to vector<1xi32>
    %reduce_sum3A_956 = vector.shape_cast %reduce_sum3A_955 : vector<1xi32> to vector<1x1x1xi32>
    %reduce_sum3A_957 = vector.extract %reduce_sum3A_956[0, 0, 0] : i32 from vector<1x1x1xi32>
    %lt3A_958 = arith.constant 5001 : i32
    %lt3A_959 = arith.cmpi slt, %reduce_sum3A_957, %lt3A_958 : i32
    %select_n3A_960 = arith.select %lt3A_959, %add3A_944, %select_n3A_942 : i32
    %add3A_961 = arith.constant 256 : i32
    %add3A_962 = arith.addi %select_n3A_960, %add3A_961 : i32
    %lt3A_963 = vector.broadcast %add3A_962 : i32 to vector<80x128xi32>
    %lt3A_964 = arith.cmpi slt, %bitcast_convert_type3A, %lt3A_963 : vector<80x128xi32>
    %and3A_965 = arith.andi %lt3A_964, %lt3A_6 : vector<80x128xi1>
    %jit3A_966 = arith.constant 1 : i32
    %jit3A_967 = arith.constant 0 : i32
    %broadcast_in_dim3A_968 = vector.broadcast %jit3A_966 : i32 to vector<80x128xi32>
    %broadcast_in_dim3A_969 = vector.broadcast %jit3A_967 : i32 to vector<80x128xi32>
    %select_n3A_970 = arith.select %and3A_965, %broadcast_in_dim3A_968, %broadcast_in_dim3A_969 : vector<80x128xi1>, vector<80x128xi32>
    %reduce_sum3A_971 = vector.shape_cast %select_n3A_970 : vector<80x128xi32> to vector<1x80x128xi32>
    %reduce_sum3A_972 = arith.constant dense<0> : vector<1xi32>
    %reduce_sum3A_973 = vector.multi_reduction <add>, %reduce_sum3A_971, %reduce_sum3A_972 [1, 2] : vector<1x80x128xi32> to vector<1xi32>
    %reduce_sum3A_974 = vector.shape_cast %reduce_sum3A_973 : vector<1xi32> to vector<1x1x1xi32>
    %reduce_sum3A_975 = vector.extract %reduce_sum3A_974[0, 0, 0] : i32 from vector<1x1x1xi32>
    %lt3A_976 = arith.constant 5001 : i32
    %lt3A_977 = arith.cmpi slt, %reduce_sum3A_975, %lt3A_976 : i32
    %select_n3A_978 = arith.select %lt3A_977, %add3A_962, %select_n3A_960 : i32
    %add3A_979 = arith.constant 128 : i32
    %add3A_980 = arith.addi %select_n3A_978, %add3A_979 : i32
    %lt3A_981 = vector.broadcast %add3A_980 : i32 to vector<80x128xi32>
    %lt3A_982 = arith.cmpi slt, %bitcast_convert_type3A, %lt3A_981 : vector<80x128xi32>
    %and3A_983 = arith.andi %lt3A_982, %lt3A_6 : vector<80x128xi1>
    %jit3A_984 = arith.constant 1 : i32
    %jit3A_985 = arith.constant 0 : i32
    %broadcast_in_dim3A_986 = vector.broadcast %jit3A_984 : i32 to vector<80x128xi32>
    %broadcast_in_dim3A_987 = vector.broadcast %jit3A_985 : i32 to vector<80x128xi32>
    %select_n3A_988 = arith.select %and3A_983, %broadcast_in_dim3A_986, %broadcast_in_dim3A_987 : vector<80x128xi1>, vector<80x128xi32>
    %reduce_sum3A_989 = vector.shape_cast %select_n3A_988 : vector<80x128xi32> to vector<1x80x128xi32>
    %reduce_sum3A_990 = arith.constant dense<0> : vector<1xi32>
    %reduce_sum3A_991 = vector.multi_reduction <add>, %reduce_sum3A_989, %reduce_sum3A_990 [1, 2] : vector<1x80x128xi32> to vector<1xi32>
    %reduce_sum3A_992 = vector.shape_cast %reduce_sum3A_991 : vector<1xi32> to vector<1x1x1xi32>
    %reduce_sum3A_993 = vector.extract %reduce_sum3A_992[0, 0, 0] : i32 from vector<1x1x1xi32>
    %lt3A_994 = arith.constant 5001 : i32
    %lt3A_995 = arith.cmpi slt, %reduce_sum3A_993, %lt3A_994 : i32
    %select_n3A_996 = arith.select %lt3A_995, %add3A_980, %select_n3A_978 : i32
    %add3A_997 = arith.constant 64 : i32
    %add3A_998 = arith.addi %select_n3A_996, %add3A_997 : i32
    %lt3A_999 = vector.broadcast %add3A_998 : i32 to vector<80x128xi32>
    %lt3A_1000 = arith.cmpi slt, %bitcast_convert_type3A, %lt3A_999 : vector<80x128xi32>
    %and3A_1001 = arith.andi %lt3A_1000, %lt3A_6 : vector<80x128xi1>
    %jit3A_1002 = arith.constant 1 : i32
    %jit3A_1003 = arith.constant 0 : i32
    %broadcast_in_dim3A_1004 = vector.broadcast %jit3A_1002 : i32 to vector<80x128xi32>
    %broadcast_in_dim3A_1005 = vector.broadcast %jit3A_1003 : i32 to vector<80x128xi32>
    %select_n3A_1006 = arith.select %and3A_1001, %broadcast_in_dim3A_1004, %broadcast_in_dim3A_1005 : vector<80x128xi1>, vector<80x128xi32>
    %reduce_sum3A_1007 = vector.shape_cast %select_n3A_1006 : vector<80x128xi32> to vector<1x80x128xi32>
    %reduce_sum3A_1008 = arith.constant dense<0> : vector<1xi32>
    %reduce_sum3A_1009 = vector.multi_reduction <add>, %reduce_sum3A_1007, %reduce_sum3A_1008 [1, 2] : vector<1x80x128xi32> to vector<1xi32>
    %reduce_sum3A_1010 = vector.shape_cast %reduce_sum3A_1009 : vector<1xi32> to vector<1x1x1xi32>
    %reduce_sum3A_1011 = vector.extract %reduce_sum3A_1010[0, 0, 0] : i32 from vector<1x1x1xi32>
    %lt3A_1012 = arith.constant 5001 : i32
    %lt3A_1013 = arith.cmpi slt, %reduce_sum3A_1011, %lt3A_1012 : i32
    %select_n3A_1014 = arith.select %lt3A_1013, %add3A_998, %select_n3A_996 : i32
    %add3A_1015 = arith.constant 32 : i32
    %add3A_1016 = arith.addi %select_n3A_1014, %add3A_1015 : i32
    %lt3A_1017 = vector.broadcast %add3A_1016 : i32 to vector<80x128xi32>
    %lt3A_1018 = arith.cmpi slt, %bitcast_convert_type3A, %lt3A_1017 : vector<80x128xi32>
    %and3A_1019 = arith.andi %lt3A_1018, %lt3A_6 : vector<80x128xi1>
    %jit3A_1020 = arith.constant 1 : i32
    %jit3A_1021 = arith.constant 0 : i32
    %broadcast_in_dim3A_1022 = vector.broadcast %jit3A_1020 : i32 to vector<80x128xi32>
    %broadcast_in_dim3A_1023 = vector.broadcast %jit3A_1021 : i32 to vector<80x128xi32>
    %select_n3A_1024 = arith.select %and3A_1019, %broadcast_in_dim3A_1022, %broadcast_in_dim3A_1023 : vector<80x128xi1>, vector<80x128xi32>
    %reduce_sum3A_1025 = vector.shape_cast %select_n3A_1024 : vector<80x128xi32> to vector<1x80x128xi32>
    %reduce_sum3A_1026 = arith.constant dense<0> : vector<1xi32>
    %reduce_sum3A_1027 = vector.multi_reduction <add>, %reduce_sum3A_1025, %reduce_sum3A_1026 [1, 2] : vector<1x80x128xi32> to vector<1xi32>
    %reduce_sum3A_1028 = vector.shape_cast %reduce_sum3A_1027 : vector<1xi32> to vector<1x1x1xi32>
    %reduce_sum3A_1029 = vector.extract %reduce_sum3A_1028[0, 0, 0] : i32 from vector<1x1x1xi32>
    %lt3A_1030 = arith.constant 5001 : i32
    %lt3A_1031 = arith.cmpi slt, %reduce_sum3A_1029, %lt3A_1030 : i32
    %select_n3A_1032 = arith.select %lt3A_1031, %add3A_1016, %select_n3A_1014 : i32
    %add3A_1033 = arith.constant 16 : i32
    %add3A_1034 = arith.addi %select_n3A_1032, %add3A_1033 : i32
    %lt3A_1035 = vector.broadcast %add3A_1034 : i32 to vector<80x128xi32>
    %lt3A_1036 = arith.cmpi slt, %bitcast_convert_type3A, %lt3A_1035 : vector<80x128xi32>
    %and3A_1037 = arith.andi %lt3A_1036, %lt3A_6 : vector<80x128xi1>
    %jit3A_1038 = arith.constant 1 : i32
    %jit3A_1039 = arith.constant 0 : i32
    %broadcast_in_dim3A_1040 = vector.broadcast %jit3A_1038 : i32 to vector<80x128xi32>
    %broadcast_in_dim3A_1041 = vector.broadcast %jit3A_1039 : i32 to vector<80x128xi32>
    %select_n3A_1042 = arith.select %and3A_1037, %broadcast_in_dim3A_1040, %broadcast_in_dim3A_1041 : vector<80x128xi1>, vector<80x128xi32>
    %reduce_sum3A_1043 = vector.shape_cast %select_n3A_1042 : vector<80x128xi32> to vector<1x80x128xi32>
    %reduce_sum3A_1044 = arith.constant dense<0> : vector<1xi32>
    %reduce_sum3A_1045 = vector.multi_reduction <add>, %reduce_sum3A_1043, %reduce_sum3A_1044 [1, 2] : vector<1x80x128xi32> to vector<1xi32>
    %reduce_sum3A_1046 = vector.shape_cast %reduce_sum3A_1045 : vector<1xi32> to vector<1x1x1xi32>
    %reduce_sum3A_1047 = vector.extract %reduce_sum3A_1046[0, 0, 0] : i32 from vector<1x1x1xi32>
    %lt3A_1048 = arith.constant 5001 : i32
    %lt3A_1049 = arith.cmpi slt, %reduce_sum3A_1047, %lt3A_1048 : i32
    %select_n3A_1050 = arith.select %lt3A_1049, %add3A_1034, %select_n3A_1032 : i32
    %add3A_1051 = arith.constant 8 : i32
    %add3A_1052 = arith.addi %select_n3A_1050, %add3A_1051 : i32
    %lt3A_1053 = vector.broadcast %add3A_1052 : i32 to vector<80x128xi32>
    %lt3A_1054 = arith.cmpi slt, %bitcast_convert_type3A, %lt3A_1053 : vector<80x128xi32>
    %and3A_1055 = arith.andi %lt3A_1054, %lt3A_6 : vector<80x128xi1>
    %jit3A_1056 = arith.constant 1 : i32
    %jit3A_1057 = arith.constant 0 : i32
    %broadcast_in_dim3A_1058 = vector.broadcast %jit3A_1056 : i32 to vector<80x128xi32>
    %broadcast_in_dim3A_1059 = vector.broadcast %jit3A_1057 : i32 to vector<80x128xi32>
    %select_n3A_1060 = arith.select %and3A_1055, %broadcast_in_dim3A_1058, %broadcast_in_dim3A_1059 : vector<80x128xi1>, vector<80x128xi32>
    %reduce_sum3A_1061 = vector.shape_cast %select_n3A_1060 : vector<80x128xi32> to vector<1x80x128xi32>
    %reduce_sum3A_1062 = arith.constant dense<0> : vector<1xi32>
    %reduce_sum3A_1063 = vector.multi_reduction <add>, %reduce_sum3A_1061, %reduce_sum3A_1062 [1, 2] : vector<1x80x128xi32> to vector<1xi32>
    %reduce_sum3A_1064 = vector.shape_cast %reduce_sum3A_1063 : vector<1xi32> to vector<1x1x1xi32>
    %reduce_sum3A_1065 = vector.extract %reduce_sum3A_1064[0, 0, 0] : i32 from vector<1x1x1xi32>
    %lt3A_1066 = arith.constant 5001 : i32
    %lt3A_1067 = arith.cmpi slt, %reduce_sum3A_1065, %lt3A_1066 : i32
    %select_n3A_1068 = arith.select %lt3A_1067, %add3A_1052, %select_n3A_1050 : i32
    %add3A_1069 = arith.constant 4 : i32
    %add3A_1070 = arith.addi %select_n3A_1068, %add3A_1069 : i32
    %lt3A_1071 = vector.broadcast %add3A_1070 : i32 to vector<80x128xi32>
    %lt3A_1072 = arith.cmpi slt, %bitcast_convert_type3A, %lt3A_1071 : vector<80x128xi32>
    %and3A_1073 = arith.andi %lt3A_1072, %lt3A_6 : vector<80x128xi1>
    %jit3A_1074 = arith.constant 1 : i32
    %jit3A_1075 = arith.constant 0 : i32
    %broadcast_in_dim3A_1076 = vector.broadcast %jit3A_1074 : i32 to vector<80x128xi32>
    %broadcast_in_dim3A_1077 = vector.broadcast %jit3A_1075 : i32 to vector<80x128xi32>
    %select_n3A_1078 = arith.select %and3A_1073, %broadcast_in_dim3A_1076, %broadcast_in_dim3A_1077 : vector<80x128xi1>, vector<80x128xi32>
    %reduce_sum3A_1079 = vector.shape_cast %select_n3A_1078 : vector<80x128xi32> to vector<1x80x128xi32>
    %reduce_sum3A_1080 = arith.constant dense<0> : vector<1xi32>
    %reduce_sum3A_1081 = vector.multi_reduction <add>, %reduce_sum3A_1079, %reduce_sum3A_1080 [1, 2] : vector<1x80x128xi32> to vector<1xi32>
    %reduce_sum3A_1082 = vector.shape_cast %reduce_sum3A_1081 : vector<1xi32> to vector<1x1x1xi32>
    %reduce_sum3A_1083 = vector.extract %reduce_sum3A_1082[0, 0, 0] : i32 from vector<1x1x1xi32>
    %lt3A_1084 = arith.constant 5001 : i32
    %lt3A_1085 = arith.cmpi slt, %reduce_sum3A_1083, %lt3A_1084 : i32
    %select_n3A_1086 = arith.select %lt3A_1085, %add3A_1070, %select_n3A_1068 : i32
    %add3A_1087 = arith.constant 2 : i32
    %add3A_1088 = arith.addi %select_n3A_1086, %add3A_1087 : i32
    %lt3A_1089 = vector.broadcast %add3A_1088 : i32 to vector<80x128xi32>
    %lt3A_1090 = arith.cmpi slt, %bitcast_convert_type3A, %lt3A_1089 : vector<80x128xi32>
    %and3A_1091 = arith.andi %lt3A_1090, %lt3A_6 : vector<80x128xi1>
    %jit3A_1092 = arith.constant 1 : i32
    %jit3A_1093 = arith.constant 0 : i32
    %broadcast_in_dim3A_1094 = vector.broadcast %jit3A_1092 : i32 to vector<80x128xi32>
    %broadcast_in_dim3A_1095 = vector.broadcast %jit3A_1093 : i32 to vector<80x128xi32>
    %select_n3A_1096 = arith.select %and3A_1091, %broadcast_in_dim3A_1094, %broadcast_in_dim3A_1095 : vector<80x128xi1>, vector<80x128xi32>
    %reduce_sum3A_1097 = vector.shape_cast %select_n3A_1096 : vector<80x128xi32> to vector<1x80x128xi32>
    %reduce_sum3A_1098 = arith.constant dense<0> : vector<1xi32>
    %reduce_sum3A_1099 = vector.multi_reduction <add>, %reduce_sum3A_1097, %reduce_sum3A_1098 [1, 2] : vector<1x80x128xi32> to vector<1xi32>
    %reduce_sum3A_1100 = vector.shape_cast %reduce_sum3A_1099 : vector<1xi32> to vector<1x1x1xi32>
    %reduce_sum3A_1101 = vector.extract %reduce_sum3A_1100[0, 0, 0] : i32 from vector<1x1x1xi32>
    %lt3A_1102 = arith.constant 5001 : i32
    %lt3A_1103 = arith.cmpi slt, %reduce_sum3A_1101, %lt3A_1102 : i32
    %select_n3A_1104 = arith.select %lt3A_1103, %add3A_1088, %select_n3A_1086 : i32
    %add3A_1105 = arith.constant 1 : i32
    %add3A_1106 = arith.addi %select_n3A_1104, %add3A_1105 : i32
    %lt3A_1107 = vector.broadcast %add3A_1106 : i32 to vector<80x128xi32>
    %lt3A_1108 = arith.cmpi slt, %bitcast_convert_type3A, %lt3A_1107 : vector<80x128xi32>
    %and3A_1109 = arith.andi %lt3A_1108, %lt3A_6 : vector<80x128xi1>
    %jit3A_1110 = arith.constant 1 : i32
    %jit3A_1111 = arith.constant 0 : i32
    %broadcast_in_dim3A_1112 = vector.broadcast %jit3A_1110 : i32 to vector<80x128xi32>
    %broadcast_in_dim3A_1113 = vector.broadcast %jit3A_1111 : i32 to vector<80x128xi32>
    %select_n3A_1114 = arith.select %and3A_1109, %broadcast_in_dim3A_1112, %broadcast_in_dim3A_1113 : vector<80x128xi1>, vector<80x128xi32>
    %reduce_sum3A_1115 = vector.shape_cast %select_n3A_1114 : vector<80x128xi32> to vector<1x80x128xi32>
    %reduce_sum3A_1116 = arith.constant dense<0> : vector<1xi32>
    %reduce_sum3A_1117 = vector.multi_reduction <add>, %reduce_sum3A_1115, %reduce_sum3A_1116 [1, 2] : vector<1x80x128xi32> to vector<1xi32>
    %reduce_sum3A_1118 = vector.shape_cast %reduce_sum3A_1117 : vector<1xi32> to vector<1x1x1xi32>
    %reduce_sum3A_1119 = vector.extract %reduce_sum3A_1118[0, 0, 0] : i32 from vector<1x1x1xi32>
    %lt3A_1120 = arith.constant 5001 : i32
    %lt3A_1121 = arith.cmpi slt, %reduce_sum3A_1119, %lt3A_1120 : i32
    %select_n3A_1122 = arith.select %lt3A_1121, %add3A_1106, %select_n3A_1104 : i32
    %bitcast_convert_type3A_1123 = arith.bitcast %select_n3A_1122 : i32 to f32
    %add3A_1124 = arith.addf %bitcast_convert_type3A_562, %bitcast_convert_type3A_1123 : f32
    %mul3A_1125 = arith.constant 5.000000e-01 : f32
    %mul3A_1126 = arith.mulf %add3A_1124, %mul3A_1125 : f32
    %convert_element_type3A = arith.extui %lt3A_6 : vector<80x128xi1> to vector<80x128xi32>
    %convert_element_type3A_1127 = arith.sitofp %convert_element_type3A : vector<80x128xi32> to vector<80x128xf32>
    %mul3A_1128 = arith.mulf %get3A_1, %convert_element_type3A_1127 : vector<80x128xf32>
    %reduce_sum3A_1129 = vector.shape_cast %mul3A_1128 : vector<80x128xf32> to vector<1x80x128xf32>
    %reduce_sum3A_1130 = arith.constant dense<0.000000e+00> : vector<1xf32>
    %reduce_sum3A_1131 = vector.multi_reduction <add>, %reduce_sum3A_1129, %reduce_sum3A_1130 [1, 2] : vector<1x80x128xf32> to vector<1xf32>
    %reduce_sum3A_1132 = vector.shape_cast %reduce_sum3A_1131 : vector<1xf32> to vector<1x1x1xf32>
    %reduce_sum3A_1133 = vector.extract %reduce_sum3A_1132[0, 0, 0] : f32 from vector<1x1x1xf32>
    %mul3A_1134 = arith.constant 9.99999974E-5 : f32
    %mul3A_1135 = arith.mulf %reduce_sum3A_1133, %mul3A_1134 : f32
    %sub3A = vector.broadcast %mul3A_1135 : f32 to vector<80x128xf32>
    %sub3A_1136 = arith.subf %get3A_1, %sub3A : vector<80x128xf32>
    %sub3A_1137 = vector.broadcast %mul3A_1135 : f32 to vector<80x128xf32>
    %sub3A_1138 = arith.subf %get3A_1, %sub3A_1137 : vector<80x128xf32>
    %mul3A_1139 = arith.mulf %sub3A_1136, %sub3A_1138 : vector<80x128xf32>
    %jit3A_1140 = arith.constant 0.000000e+00 : f32
    %broadcast_in_dim3A_1141 = vector.broadcast %jit3A_1140 : f32 to vector<80x128xf32>
    %select_n3A_1142 = arith.select %lt3A_6, %mul3A_1139, %broadcast_in_dim3A_1141 : vector<80x128xi1>, vector<80x128xf32>
    %reduce_sum3A_1143 = vector.shape_cast %select_n3A_1142 : vector<80x128xf32> to vector<1x80x128xf32>
    %reduce_sum3A_1144 = arith.constant dense<0.000000e+00> : vector<1xf32>
    %reduce_sum3A_1145 = vector.multi_reduction <add>, %reduce_sum3A_1143, %reduce_sum3A_1144 [1, 2] : vector<1x80x128xf32> to vector<1xf32>
    %reduce_sum3A_1146 = vector.shape_cast %reduce_sum3A_1145 : vector<1xf32> to vector<1x1x1xf32>
    %reduce_sum3A_1147 = vector.extract %reduce_sum3A_1146[0, 0, 0] : f32 from vector<1x1x1xf32>
    %mul3A_1148 = arith.constant 1.000100e-04 : f32
    %mul3A_1149 = arith.mulf %reduce_sum3A_1147, %mul3A_1148 : f32
    %sqrt3A = math.sqrt %mul3A_1149 : f32
    %mul3A_1150 = arith.constant 2.000000e+00 : f32
    %mul3A_1151 = arith.mulf %sqrt3A, %mul3A_1150 : f32
    %add3A_1152 = arith.addf %mul3A_1126, %mul3A_1151 : f32
    %lt3A_1153 = vector.broadcast %add3A_1152 : f32 to vector<80x128xf32>
    %lt3A_1154 = arith.cmpf olt, %get3A_1, %lt3A_1153 : vector<80x128xf32>
    %and3A_1155 = arith.andi %lt3A_1154, %lt3A_6 : vector<80x128xi1>
    %jit3A_1156 = arith.constant 1.000000e+00 : f32
    %jit3A_1157 = arith.constant 0.000000e+00 : f32
    %broadcast_in_dim3A_1158 = vector.broadcast %jit3A_1156 : f32 to vector<80x128xf32>
    %broadcast_in_dim3A_1159 = vector.broadcast %jit3A_1157 : f32 to vector<80x128xf32>
    %select_n3A_1160 = arith.select %and3A_1155, %broadcast_in_dim3A_1158, %broadcast_in_dim3A_1159 : vector<80x128xi1>, vector<80x128xf32>
    %get3A_1161 = arith.constant 0 : index
    %get3A_1162 = arith.constant 0 : index
    %get3A_1163 = arith.constant 0 : index
    %get3A_1164 = vector.load %arg1[%get3A_1161, %get3A_1162, %get3A_1163] : memref<6x80x128xf32, #tpu.memory_space<vmem>>, vector<1x80x128xf32>
    %get3A_1165 = vector.shape_cast %get3A_1164 : vector<1x80x128xf32> to vector<80x128xf32>
    %get3A_1166 = arith.constant 1 : index
    %get3A_1167 = arith.constant 0 : index
    %get3A_1168 = arith.constant 0 : index
    %get3A_1169 = vector.load %arg1[%get3A_1166, %get3A_1167, %get3A_1168] : memref<6x80x128xf32, #tpu.memory_space<vmem>>, vector<1x80x128xf32>
    %get3A_1170 = vector.shape_cast %get3A_1169 : vector<1x80x128xf32> to vector<80x128xf32>
    %get3A_1171 = arith.constant 2 : index
    %get3A_1172 = arith.constant 0 : index
    %get3A_1173 = arith.constant 0 : index
    %get3A_1174 = vector.load %arg1[%get3A_1171, %get3A_1172, %get3A_1173] : memref<6x80x128xf32, #tpu.memory_space<vmem>>, vector<1x80x128xf32>
    %get3A_1175 = vector.shape_cast %get3A_1174 : vector<1x80x128xf32> to vector<80x128xf32>
    %get3A_1176 = arith.constant 3 : index
    %get3A_1177 = arith.constant 0 : index
    %get3A_1178 = arith.constant 0 : index
    %get3A_1179 = vector.load %arg1[%get3A_1176, %get3A_1177, %get3A_1178] : memref<6x80x128xf32, #tpu.memory_space<vmem>>, vector<1x80x128xf32>
    %get3A_1180 = vector.shape_cast %get3A_1179 : vector<1x80x128xf32> to vector<80x128xf32>
    %get3A_1181 = arith.constant 4 : index
    %get3A_1182 = arith.constant 0 : index
    %get3A_1183 = arith.constant 0 : index
    %get3A_1184 = vector.load %arg1[%get3A_1181, %get3A_1182, %get3A_1183] : memref<6x80x128xf32, #tpu.memory_space<vmem>>, vector<1x80x128xf32>
    %get3A_1185 = vector.shape_cast %get3A_1184 : vector<1x80x128xf32> to vector<80x128xf32>
    %get3A_1186 = arith.constant 5 : index
    %get3A_1187 = arith.constant 0 : index
    %get3A_1188 = arith.constant 0 : index
    %get3A_1189 = vector.load %arg1[%get3A_1186, %get3A_1187, %get3A_1188] : memref<6x80x128xf32, #tpu.memory_space<vmem>>, vector<1x80x128xf32>
    %get3A_1190 = vector.shape_cast %get3A_1189 : vector<1x80x128xf32> to vector<80x128xf32>
    %get3A_1191 = arith.constant 0 : index
    %get3A_1192 = arith.constant 0 : index
    %get3A_1193 = vector.load %arg2[%get3A_1191, %get3A_1192] : memref<1x128xf32, #tpu.memory_space<vmem>>, vector<1x128xf32>
    %slice3A = vector.extract_strided_slice %get3A_1193 {offsets = [0, 0], sizes = [1, 1], strides = [1, 1]} : vector<1x128xf32> to vector<1x1xf32>
    %squeeze3A = vector.extract %slice3A[0, 0] : f32 from vector<1x1xf32>
    %slice3A_1194 = vector.extract_strided_slice %get3A_1193 {offsets = [0, 1], sizes = [1, 1], strides = [1, 1]} : vector<1x128xf32> to vector<1x1xf32>
    %squeeze3A_1195 = vector.extract %slice3A_1194[0, 0] : f32 from vector<1x1xf32>
    %slice3A_1196 = vector.extract_strided_slice %get3A_1193 {offsets = [0, 2], sizes = [1, 1], strides = [1, 1]} : vector<1x128xf32> to vector<1x1xf32>
    %squeeze3A_1197 = vector.extract %slice3A_1196[0, 0] : f32 from vector<1x1xf32>
    %slice3A_1198 = vector.extract_strided_slice %get3A_1193 {offsets = [0, 3], sizes = [1, 1], strides = [1, 1]} : vector<1x128xf32> to vector<1x1xf32>
    %squeeze3A_1199 = vector.extract %slice3A_1198[0, 0] : f32 from vector<1x1xf32>
    %abs3A = math.absf %get3A_1175 : vector<80x128xf32>
    %lt3A_1200 = arith.constant 9.99999993E-9 : f32
    %lt3A_1201 = vector.broadcast %lt3A_1200 : f32 to vector<80x128xf32>
    %lt3A_1202 = arith.cmpf olt, %abs3A, %lt3A_1201 : vector<80x128xf32>
    %jit3A_1203 = arith.constant 9.99999993E-9 : f32
    %broadcast_in_dim3A_1204 = vector.broadcast %jit3A_1203 : f32 to vector<80x128xf32>
    %select_n3A_1205 = arith.select %lt3A_1202, %broadcast_in_dim3A_1204, %get3A_1175 : vector<80x128xi1>, vector<80x128xf32>
    %mul3A_1206 = vector.broadcast %squeeze3A : f32 to vector<80x128xf32>
    %mul3A_1207 = arith.mulf %mul3A_1206, %get3A_1165 : vector<80x128xf32>
    %div3A = arith.divf %mul3A_1207, %select_n3A_1205 : vector<80x128xf32>
    %add3A_1208 = vector.broadcast %squeeze3A_1195 : f32 to vector<80x128xf32>
    %add3A_1209 = arith.addf %div3A, %add3A_1208 : vector<80x128xf32>
    %mul3A_1210 = vector.broadcast %squeeze3A_1197 : f32 to vector<80x128xf32>
    %mul3A_1211 = arith.mulf %mul3A_1210, %get3A_1170 : vector<80x128xf32>
    %div3A_1212 = arith.divf %mul3A_1211, %select_n3A_1205 : vector<80x128xf32>
    %add3A_1213 = vector.broadcast %squeeze3A_1199 : f32 to vector<80x128xf32>
    %add3A_1214 = arith.addf %div3A_1212, %add3A_1213 : vector<80x128xf32>
    %gt3A = arith.constant 9.99999997E-7 : f32
    %gt3A_1215 = vector.broadcast %gt3A : f32 to vector<80x128xf32>
    %gt3A_1216 = arith.cmpf ogt, %get3A_1175, %gt3A_1215 : vector<80x128xf32>
    %ge3A = arith.constant 0.000000e+00 : f32
    %ge3A_1217 = vector.broadcast %ge3A : f32 to vector<80x128xf32>
    %ge3A_1218 = arith.cmpf oge, %add3A_1209, %ge3A_1217 : vector<80x128xf32>
    %and3A_1219 = arith.andi %gt3A_1216, %ge3A_1218 : vector<80x128xi1>
    %lt3A_1220 = arith.constant 3.840000e+02 : f32
    %lt3A_1221 = vector.broadcast %lt3A_1220 : f32 to vector<80x128xf32>
    %lt3A_1222 = arith.cmpf olt, %add3A_1209, %lt3A_1221 : vector<80x128xf32>
    %and3A_1223 = arith.andi %and3A_1219, %lt3A_1222 : vector<80x128xi1>
    %ge3A_1224 = arith.constant 0.000000e+00 : f32
    %ge3A_1225 = vector.broadcast %ge3A_1224 : f32 to vector<80x128xf32>
    %ge3A_1226 = arith.cmpf oge, %add3A_1214, %ge3A_1225 : vector<80x128xf32>
    %and3A_1227 = arith.andi %and3A_1223, %ge3A_1226 : vector<80x128xi1>
    %lt3A_1228 = arith.constant 2.560000e+02 : f32
    %lt3A_1229 = vector.broadcast %lt3A_1228 : f32 to vector<80x128xf32>
    %lt3A_1230 = arith.cmpf olt, %add3A_1214, %lt3A_1229 : vector<80x128xf32>
    %and3A_1231 = arith.andi %and3A_1227, %lt3A_1230 : vector<80x128xi1>
    %add3A_1232 = arith.constant 5.000000e-01 : f32
    %add3A_1233 = vector.broadcast %add3A_1232 : f32 to vector<80x128xf32>
    %add3A_1234 = arith.addf %add3A_1209, %add3A_1233 : vector<80x128xf32>
    %floor3A = math.floor %add3A_1234 : vector<80x128xf32>
    %jit3A_1235 = arith.constant 0.000000e+00 : f32
    %jit3A_1236 = arith.constant 3.830000e+02 : f32
    %max3A = vector.broadcast %jit3A_1235 : f32 to vector<80x128xf32>
    %max3A_1237 = arith.maximumf %max3A, %floor3A : vector<80x128xf32>
    %min3A = vector.broadcast %jit3A_1236 : f32 to vector<80x128xf32>
    %min3A_1238 = arith.minimumf %min3A, %max3A_1237 : vector<80x128xf32>
    %add3A_1239 = arith.constant 5.000000e-01 : f32
    %add3A_1240 = vector.broadcast %add3A_1239 : f32 to vector<80x128xf32>
    %add3A_1241 = arith.addf %add3A_1214, %add3A_1240 : vector<80x128xf32>
    %floor3A_1242 = math.floor %add3A_1241 : vector<80x128xf32>
    %jit3A_1243 = arith.constant 0.000000e+00 : f32
    %jit3A_1244 = arith.constant 2.550000e+02 : f32
    %max3A_1245 = vector.broadcast %jit3A_1243 : f32 to vector<80x128xf32>
    %max3A_1246 = arith.maximumf %max3A_1245, %floor3A_1242 : vector<80x128xf32>
    %min3A_1247 = vector.broadcast %jit3A_1244 : f32 to vector<80x128xf32>
    %min3A_1248 = arith.minimumf %min3A_1247, %max3A_1246 : vector<80x128xf32>
    %sub3A_1249 = arith.subf %add3A_1209, %min3A_1238 : vector<80x128xf32>
    %sub3A_1250 = arith.subf %add3A_1214, %min3A_1248 : vector<80x128xf32>
    %mul3A_1251 = arith.mulf %sub3A_1249, %sub3A_1249 : vector<80x128xf32>
    %mul3A_1252 = arith.mulf %sub3A_1250, %sub3A_1250 : vector<80x128xf32>
    %add3A_1253 = arith.addf %mul3A_1251, %mul3A_1252 : vector<80x128xf32>
    %div3A_1254 = arith.constant 3.686400e+00 : f32
    %div3A_1255 = vector.broadcast %div3A_1254 : f32 to vector<80x128xf32>
    %div3A_1256 = arith.divf %add3A_1253, %div3A_1255 : vector<80x128xf32>
    %sub3A_1257 = arith.constant 1.000000e+00 : f32
    %sub3A_1258 = vector.broadcast %sub3A_1257 : f32 to vector<80x128xf32>
    %sub3A_1259 = arith.subf %sub3A_1258, %div3A_1256 : vector<80x128xf32>
    %max3A_1260 = arith.constant 0.000000e+00 : f32
    %max3A_1261 = vector.broadcast %max3A_1260 : f32 to vector<80x128xf32>
    %max3A_1262 = arith.maximumf %sub3A_1259, %max3A_1261 : vector<80x128xf32>
    %convert_element_type3A_1263 = arith.extui %and3A_1231 : vector<80x128xi1> to vector<80x128xi32>
    %convert_element_type3A_1264 = arith.sitofp %convert_element_type3A_1263 : vector<80x128xi32> to vector<80x128xf32>
    %mul3A_1265 = arith.mulf %max3A_1262, %convert_element_type3A_1264 : vector<80x128xf32>
    %mul3A_1266 = arith.mulf %mul3A_1265, %select_n3A_1160 : vector<80x128xf32>
    %mul3A_1267 = arith.mulf %mul3A_1266, %get3A_1180 : vector<80x128xf32>
    %swap3A = arith.constant 0 : index
    %swap3A_1268 = arith.constant 0 : index
    %swap3A_1269 = arith.constant 0 : index
    %swap3A_1270 = vector.load %arg3[%swap3A, %swap3A_1268, %swap3A_1269] : memref<4x80x128xf32, #tpu.memory_space<vmem>>, vector<1x80x128xf32>
    %swap3A_1271 = vector.shape_cast %swap3A_1270 : vector<1x80x128xf32> to vector<80x128xf32>
    %swap3A_1272 = vector.shape_cast %mul3A_1267 : vector<80x128xf32> to vector<1x80x128xf32>
    tpu.vector_store %arg3[%swap3A, %swap3A_1268, %swap3A_1269], %swap3A_1272 {strides = array<i32>} : memref<4x80x128xf32, #tpu.memory_space<vmem>>, vector<1x80x128xf32>,
    %mul3A_1273 = arith.mulf %mul3A_1266, %get3A_1185 : vector<80x128xf32>
    %swap3A_1274 = arith.constant 1 : index
    %swap3A_1275 = arith.constant 0 : index
    %swap3A_1276 = arith.constant 0 : index
    %swap3A_1277 = vector.load %arg3[%swap3A_1274, %swap3A_1275, %swap3A_1276] : memref<4x80x128xf32, #tpu.memory_space<vmem>>, vector<1x80x128xf32>
    %swap3A_1278 = vector.shape_cast %swap3A_1277 : vector<1x80x128xf32> to vector<80x128xf32>
    %swap3A_1279 = vector.shape_cast %mul3A_1273 : vector<80x128xf32> to vector<1x80x128xf32>
    tpu.vector_store %arg3[%swap3A_1274, %swap3A_1275, %swap3A_1276], %swap3A_1279 {strides = array<i32>} : memref<4x80x128xf32, #tpu.memory_space<vmem>>, vector<1x80x128xf32>,
    %mul3A_1280 = arith.mulf %mul3A_1266, %get3A_1190 : vector<80x128xf32>
    %swap3A_1281 = arith.constant 2 : index
    %swap3A_1282 = arith.constant 0 : index
    %swap3A_1283 = arith.constant 0 : index
    %swap3A_1284 = vector.load %arg3[%swap3A_1281, %swap3A_1282, %swap3A_1283] : memref<4x80x128xf32, #tpu.memory_space<vmem>>, vector<1x80x128xf32>
    %swap3A_1285 = vector.shape_cast %swap3A_1284 : vector<1x80x128xf32> to vector<80x128xf32>
    %swap3A_1286 = vector.shape_cast %mul3A_1280 : vector<80x128xf32> to vector<1x80x128xf32>
    tpu.vector_store %arg3[%swap3A_1281, %swap3A_1282, %swap3A_1283], %swap3A_1286 {strides = array<i32>} : memref<4x80x128xf32, #tpu.memory_space<vmem>>, vector<1x80x128xf32>,
    %swap3A_1287 = arith.constant 3 : index
    %swap3A_1288 = arith.constant 0 : index
    %swap3A_1289 = arith.constant 0 : index
    %swap3A_1290 = vector.load %arg3[%swap3A_1287, %swap3A_1288, %swap3A_1289] : memref<4x80x128xf32, #tpu.memory_space<vmem>>, vector<1x80x128xf32>
    %swap3A_1291 = vector.shape_cast %swap3A_1290 : vector<1x80x128xf32> to vector<80x128xf32>
    %swap3A_1292 = vector.shape_cast %mul3A_1266 : vector<80x128xf32> to vector<1x80x128xf32>
    tpu.vector_store %arg3[%swap3A_1287, %swap3A_1288, %swap3A_1289], %swap3A_1292 {strides = array<i32>} : memref<4x80x128xf32, #tpu.memory_space<vmem>>, vector<1x80x128xf32>,
    %mul3A_1293 = arith.constant 3.840000e+02 : f32
    %mul3A_1294 = vector.broadcast %mul3A_1293 : f32 to vector<80x128xf32>
    %mul3A_1295 = arith.mulf %min3A_1248, %mul3A_1294 : vector<80x128xf32>
    %add3A_1296 = arith.addf %mul3A_1295, %min3A_1238 : vector<80x128xf32>
    %convert_element_type3A_1297 = arith.fptosi %add3A_1296 : vector<80x128xf32> to vector<80x128xi32>
    %swap3A_1298 = arith.constant 0 : index
    %swap3A_1299 = arith.constant 0 : index
    %swap3A_1300 = vector.load %arg4[%swap3A_1298, %swap3A_1299] : memref<80x128xi32, #tpu.memory_space<vmem>>, vector<80x128xi32>
    tpu.vector_store %arg4[%swap3A_1298, %swap3A_1299], %convert_element_type3A_1297 {strides = array<i32>} : memref<80x128xi32, #tpu.memory_space<vmem>>, vector<80x128xi32>,
    return
  }
}

</mosaic_0001>

<sc_bundles>
// kernel: kernel.5.cloned.1.call-start
scs
__scs_entry_jumppad:
0x0: {  	(pc) =	sbr.rel $0x88, $3  }
0x1: {  	(tag) =	ssettag $0x0;
	lr =	simm.s32 $0x1  }
0x2: {  	[smem:$0x3F9F] =	sst lr;
	_ =	strace $0xD0000000  }
0x3: {  	_ = 	snop  }
0x4: {  	_ = 	snop  }
0x5: {  	_ = 	snop  }
0x6: {  	_ = 	snop  }
0x7: {  	_ = 	snop  }
__scs_overlays_trampoline_lowered:
0x8: {  	[smem:$0x3FAE] =	sst s0  }
0x9: {  	[smem:$0x3FAF] =	sst s1  }
0xa: {  	[smem:$0x3FB0] =	sst s2  }
0xb: {  	[smem:$0x3FB1] =	sst s3  }
0xc: {  	[smem:$0x3FB2] =	sst s4  }
0xd: {  	[smem:$0x3FB3] =	sst s5  }
0xe: {  	[smem:$0x3FB4] =	sst s6  }
0xf: {  	[smem:$0x3FB5] =	sst s7  }
0x10: {  	[smem:$0x3FB6] =	sst s8  }
0x11: {  	[smem:$0x3FB7] =	sst s9;
	s0 =	simm.s32 @!p0 $0x0  }
0x12: {  	s1 =	sld [smem:$0x3F9D];
	s0 =	simm.s32 @p0 $0x1  }
0x13: {  	[smem:$0x3FB8] =	sst s0;
	s0 =	simm.s32 @!p1 $0x0  }
0x14: {  	s2 =	sld [smem:$0x3F9C];
	s0 =	simm.s32 @p1 $0x1  }
0x15: {  	[smem:$0x3FB9] =	sst s0;
	s0 =	simm.s32 @!p2 $0x0  }
0x16: {  	s3 =	sld [smem:$0x3FDB];
	s0 =	simm.s32 @p2 $0x1  }
0x17: {  	s4 =	simm.s32 $0x1BF5;
	[smem:$0x3FBB] =	sst s0  }
0x18: {  	s0 =	sld [smem:$0x3F9E];
	_ =	swait.ge [sflag:s4], $0x0  }
0x19: {  	s7 =	sld [smem:$0x3F9F]  }
0x1a: {  	s8 =	sadd.s32 $0xFFFFE003, lr  }
0x1b: {  	s9 =	sadd.s32 $0xFFFFFEF7, lr;
	s5 =	simm.s32 $0xFFFFFFFF;
	p2 =	slt.u32 s8, $0xFFFFF086  }
0x1c: {  	p1 =	slt.u32 s9, $0xF7A;
	s5 =	simm.s32 @!p2 $0x0  }
0x1d: {  	s5 =	simm.s32 @p1 $0x1;
	p0 =	seq.s32 s7, s2  }
0x1e: {  	s7 =	smul.u32 @!p0 $0xF7A, s2;
	p2 =	seq.s32 @!p0 s5, $0x0  }
0x1f: {  	s9 =	smul.u32 $0xF7A, s1;
	s8 =	simm.s32 @!p0 $0x1BF5;
	p2 =	por !p2, p0  }
0x20: {  	[sflag:s8] =	ssyncset.s32 @!p0 $0xFFFFF086;
	s6 =	sadd.s32 @!p0 s3, s7;
	s7 =	simm.s32 @!p0 $0x108  }
0x21: {  	s3 =	sadd.s32 s3, s9;
	s6 =	sadd.s32 @!p0 $0x88, s6;
	s7 =	simm.s32 @p2 $0x1082  }
0x22: {  	[simem:s7], [sflag:s8] =	dma.local @!p0 [hbm:s6], $0xF7A  }
0x23: {  	s9 =	sor.u32 $0xD0000000, s2;
	s6 =	simm.s32 $0x108;
	_ =	swait.ge @!p0 [sflag:s8], $0x0  }
0x24: {  	s3 =	sadd.s32 $0x88, s3;
	s6 =	simm.s32 @!p1 $0x1082;
	[sflag:s4] =	ssyncset.s32 $0xFFFFF086  }
0x25: {  	[simem:s6], [sflag:s4] =	dma.local [hbm:s3], $0xF7A  }
0x26: {  	[smem:$0x3F9F] =	sst s1;
	(tag) =	ssettag s2;
	_ =	strace s9  }
0x27: {  	s1 =	sld [smem:$0x3FAF]  }
0x28: {  	s2 =	sld [smem:$0x3FB0]  }
0x29: {  	s4 =	sld [smem:$0x3FB2]  }
0x2a: {  	p0 =	seq.s32 s5, $0x0;
	s5 =	sld [smem:$0x3FB3]  }
0x2b: {  	s6 =	sld [smem:$0x3FB4]  }
0x2c: {  	s7 =	sld [smem:$0x3FB5]  }
0x2d: {  	s3 =	simm.s32 $0x108;
	s8 =	sld [smem:$0x3FB6]  }
0x2e: {  	s3 =	simm.s32 @!p0 $0x1082;
	s9 =	sld [smem:$0x3FB7]  }
0x2f: {  	lr =	sadd.s32 s0, s3;
	s0 =	sld [smem:$0x3FAE]  }
0x30: {  	s3 =	sld [smem:$0x3FB1]  }
0x31: {  	[smem:$0x3FBA] =	sst s10  }
0x32: {  	s10 =	sld [smem:$0x3FB8];
	_ =	sdelay $0x3  }
0x33: {  	p0 =	seq.s32 s10, $0x1;
	s10 =	sld [smem:$0x3FBA];
	_ =	sdelay $0x3  }
0x34: {  	[smem:$0x3FBA] =	sst s10  }
0x35: {  	s10 =	sld [smem:$0x3FB9];
	_ =	sdelay $0x3  }
0x36: {  	p1 =	seq.s32 s10, $0x1;
	s10 =	sld [smem:$0x3FBA];
	_ =	sdelay $0x3  }
0x37: {  	[smem:$0x3FBA] =	sst s10  }
0x38: {  	s10 =	sld [smem:$0x3FBB]  }
0x39: {  	_ = 	snop;
	(pc) =	sbr.ind lr, $3  }
0x3a: {  	_ = 	snop  }
0x3b: {  	_ = 	snop  }
0x3c: {  	p2 =	seq.s32 s10, $0x1;
	s10 =	sld [smem:$0x3FBA]  }
0x3d: {  	_ =	shalt  }
0x3e: {  	_ =	shalt  }
0x3f: {  	_ =	shalt  }
0x40: {  	_ =	shalt  }
0x41: {  	_ =	shalt  }
0x42: {  	_ =	shalt  }
0x43: {  	_ =	shalt  }
0x44: {  	_ =	shalt  }
0x45: {  	_ =	shalt  }
0x46: {  	_ =	shalt  }
0x47: {  	_ =	shalt  }
0x48: {  	_ =	shalt  }
0x49: {  	_ =	shalt  }
0x4a: {  	_ =	shalt  }
0x4b: {  	_ =	shalt  }
0x4c: {  	_ =	shalt  }
0x4d: {  	_ =	shalt  }
0x4e: {  	_ =	shalt  }
0x4f: {  	_ =	shalt  }
0x50: {  	_ =	shalt  }
0x51: {  	_ =	shalt  }
0x52: {  	_ =	shalt  }
0x53: {  	_ =	shalt  }
0x54: {  	_ =	shalt  }
0x55: {  	_ =	shalt  }
0x56: {  	_ =	shalt  }
0x57: {  	_ =	shalt  }
0x58: {  	_ =	shalt  }
0x59: {  	_ =	shalt  }
0x5a: {  	_ =	shalt  }
0x5b: {  	_ =	shalt  }
0x5c: {  	_ =	shalt  }
0x5d: {  	_ =	shalt  }
0x5e: {  	_ =	shalt  }
0x5f: {  	_ =	shalt  }
0x60: {  	_ =	shalt  }
0x61: {  	_ =	shalt  }
0x62: {  	_ =	shalt  }
0x63: {  	_ =	shalt  }
0x64: {  	_ =	shalt  }
0x65: {  	_ =	shalt  }
0x66: {  	_ =	shalt  }
0x67: {  	_ =	shalt  }
0x68: {  	_ =	shalt  }
0x69: {  	_ =	shalt  }
0x6a: {  	_ =	shalt  }
0x6b: {  	_ =	shalt  }
0x6c: {  	_ =	shalt  }
0x6d: {  	_ =	shalt  }
0x6e: {  	_ =	shalt  }
0x6f: {  	_ =	shalt  }
0x70: {  	_ =	shalt  }
0x71: {  	_ =	shalt  }
0x72: {  	_ =	shalt  }
0x73: {  	_ =	shalt  }
0x74: {  	_ =	shalt  }
0x75: {  	_ =	shalt  }
0x76: {  	_ =	shalt  }
0x77: {  	_ =	shalt  }
0x78: {  	_ =	shalt  }
0x79: {  	_ =	shalt  }
0x7a: {  	_ =	shalt  }
0x7b: {  	_ =	shalt  }
0x7c: {  	_ =	shalt  }
0x7d: {  	_ =	shalt  }
0x7e: {  	_ =	shalt  }
0x7f: {  	_ =	shalt  }
0x80: {  	_ =	shalt  }
0x81: {  	_ =	shalt  }
0x82: {  	_ =	shalt  }
0x83: {  	_ =	shalt  }
0x84: {  	_ =	shalt  }
0x85: {  	_ =	shalt  }
0x86: {  	_ =	shalt  }
0x87: {  	_ =	shalt  }
.Lfunc_end0:
.L_simem_size_0:
called_computation_lowered:
.L_overlay_start_0:
0x88: {  	s0 =	sld [smem:$0x3FD9]  }
0x89: {  	s1 =	sld [smem:$0x3FFE];
	_ =	sdelay $0x3  }
0x8a: {  	s0 =	sadd.s32 s1, s0  }
0x8b: {  	[smem:$0x3FC6] =	sst s0  }
0x8c: {  	_ = 	snop  }
0x8d: {  	s0 =	sld [smem:$0x3FD0];
	_ =	sdelay $0x2  }
0x8e: {  	s13 =	simm.s32 $0xA;
	s2 =	simm.s32 $0x10  }
0x8f: {  	[smem:s2], [sflag:s13] =	dma.local [hbm:s0], $0x1  }
0x90: {  	_ =	swait.eq [sflag:s13], $0x1  }
0x91: {  	[sflag:s13] =	ssyncset.done $0x0  }
0x92: {  	s14 =	sld [smem:$0x10];
	[sflag:s13] =	ssyncadd.s32 $0xFFFFFFFF  }
0x93: {  	s15 =	sld [smem:$0x11];
	(tm) =	ssettm $0x1  }
0x94: {  	s16 =	sld [smem:$0x3FFB];
	_ =	sdelay $0x3  }
0x95: {  	_ =	strace s16  }
0x96: {  	s2 =	sld [smem:$0x3FFC];
	_ =	sdelay $0x3  }
0x97: {  	_ =	strace s2  }
0x98: {  	s2 =	sld [smem:$0x3FFD];
	_ =	sdelay $0x3  }
0x99: {  	_ =	strace s2  }
0x9a: {  	_ =	strace $0x8FFFFFFF  }
0x9b: {  	s17 =	sld [smem:$0x3FDB];
	_ =	sdelay $0x1  }
0x9c: {  	s3 =	simm.s32 $_scs_section_size  }
0x9d: {  	s4 =	simm.s32 $_size__tile_overlayer_lowered;
	s5 =	simm.s32 $_tile_overlayer_lowered  }
0x9e: {  	s20 =	simm.s32 $0x1BFF;
	s19 =	sshll.u32 s5, $0x1;
	s2 =	sadd.s32 s3, s17  }
0x9f: {  	s6 =	simm.s32 $0x0;
	s18 =	sshll.u32 s4, $0x1;
	s4 =	sadd.s32 s19, s2  }
0xa0: {  	[timem:s6], [sflag:s20] =	dma.local [hbm:s4], s18  }
0xa1: {  	_ =	swait.ge [sflag:s20], s18  }
0xa2: {  	s3 =	ssub.s32 $0x0, s18;
	[sflag:s20] =	ssyncset.done $0x0  }
0xa3: {  	[sflag:s20] =	ssyncadd.s32 s3;
	_ =	sdelay $0x1  }
0xa4: {  	s21 =	simm.s32 $0x1B8B  }
0xa5: {  	_ =	swait.ge [sflag:s21], $0x1  }
0xa6: {  	[sflag:s21] =	ssyncset.done $0x0  }
0xa7: {  	s23 =	simm.s32 $0x1B8E;
	s22 =	sld [smem:$0x3FFE];
	[sflag:s21] =	ssyncadd.s32 $0xFFFFFFFF  }
0xa8: {  	s24 =	simm.s32 $execute0_lowered;
	[smem:$0x3FD2] =	sst s23  }
0xa9: {  	s4 =	sshll.u32 s24, $0x1;
	_ =	strace $0x80000046;
	[dreg:$0x1] =	wrdreg $0xFFFFFFFF  }
0xaa: {  	s25 =	simm.s32 $_size_execute0_lowered;
	s2 =	sadd.s32 s2, s4;
	[dreg:$0x0] =	wrdreg $0x0  }
0xab: {  	s4 =	sshll.u32 s25, $0x1;
	[dreg:$0x2] =	wrdreg s2  }
0xac: {  	[dreg:$0x3] =	wrdreg s4  }
0xad: {  	[dreg:$0x4] =	wrdreg $0xC0  }
0xae: {  	_ =	task [dreg:s6], $0x5FFFF  }
0xaf: {  	[dreg:$0x1] =	wrdreg $0xFFFFFFFF  }
0xb0: {  	[dreg:$0x0] =	wrdreg $0x60  }
0xb1: {  	[dreg:$0x2] =	wrdreg s15  }
0xb2: {  	[dreg:$0x3] =	wrdreg s14  }
0xb3: {  	[dreg:$0x4] =	wrdreg s22  }
0xb4: {  	[dreg:$0x5] =	wrdreg $0x78000  }
0xb5: {  	[dreg:$0x6] =	wrdreg $0x9  }
0xb6: {  	_ =	task.clear_ibuf [dreg:s6], $0x7FFFF;
	_ =	strace $0x90000046  }
0xb7: {  	s26 =	simm.s32 $0x9;
	_ =	strace $0x80000048  }
0xb8: {  	_ =	swait.ge [sflag:s26], $0x1  }
0xb9: {  	[sflag:s26] =	ssyncadd.s32 $0xFFFFFFFF  }
0xba: {  	_ =	strace $0x90000048  }
0xbb: {  	_ =	sfence  }
0xbc: {  	s28 =	sld [smem:$0x0];
	_ =	sdelay $0x1  }
0xbd: {  	s29 =	srdreg.scid  }
0xbe: {  	s30 =	sshll.u32 s29, $0xD;
	s31 =	sshrl.u32 s29, $0x2  }
0xbf: {  	s1 =	sand.u32 $0x1, s29;
	s2 =	sand.u32 $0x4000, s30;
	s0 =	sadd.s32 s31, s28  }
0xc0: {  	s1 =	sor.u32 s2, s1;
	s0 =	sshll.u32 s0, $0x11  }
0xc1: {  	s0 =	sor.u32 s0, s1  }
0xc2: {  	s0 =	sadd.s32 $0x8F2B, s0  }
0xc3: {  	[sflag:s0] =	ssyncadd.remote.s32 $0x1  }
0xc4: {  	_ =	sfence.sel $0xFFFF  }
0xc5: {  	[dreg:$0x0] =	wrdreg $0xFFFFFFFF;
	(pc) =	sbr.abs _section_cstart, $3  }
0xc6: {  	[dreg:$0x1] =	wrdreg $0xFFFFFFFF  }
0xc7: {  	_ =	task.clear_ibuf [dreg:s6], $0x2FFFF;
	_ =	strace $0x9FFFFFFF  }
0xc8: {  	(tm) =	ssettm $0x7FFFFFFF  }
0xc9: {  	_ =	shalt  }
tec
execute0_lowered:
.L_overlay_start_1:
0x0: {  	(tag) =	ssettag $0x1  }
0x1: {  	s6 =	rddreg [dreg:$0x0]  }
0x2: {  	s7 =	rddreg [dreg:$0x1]  }
0x3: {  	s2 =	rddreg [dreg:$0x2];
	s1 =	stileid.u32  }
0x4: {  	s4 =	rddreg [dreg:$0x3];
	s5 =	smul.u32 $0x6000, s1  }
0x5: {  	s0 =	rddreg [dreg:$0x4];
	s3 =	simm.s32 $0x0  }
0x6: {  	[smem:$0x7FF] =	sst s3;
	s9 =	sshll.u32 s1, $0x6;
	s8 =	sshrl.u32 s5, $0x3  }
0x7: {  	_ =	strace $0x80000047;
	s5 =	sadd.s32 s5, s4;
	s8 =	sadd.s32 s8, s2  }
0x8: {  	s9 =	sor.u32 $0x1C01, s9;
	s5 =	sshrl.u32 s5, $0x3;
	s8 =	sadd.s32 $0x1800, s8  }
0x9: {  	[spmem:s5], [sflag:s9] =	dma.local [hbm:s8], $0xC00  }
0xa: {  	s5 =	simm.s32 $0x1  }
0xb: {  	s9 =	smul.u32 $0x180, s1;
	_ =	swait.ge [sflag:s5], $0xC00  }
0xc: {  	[sflag:s5] =	ssyncset.done $0x0  }
0xd: {  	s6 =	sadd.s32 s6, s9;
	[sflag:s5] =	ssyncadd.s32 $0xFFFFF400  }
0xe: {  	[tilespmem:s3], [sflag:$0x1] =	stream.linear.gather [hbm4b:s6+s3], $0xC00, $0x38;
	[tilespmem:$0xD800] =	vst v63  }
0xf: {  	_ =	swait.ge [sflag:s5], $0xC00  }
0x10: {  	[sflag:s5] =	ssyncset.done $0x0  }
0x11: {  	s11 =	simm.s32 $0xC00;
	s10 =	sadd.s32 s7, s9;
	[sflag:s5] =	ssyncadd.s32 $0xFFFFF400  }
0x12: {  	[tilespmem:s11], [sflag:$0x1] =	stream.linear.gather [hbm4b:s10+s3], $0xC00, $0x38;
	[tilespmem:$0xD800] =	vst v63  }
0x13: {  	_ =	swait.ge [sflag:s5], $0xC00  }
0x14: {  	[sflag:s5] =	ssyncset.done $0x0  }
0x15: {  	[sflag:s5] =	ssyncadd.s32 $0xFFFFF400  }
0x16: {  	s6 =	simm.s32 $0x80;
	[bflag:$0x0] =	sbarrier.arrive $0xFFFF  }
0x17: {  	[spmem:s4] =	stream.indirect.scatter.add.f32 [tilespmem:s11], [sflag:$0x1], $0x1, s3, s6, $0xb8;
	[tilespmem:$0xD800] =	vst v63  }
0x18: {  	_ =	swait.ge [sflag:s5], $0x80  }
0x19: {  	[sflag:s5] =	ssyncset.done $0x0  }
0x1a: {  	s12 =	simm.s32 $0xC80;
	[sflag:s5] =	ssyncadd.s32 $0xFFFFFF80  }
0x1b: {  	[spmem:s4] =	stream.indirect.scatter.add.f32 [tilespmem:s12], [sflag:$0x1], $0x1, s6, s6, $0xb8;
	[tilespmem:$0xD800] =	vst v63  }
0x1c: {  	_ =	swait.ge [sflag:s5], $0x80  }
0x1d: {  	[sflag:s5] =	ssyncset.done $0x0  }
0x1e: {  	s13 =	simm.s32 $0x100;
	s14 =	simm.s32 $0xD00;
	[sflag:s5] =	ssyncadd.s32 $0xFFFFFF80  }
0x1f: {  	[spmem:s4] =	stream.indirect.scatter.add.f32 [tilespmem:s14], [sflag:$0x1], $0x1, s13, s6, $0xb8;
	[tilespmem:$0xD800] =	vst v63  }
0x20: {  	_ =	swait.ge [sflag:s5], $0x80  }
0x21: {  	[sflag:s5] =	ssyncset.done $0x0  }
0x22: {  	s15 =	simm.s32 $0x180;
	s16 =	simm.s32 $0xD80;
	[sflag:s5] =	ssyncadd.s32 $0xFFFFFF80  }
0x23: {  	[spmem:s4] =	stream.indirect.scatter.add.f32 [tilespmem:s16], [sflag:$0x1], $0x1, s15, s6, $0xb8;
	[tilespmem:$0xD800] =	vst v63  }
0x24: {  	_ =	swait.ge [sflag:s5], $0x80  }
0x25: {  	[sflag:s5] =	ssyncset.done $0x0  }
0x26: {  	s17 =	simm.s32 $0x200;
	s18 =	simm.s32 $0xE00;
	[sflag:s5] =	ssyncadd.s32 $0xFFFFFF80  }
0x27: {  	[spmem:s4] =	stream.indirect.scatter.add.f32 [tilespmem:s18], [sflag:$0x1], $0x1, s17, s6, $0xb8;
	[tilespmem:$0xD800] =	vst v63  }
0x28: {  	_ =	swait.ge [sflag:s5], $0x80  }
0x29: {  	[sflag:s5] =	ssyncset.done $0x0  }
0x2a: {  	s19 =	simm.s32 $0x280;
	s20 =	simm.s32 $0xE80;
	[sflag:s5] =	ssyncadd.s32 $0xFFFFFF80  }
0x2b: {  	[spmem:s4] =	stream.indirect.scatter.add.f32 [tilespmem:s20], [sflag:$0x1], $0x1, s19, s6, $0xb8;
	[tilespmem:$0xD800] =	vst v63  }
0x2c: {  	_ =	swait.ge [sflag:s5], $0x80  }
0x2d: {  	[sflag:s5] =	ssyncset.done $0x0  }
0x2e: {  	s21 =	simm.s32 $0x300;
	s22 =	simm.s32 $0xF00;
	[sflag:s5] =	ssyncadd.s32 $0xFFFFFF80  }
0x2f: {  	[spmem:s4] =	stream.indirect.scatter.add.f32 [tilespmem:s22], [sflag:$0x1], $0x1, s21, s6, $0xb8;
	[tilespmem:$0xD800] =	vst v63  }
0x30: {  	_ =	swait.ge [sflag:s5], $0x80  }
0x31: {  	[sflag:s5] =	ssyncset.done $0x0  }
0x32: {  	s23 =	simm.s32 $0x380;
	s24 =	simm.s32 $0xF80;
	[sflag:s5] =	ssyncadd.s32 $0xFFFFFF80  }
0x33: {  	[spmem:s4] =	stream.indirect.scatter.add.f32 [tilespmem:s24], [sflag:$0x1], $0x1, s23, s6, $0xb8;
	[tilespmem:$0xD800] =	vst v63  }
0x34: {  	_ =	swait.ge [sflag:s5], $0x80  }
0x35: {  	[sflag:s5] =	ssyncset.done $0x0  }
0x36: {  	s25 =	simm.s32 $0x400;
	s26 =	simm.s32 $0x1000;
	[sflag:s5] =	ssyncadd.s32 $0xFFFFFF80  }
0x37: {  	[spmem:s4] =	stream.indirect.scatter.add.f32 [tilespmem:s26], [sflag:$0x1], $0x1, s25, s6, $0xb8;
	[tilespmem:$0xD800] =	vst v63  }
0x38: {  	_ =	swait.ge [sflag:s5], $0x80  }
0x39: {  	[sflag:s5] =	ssyncset.done $0x0  }
0x3a: {  	s28 =	simm.s32 $0x480;
	s29 =	simm.s32 $0x1080;
	[sflag:s5] =	ssyncadd.s32 $0xFFFFFF80  }
0x3b: {  	[spmem:s4] =	stream.indirect.scatter.add.f32 [tilespmem:s29], [sflag:$0x1], $0x1, s28, s6, $0xb8;
	[tilespmem:$0xD800] =	vst v63  }
0x3c: {  	_ =	swait.ge [sflag:s5], $0x80  }
0x3d: {  	[sflag:s5] =	ssyncset.done $0x0  }
0x3e: {  	s30 =	simm.s32 $0x500;
	s31 =	simm.s32 $0x1100;
	[sflag:s5] =	ssyncadd.s32 $0xFFFFFF80  }
0x3f: {  	[spmem:s4] =	stream.indirect.scatter.add.f32 [tilespmem:s31], [sflag:$0x1], $0x1, s30, s6, $0xb8;
	[tilespmem:$0xD800] =	vst v63  }
0x40: {  	_ =	swait.ge [sflag:s5], $0x80  }
0x41: {  	[sflag:s5] =	ssyncset.done $0x0  }
0x42: {  	s8 =	simm.s32 $0x580;
	s9 =	simm.s32 $0x1180;
	[sflag:s5] =	ssyncadd.s32 $0xFFFFFF80  }
0x43: {  	[spmem:s4] =	stream.indirect.scatter.add.f32 [tilespmem:s9], [sflag:$0x1], $0x1, s8, s6, $0xb8;
	[tilespmem:$0xD800] =	vst v63  }
0x44: {  	_ =	swait.ge [sflag:s5], $0x80  }
0x45: {  	[sflag:s5] =	ssyncset.done $0x0  }
0x46: {  	s10 =	simm.s32 $0x600;
	s11 =	simm.s32 $0x1200;
	[sflag:s5] =	ssyncadd.s32 $0xFFFFFF80  }
0x47: {  	[spmem:s4] =	stream.indirect.scatter.add.f32 [tilespmem:s11], [sflag:$0x1], $0x1, s10, s6, $0xb8;
	[tilespmem:$0xD800] =	vst v63  }
0x48: {  	_ =	swait.ge [sflag:s5], $0x80  }
0x49: {  	[sflag:s5] =	ssyncset.done $0x0  }
0x4a: {  	s12 =	simm.s32 $0x680;
	s13 =	simm.s32 $0x1280;
	[sflag:s5] =	ssyncadd.s32 $0xFFFFFF80  }
0x4b: {  	[spmem:s4] =	stream.indirect.scatter.add.f32 [tilespmem:s13], [sflag:$0x1], $0x1, s12, s6, $0xb8;
	[tilespmem:$0xD800] =	vst v63  }
0x4c: {  	_ =	swait.ge [sflag:s5], $0x80  }
0x4d: {  	[sflag:s5] =	ssyncset.done $0x0  }
0x4e: {  	s14 =	simm.s32 $0x700;
	s15 =	simm.s32 $0x1300;
	[sflag:s5] =	ssyncadd.s32 $0xFFFFFF80  }
0x4f: {  	[spmem:s4] =	stream.indirect.scatter.add.f32 [tilespmem:s15], [sflag:$0x1], $0x1, s14, s6, $0xb8;
	[tilespmem:$0xD800] =	vst v63  }
0x50: {  	_ =	swait.ge [sflag:s5], $0x80  }
0x51: {  	[sflag:s5] =	ssyncset.done $0x0  }
0x52: {  	s16 =	simm.s32 $0x780;
	s17 =	simm.s32 $0x1380;
	[sflag:s5] =	ssyncadd.s32 $0xFFFFFF80  }
0x53: {  	[spmem:s4] =	stream.indirect.scatter.add.f32 [tilespmem:s17], [sflag:$0x1], $0x1, s16, s6, $0xb8;
	[tilespmem:$0xD800] =	vst v63  }
0x54: {  	_ =	swait.ge [sflag:s5], $0x80  }
0x55: {  	[sflag:s5] =	ssyncset.done $0x0  }
0x56: {  	s18 =	simm.s32 $0x800;
	s19 =	simm.s32 $0x1400;
	[sflag:s5] =	ssyncadd.s32 $0xFFFFFF80  }
0x57: {  	[spmem:s4] =	stream.indirect.scatter.add.f32 [tilespmem:s19], [sflag:$0x1], $0x1, s18, s6, $0xb8;
	[tilespmem:$0xD800] =	vst v63  }
0x58: {  	_ =	swait.ge [sflag:s5], $0x80  }
0x59: {  	[sflag:s5] =	ssyncset.done $0x0  }
0x5a: {  	s20 =	simm.s32 $0x880;
	s21 =	simm.s32 $0x1480;
	[sflag:s5] =	ssyncadd.s32 $0xFFFFFF80  }
0x5b: {  	[spmem:s4] =	stream.indirect.scatter.add.f32 [tilespmem:s21], [sflag:$0x1], $0x1, s20, s6, $0xb8;
	[tilespmem:$0xD800] =	vst v63  }
0x5c: {  	_ =	swait.ge [sflag:s5], $0x80  }
0x5d: {  	[sflag:s5] =	ssyncset.done $0x0  }
0x5e: {  	s22 =	simm.s32 $0x900;
	s23 =	simm.s32 $0x1500;
	[sflag:s5] =	ssyncadd.s32 $0xFFFFFF80  }
0x5f: {  	[spmem:s4] =	stream.indirect.scatter.add.f32 [tilespmem:s23], [sflag:$0x1], $0x1, s22, s6, $0xb8;
	[tilespmem:$0xD800] =	vst v63  }
0x60: {  	_ =	swait.ge [sflag:s5], $0x80  }
0x61: {  	[sflag:s5] =	ssyncset.done $0x0  }
0x62: {  	s24 =	simm.s32 $0x980;
	s25 =	simm.s32 $0x1580;
	[sflag:s5] =	ssyncadd.s32 $0xFFFFFF80  }
0x63: {  	[spmem:s4] =	stream.indirect.scatter.add.f32 [tilespmem:s25], [sflag:$0x1], $0x1, s24, s6, $0xb8;
	[tilespmem:$0xD800] =	vst v63  }
0x64: {  	_ =	swait.ge [sflag:s5], $0x80  }
0x65: {  	s6 =	smul.u32 $0x1800, s1;
	[sflag:s5] =	ssyncset.done $0x0  }
0x66: {  	[sflag:s5] =	ssyncadd.s32 $0xFFFFFF80  }
0x67: {  	s10 =	simm.s32 $0x1800;
	s26 =	sadd.s32 s6, s4;
	[bflag:$0x0] =	sbarrier.arrive $0xFFFF  }
0x68: {  	[tilespmem:s10], [sflag:$0x1] =	stream.linear.gather [spmem:s26], $0x1800, $0x38;
	[tilespmem:$0xD800] =	vst v63  }
0x69: {  	_ =	swait.ge [sflag:s5], $0x1800  }
0x6a: {  	s7 =	sadd.s32 $0x18000, s6;
	[sflag:s5] =	ssyncset.done $0x0  }
0x6b: {  	s29 =	simm.s32 $0x3000;
	s28 =	sadd.s32 s7, s4;
	[sflag:s5] =	ssyncadd.s32 $0xFFFFE800  }
0x6c: {  	[tilespmem:s29], [sflag:$0x1] =	stream.linear.gather [spmem:s28], $0x1800, $0x38;
	[tilespmem:$0xD800] =	vst v63  }
0x6d: {  	_ =	swait.ge [sflag:s5], $0x1800  }
0x6e: {  	s8 =	sadd.s32 $0x30000, s6;
	[sflag:s5] =	ssyncset.done $0x0  }
0x6f: {  	s11 =	simm.s32 $0x4800;
	s30 =	sadd.s32 s8, s4;
	[sflag:s5] =	ssyncadd.s32 $0xFFFFE800  }
0x70: {  	[tilespmem:s11], [sflag:$0x1] =	stream.linear.gather [spmem:s30], $0x1800, $0x38;
	[tilespmem:$0xD800] =	vst v63  }
0x71: {  	_ =	swait.ge [sflag:s5], $0x1800  }
0x72: {  	s9 =	sadd.s32 $0x48000, s6;
	[sflag:s5] =	ssyncset.done $0x0  }
0x73: {  	s31 =	simm.s32 $0x6000;
	s4 =	sadd.s32 s9, s4;
	[sflag:s5] =	ssyncadd.s32 $0xFFFFE800  }
0x74: {  	[tilespmem:s31], [sflag:$0x1] =	stream.linear.gather [spmem:s4], $0x1800, $0x38;
	[tilespmem:$0xD800] =	vst v63  }
0x75: {  	_ =	swait.ge [sflag:s5], $0x1800  }
0x76: {  	[sflag:s5] =	ssyncset.done $0x0  }
0x77: {  	s3 =	sand.u32 $0x1FF0, s3;
	[sflag:s5] =	ssyncadd.s32 $0xFFFFE800  }
0x78: {  	v1 =	vld [tilespmem:s3+$0x6000];
	_ =	sdelay $0x4  }
0x79: {  	v2 =	vmax.f32 v1, $9.999999930e-09  }
0x7a: {  	(erf) = vrcp.f32 v2;
	_ =	sdelay $0x4  }
0x7b: {  	vm0 =	vgt.f32 v1, $0.0e+00;
	v1 =	vld [tilespmem:s10+$0x0]  }
0x7c: {  	v0 =	vimm.f32 $0.0e+00;
	s2 =	sadd.s32 $0xD800, s2;
	s4 =	simm.s32 $0x10;
	s5 =	simm.s32 $0x20  }
.LBB2_1:
0x7d: {  	p0 =	sne.s32 s5, $0x17F0;
	_ =	sdelay $0x1  }
0x7e: {  	v2 =	vpop (erf)  }
0x7f: {  	v1 =	vmul.f32 v2, v1;
	_ =	sdelay $0x1  }
0x80: {  	[tilespmem:s10+$0x0] =	vst v1;
	v1 =	vsel vm0, $0x3F800000, v0  }
0x81: {  	s11 =	sand.u32 $0x1FF0, s4;
	s4 =	smov.u32 s5;
	v3 =	vld [tilespmem:s3+$0x3000];
	[tilespmem:s3+$0x6000] =	vst v1  }
0x82: {  	v1 =	vld [tilespmem:s11+$0x6000]  }
0x83: {  	v4 =	vld [tilespmem:s3+$0x4800];
	_ =	sdelay $0x2  }
0x84: {  	v3 =	vmul.f32 v3, v2  }
0x85: {  	v5 =	vmax.f32 v1, $9.999999930e-09;
	vm0 =	vgt.f32 v1, $0.0e+00  }
0x86: {  	(erf) = vrcp.f32 v5;
	[tilespmem:s3+$0x3000] =	vst v3;
	v1 =	vmul.f32 v4, v2;
	_ =	sdelay $0x1  }
.Ltmp0:
0x87: {  	[tilespmem:s3+$0x4800] =	vst v1;
	s3 =	smov.u32 s11;
	(pc) =	sbr.rel @p0 .LBB2_1-.Ltmp0, $4  }
0x88: {  	_ = 	snop  }
0x89: {  	s10 =	sadd.s32 $0x10, s10  }
0x8a: {  	v1 =	vld [tilespmem:s10+$0x0]  }
0x8b: {  	s5 =	sadd.s32 $0x10, s5  }
0x8c: {  	_ =	sdelay $0x1  }
0x8d: {  	v2 =	vpop (erf)  }
0x8e: {  	v1 =	vmul.f32 v2, v1;
	_ =	sdelay $0x1  }
0x8f: {  	v58 =	vsel vm0, $0x3F800000, v0;
	[tilespmem:s10+$0x0] =	vst v1  }
0x90: {  	s4 =	sand.u32 $0x1FF0, s4;
	[tilespmem:s3+$0x6000] =	vst v58  }
0x91: {  	v1 =	vld [tilespmem:s4+$0x6000];
	_ =	sdelay $0x1  }
0x92: {  	v3 =	vld [tilespmem:s3+$0x3000]  }
0x93: {  	v4 =	vld [tilespmem:s3+$0x4800];
	_ =	sdelay $0x1  }
0x94: {  	v5 =	vmax.f32 v1, $9.999999930e-09  }
0x95: {  	(erf) = vrcp.f32 v5  }
0x96: {  	v3 =	vmul.f32 v3, v2  }
0x97: {  	v2 =	vmul.f32 v4, v2  }
0x98: {  	[tilespmem:s3+$0x3000] =	vst v3  }
0x99: {  	s20 =	sadd.s32 $0x10, s10;
	[tilespmem:s3+$0x4800] =	vst v2  }
0x9a: {  	v2 =	vld [tilespmem:s20+$0x0];
	_ =	sdelay $0x3  }
0x9b: {  	v59 =	vpop (erf)  }
0x9c: {  	v2 =	vmul.f32 v59, v2;
	_ =	sdelay $0x1  }
0x9d: {  	[tilespmem:s20+$0x0] =	vst v2  }
0x9e: {  	v2 =	vld [tilespmem:s4+$0x3000]  }
0x9f: {  	v60 =	vld [tilespmem:s4+$0x4800];
	_ =	sdelay $0x2  }
0xa0: {  	vm15 =	vgt.f32 v1, $0.0e+00  }
0xa1: {  	v61 =	vsel vm15, $0x3F800000, v0;
	v62 =	vmul.f32 v2, v59  }
0xa2: {  	[tilespmem:s4+$0x6000] =	vst v61;
	v63 =	vmul.f32 v60, v59  }
0xa3: {  	s21 =	sshrl.u32 s6, $0x3;
	s22 =	simm.s32 $0x0;
	[tilespmem:s4+$0x3000] =	vst v62  }
0xa4: {  	s5 =	simm.s32 $0x1800;
	s23 =	simm.s32 $0x1;
	s3 =	sadd.s32 s2, s21;
	[tilespmem:s4+$0x4800] =	vst v63  }
0xa5: {  	[hbm4b:s3+s22] =	stream.linear.scatter [tilespmem:s5], [sflag:$0x1], $0x1800, $0x38;
	[tilespmem:$0xD800] =	vst v63  }
0xa6: {  	_ =	swait.ge [sflag:s23], $0x1800  }
0xa7: {  	s24 =	sshrl.u32 s7, $0x3;
	[sflag:s23] =	ssyncset.done $0x0  }
0xa8: {  	s25 =	simm.s32 $0x3000;
	s5 =	sadd.s32 s2, s24;
	[sflag:s23] =	ssyncadd.s32 $0xFFFFE800  }
0xa9: {  	[hbm4b:s5+s22] =	stream.linear.scatter [tilespmem:s25], [sflag:$0x1], $0x1800, $0x38;
	[tilespmem:$0xD800] =	vst v63  }
0xaa: {  	_ =	swait.ge [sflag:s23], $0x1800  }
0xab: {  	s26 =	sshrl.u32 s8, $0x3;
	[sflag:s23] =	ssyncset.done $0x0  }
0xac: {  	s28 =	simm.s32 $0x4800;
	s5 =	sadd.s32 s2, s26;
	[sflag:s23] =	ssyncadd.s32 $0xFFFFE800  }
0xad: {  	[hbm4b:s5+s22] =	stream.linear.scatter [tilespmem:s28], [sflag:$0x1], $0x1800, $0x38;
	[tilespmem:$0xD800] =	vst v63  }
0xae: {  	_ =	swait.ge [sflag:s23], $0x1800  }
0xaf: {  	s29 =	sshrl.u32 s9, $0x3;
	[sflag:s23] =	ssyncset.done $0x0  }
0xb0: {  	s31 =	simm.s32 $0x6000;
	s30 =	sadd.s32 s2, s29;
	[sflag:s23] =	ssyncadd.s32 $0xFFFFE800  }
0xb1: {  	[hbm4b:s30+s22] =	stream.linear.scatter [tilespmem:s31], [sflag:$0x1], $0x1800, $0x38;
	[tilespmem:$0xD800] =	vst v63  }
0xb2: {  	_ =	swait.ge [sflag:s23], $0x1800  }
0xb3: {  	[sflag:s23] =	ssyncset.done $0x0  }
0xb4: {  	[sflag:s23] =	ssyncadd.s32 $0xFFFFE800  }
0xb5: {  	_ =	sfence.sel $0x180000  }
0xb6: {  	[bflag:$0x0] =	sbarrier.arrive $0xFFFF  }
0xb7: {  	p0 =	sne.s32 s1, $0x0;
	_ =	strace $0x90000047  }
0xb8: {  	s0 =	sadd.s32 @!p0 $0x100000, s0;
	[bflag:$0x2] =	sbarrier.arrive $0xFFFF  }
0xb9: {  	[sflag:s0] =	ssyncadd.tile.s32 @!p0 $0x1;
	_ =	shalt  }
.Lfunc_end2:
_tile_overlayer_lowered:
.L_overlay_start_2:
0xba: {  	(tag) =	ssettag $0x2  }
0xbb: {  	s0 =	rddreg [dreg:$0x0];
	s2 =	stileid.u32  }
0xbc: {  	s1 =	rddreg [dreg:$0x1];
	p0 =	sne.s32 s2, $0x0  }
0xbd: {  	s3 =	rddreg [dreg:$0x2];
	[bflag:$0x3] =	sbarrier.arrive $0xFFFF;
	s2 =	simm.s32 @!p0 $0x1C01  }
0xbe: {  	[timem:s3], [sflag:s2] =	dma.local @!p0 [hbm:s0], s1  }
0xbf: {  	s0 =	simm.s32 @!p0 $0x1  }
0xc0: {  	_ =	swait.ge @!p0 [sflag:s0], s1  }
0xc1: {  	s1 =	ssub.s32 @!p0 $0x0, s1;
	[sflag:s0] =	ssyncset.done @!p0 $0x0  }
0xc2: {  	[sflag:s0] =	ssyncadd.s32 @!p0 s1  }
0xc3: {  	[bflag:$0x3] =	sbarrier.arrive $0xFFFF  }
0xc4: {  	_ =	shalt  }

</sc_bundles>
